<compile_context>
chip_gen: v7x
topology: tpu7x:2x2x1
jax: 0.10.2.dev20260603
libtpu: 0.0.44.dev20260713+nightly
codegen_flags: <defaults>
</compile_context>

<pallas_src>
import jax
import jax.numpy as jnp
from jax import lax
from jax.experimental import pallas as pl
from jax.experimental.pallas import tpu as pltpu
from jax.experimental.pallas import tpu_sc as plsc

N = 10000
E = 160000
HID = 512
CW = HID // 2
NC = 2
NS = 16
LB = 80
NBATCH = E // LB
NBT = NBATCH // NS
RPT = N // NS
NPAD = N

_DT = jnp.bfloat16


def _make_segsum():

    def body(t0, t1, srcb, dstb, zeros, o0, o1,
             idx_s, idx_d, rows0, rows1, acc, sem0, sem1):
        tables = (t0, t1)
        outs = (o0, o1)
        c = lax.axis_index("c")
        s = lax.axis_index("s")
        my_rows = pl.ds(s * RPT, RPT)

        pltpu.sync_copy(srcb.at[pl.ds(s * NBT, NBT)], idx_s)
        pltpu.sync_copy(dstb.at[pl.ds(s * NBT, NBT)], idx_d)

        for cc in range(NC):
            @pl.when(c == cc)
            def _(cc=cc):
                tab = tables[cc]
                out = outs[cc]
                pltpu.sync_copy(zeros.at[my_rows], acc.at[my_rows])
                plsc.subcore_barrier()

                if NBT % 2:
                    pltpu.async_copy(tab.at[idx_s.at[NBT - 1]], rows0, sem0)
                    pltpu.make_async_copy(tab.at[idx_s.at[NBT - 1]],
                                          rows0, sem0).wait()
                    pltpu.sync_copy(rows0, acc.at[idx_d.at[NBT - 1]],
                                    add=True)

                pltpu.async_copy(tab.at[idx_s.at[0]], rows0, sem0)
                pltpu.async_copy(tab.at[idx_s.at[1]], rows1, sem1)

                def ebody(i, carry, tab=tab):
                    b = 2 * i
                    pltpu.make_async_copy(tab.at[idx_s.at[b]],
                                          rows0, sem0).wait()
                    pltpu.sync_copy(rows0, acc.at[idx_d.at[b]], add=True)
                    pltpu.async_copy(tab.at[idx_s.at[b + 2]], rows0, sem0)
                    pltpu.make_async_copy(tab.at[idx_s.at[b + 1]],
                                          rows1, sem1).wait()
                    pltpu.sync_copy(rows1, acc.at[idx_d.at[b + 1]], add=True)
                    pltpu.async_copy(tab.at[idx_s.at[b + 3]], rows1, sem1)
                    return carry

                lax.fori_loop(0, (NBT - NBT % 2) // 2 - 1, ebody, 0)
                b = NBT - NBT % 2 - 2
                pltpu.make_async_copy(tab.at[idx_s.at[b]], rows0, sem0).wait()
                pltpu.sync_copy(rows0, acc.at[idx_d.at[b]], add=True)
                pltpu.make_async_copy(tab.at[idx_s.at[b + 1]],
                                      rows1, sem1).wait()
                pltpu.sync_copy(rows1, acc.at[idx_d.at[b + 1]], add=True)

                plsc.subcore_barrier()
                pltpu.sync_copy(acc.at[my_rows], out.at[my_rows])

    mesh = plsc.VectorSubcoreMesh(
        core_axis_name="c", subcore_axis_name="s",
        num_cores=NC, num_subcores=NS)
    return pl.kernel(
        body,
        out_type=[jax.ShapeDtypeStruct((N, CW), _DT)] * 2,
        mesh=mesh,
        compiler_params=pltpu.CompilerParams(use_tc_tiling_on_sc=False),
        scratch_types=[
            pltpu.VMEM((NBT, LB), jnp.int32),
            pltpu.VMEM((NBT, LB), jnp.int32),
            pltpu.VMEM((LB, CW), _DT),
            pltpu.VMEM((LB, CW), _DT),
            pltpu.VMEM_SHARED((NPAD, CW), _DT),
            pltpu.SemaphoreType.DMA,
            pltpu.SemaphoreType.DMA,
        ],
    )


_BN = 2000
_NB = N // _BN


def _make_tc_z(din):

    def body(x, wn, z0, z1):
        z = jnp.dot(x[...], wn[...],
                    preferred_element_type=jnp.float32).astype(_DT)
        z0[...] = z[:, :CW]
        z1[...] = z[:, CW:]

    return pl.pallas_call(
        body,
        grid=(_NB,),
        in_specs=[pl.BlockSpec((_BN, din), lambda i: (i, 0)),
                  pl.BlockSpec((din, HID), lambda i: (0, 0))],
        out_specs=[pl.BlockSpec((_BN, CW), lambda i: (i, 0))] * 2,
        out_shape=[jax.ShapeDtypeStruct((N, CW), _DT)] * 2,
    )


def _make_tc_self(din):

    def body(h, ws, b, u):
        o = jnp.dot(h[...], ws[...], preferred_element_type=jnp.float32)
        u[...] = (o + b[...]).astype(_DT)

    return pl.pallas_call(
        body,
        grid=(_NB,),
        in_specs=[pl.BlockSpec((_BN, din), lambda i: (i, 0)),
                  pl.BlockSpec((din, HID), lambda i: (0, 0)),
                  pl.BlockSpec((1, HID), lambda i: (0, 0))],
        out_specs=pl.BlockSpec((_BN, HID), lambda i: (i, 0)),
        out_shape=jax.ShapeDtypeStruct((N, HID), _DT),
    )


def _make_tc_post():

    def body(u, s0, s1, wnn, ho, z0, z1):
        o = u[...].astype(jnp.float32)
        o += jnp.concatenate([s0[...], s1[...]], axis=1).astype(jnp.float32)
        hp = jnp.maximum(o, 0.0).astype(_DT)
        ho[...] = hp
        z = jnp.dot(hp, wnn[...],
                    preferred_element_type=jnp.float32).astype(_DT)
        z0[...] = z[:, :CW]
        z1[...] = z[:, CW:]

    return pl.pallas_call(
        body,
        grid=(_NB,),
        in_specs=[pl.BlockSpec((_BN, HID), lambda i: (i, 0)),
                  pl.BlockSpec((_BN, CW), lambda i: (i, 0)),
                  pl.BlockSpec((_BN, CW), lambda i: (i, 0)),
                  pl.BlockSpec((HID, HID), lambda i: (0, 0))],
        out_specs=[pl.BlockSpec((_BN, HID), lambda i: (i, 0)),
                   pl.BlockSpec((_BN, CW), lambda i: (i, 0)),
                   pl.BlockSpec((_BN, CW), lambda i: (i, 0))],
        out_shape=[jax.ShapeDtypeStruct((N, HID), _DT),
                   jax.ShapeDtypeStruct((N, CW), _DT),
                   jax.ShapeDtypeStruct((N, CW), _DT)],
    )


def _make_tc_final():

    def body(u, s0, s1, wc, bc, out, acc):
        i = pl.program_id(0)
        o = u[...].astype(jnp.float32)
        o += jnp.concatenate([s0[...], s1[...]], axis=1).astype(jnp.float32)
        o = jnp.maximum(o, 0.0)

        @pl.when(i == 0)
        def _():
            acc[...] = jnp.zeros_like(acc)

        acc[...] += jnp.sum(o, axis=0, keepdims=True)

        @pl.when(i == _NB - 1)
        def _():
            g = acc[...]
            logits = jnp.dot(g, wc[...], preferred_element_type=jnp.float32)
            logits += bc[...]
            m = jnp.max(logits, axis=1, keepdims=True)
            e = jnp.exp(logits - m)
            out[...] = e / jnp.sum(e, axis=1, keepdims=True)

    return pl.pallas_call(
        body,
        grid=(_NB,),
        in_specs=[pl.BlockSpec((_BN, HID), lambda i: (i, 0)),
                  pl.BlockSpec((_BN, CW), lambda i: (i, 0)),
                  pl.BlockSpec((_BN, CW), lambda i: (i, 0)),
                  pl.BlockSpec((HID, 32), lambda i: (0, 0)),
                  pl.BlockSpec((1, 32), lambda i: (0, 0))],
        out_specs=pl.BlockSpec((1, 32), lambda i: (0, 0)),
        out_shape=jax.ShapeDtypeStruct((1, 32), jnp.float32),
        scratch_shapes=[pltpu.VMEM((1, 512), jnp.float32)],
    )


def kernel(x, edge_index, Ws0, Wn0, b0, Ws1, Wn1, b1, Ws2, Wn2, b2, Wc, bc):
    srcb = edge_index[0].reshape(NBATCH, LB)
    dstb = edge_index[1].reshape(NBATCH, LB)
    z = jnp.zeros((N, CW), _DT)

    xb = x.astype(_DT)
    segsum = _make_segsum()
    tc_self = _make_tc_self(HID)
    tc_post = _make_tc_post()

    z0 = _make_tc_z(256)(xb, Wn0.astype(_DT))
    u0 = _make_tc_self(256)(xb, Ws0.astype(_DT), b0.reshape(1, HID))
    s0 = segsum(*z0, srcb, dstb, z)
    h1, *z1 = tc_post(u0, *s0, Wn1.astype(_DT))
    u1 = tc_self(h1, Ws1.astype(_DT), b1.reshape(1, HID))
    s1 = segsum(*z1, srcb, dstb, z)
    h2, *z2 = tc_post(u1, *s1, Wn2.astype(_DT))
    u2 = tc_self(h2, Ws2.astype(_DT), b2.reshape(1, HID))
    s2 = segsum(*z2, srcb, dstb, z)
    probs = _make_tc_final()(u2, *s2, Wc, bc.reshape(1, 32))
    return probs.reshape(32)

# --- scband reference (transcript-rebuilt; emitter-appended) ---
"""Pipeline reference for scband-classifier-72069551227496 (READ-ONLY COPY).

The authoritative reference and input builder live on the scoring server;
editing this copy changes nothing except your own understanding.
"""

import jax, jax.numpy as jnp
import numpy as np

N = 10000
E = 160000
IN_DIM = 256
HID = 512
N_CLASSES = 32


def _glorot(key, shape):
    fan_in = shape[0]
    return jax.random.normal(key, shape, dtype=jnp.float32) * (1.0 / np.sqrt(fan_in))


def setup_inputs(seed: int = 0) -> dict:
    key = jax.random.key(seed)
    ks = jax.random.split(key, 16)
    x = jax.random.normal(ks[0], (N, IN_DIM), dtype=jnp.float32)
    edge_index = jax.random.randint(ks[1], (2, E), 0, N, dtype=jnp.int32)
    # SAGEConv layer 0: in_dim -> hidden
    Ws0 = _glorot(ks[2], (IN_DIM, HID))
    Wn0 = _glorot(ks[3], (IN_DIM, HID))
    b0 = jnp.zeros((HID,), dtype=jnp.float32)
    # SAGEConv layer 1: hidden -> hidden
    Ws1 = _glorot(ks[4], (HID, HID))
    Wn1 = _glorot(ks[5], (HID, HID))
    b1 = jnp.zeros((HID,), dtype=jnp.float32)
    # SAGEConv layer 2: hidden -> hidden
    Ws2 = _glorot(ks[6], (HID, HID))
    Wn2 = _glorot(ks[7], (HID, HID))
    b2 = jnp.zeros((HID,), dtype=jnp.float32)
    # classifier
    Wc = _glorot(ks[8], (HID, N_CLASSES))
    bc = jnp.zeros((N_CLASSES,), dtype=jnp.float32)
    return {
        "x": x, "edge_index": edge_index,
        "Ws0": Ws0, "Wn0": Wn0, "b0": b0,
        "Ws1": Ws1, "Wn1": Wn1, "b1": b1,
        "Ws2": Ws2, "Wn2": Wn2, "b2": b2,
        "Wc": Wc, "bc": bc,
    }


def _sage_conv_sum(h, edge_index, Ws, Wn, b):
    # DGL-style SAGEConv with 'sum' aggregator:
    #   h_neigh[dst] = sum over incoming edges of h[src]
    #   out = activation(fc_self(h) + fc_neigh(h_neigh))
    src = edge_index[0]
    dst = edge_index[1]
    gathered = jnp.take(h, src, axis=0)              # gather (SparseCore)
    h_neigh = jax.ops.segment_sum(gathered, dst, num_segments=N)  # scatter-add
    out = h @ Ws + h_neigh @ Wn + b
    return jax.nn.relu(out)


def reference(x, edge_index, Ws0, Wn0, b0, Ws1, Wn1, b1, Ws2, Wn2, b2, Wc, bc):
    h = _sage_conv_sum(x, edge_index, Ws0, Wn0, b0)
    # dropout p=0.0 / eval mode -> identity
    h = _sage_conv_sum(h, edge_index, Ws1, Wn1, b1)
    h = _sage_conv_sum(h, edge_index, Ws2, Wn2, b2)
    # readout: sum node embeddings -> graph embedding [HID]
    g = jnp.sum(h, axis=0)
    logits = g @ Wc + bc
    return jax.nn.softmax(logits)

if __name__ == "__main__":
    import jax
    _d = setup_inputs()
    print(jax.jit(kernel)(*tuple(_d.values())))

</pallas_src>

<mosaic_0001>
#map = affine_map<(d0, d1) -> (0, 0)>
module attributes {stable_mosaic.version = 14 : i64} {
  func.func @body(%arg0: i32, %arg1: i32, %arg2: memref<10000x256xbf16, #tpu.memory_space<hbm>>, %arg3: memref<10000x256xbf16, #tpu.memory_space<hbm>>, %arg4: memref<2000x80xi32, #tpu.memory_space<hbm>>, %arg5: memref<2000x80xi32, #tpu.memory_space<hbm>>, %arg6: memref<10000x256xbf16, #tpu.memory_space<hbm>>, %arg7: memref<10000x256xbf16, #tpu.memory_space<hbm>>, %arg8: memref<10000x256xbf16, #tpu.memory_space<hbm>>, %arg9: memref<125x80xi32, #tpu.memory_space<vmem>>, %arg10: memref<125x80xi32, #tpu.memory_space<vmem>>, %arg11: memref<80x256xbf16, #tpu.memory_space<vmem>>, %arg12: memref<80x256xbf16, #tpu.memory_space<vmem>>, %arg13: memref<10000x256xbf16, #tpu.memory_space<vmem_shared>>, %arg14: memref<!tpu.dma_semaphore, #tpu.memory_space<semaphore_mem>>, %arg15: memref<!tpu.dma_semaphore, #tpu.memory_space<semaphore_mem>>) attributes {dimension_semantics = [#tpu.dimension_semantics<core_parallel>, #tpu.dimension_semantics<subcore_parallel>], iteration_bounds = array<i64: 2, 16>, scalar_prefetch = 0 : i64, scratch_operands = 7 : i64, tpu.core_type = #tpu.core_type<sc_vector_subcore>, window_params = [{transform_indices = #map}, {transform_indices = #map}, {transform_indices = #map}, {transform_indices = #map}, {transform_indices = #map}, {transform_indices = #map}, {transform_indices = #map}]} {
    %mul3A = arith.constant 625 : i32
    %mul3A_0 = arith.muli %arg1, %mul3A : i32
    %mul3A_1 = arith.constant 125 : i32
    %mul3A_2 = arith.muli %arg1, %mul3A_1 : i32
    "tpu.region"() ({
      %run_scoped3A = tpu.sem_alloc : memref<!tpu.dma_semaphore, #tpu.memory_space<semaphore_mem>>
      %dma_start3A = arith.constant 0 : i32
      %dma_start3A_12 = tpu.memref_slice %arg4[%mul3A_2, %dma_start3A] : memref<2000x80xi32, #tpu.memory_space<hbm>> -> memref<125x80xi32, #tpu.memory_space<hbm>>
      %dma_start3A_13 = arith.constant 0 : i32
      %dma_start3A_14 = tpu.memref_slice %arg4[%mul3A_2, %dma_start3A_13] : memref<2000x80xi32, #tpu.memory_space<hbm>> -> memref<125x80xi32, #tpu.memory_space<hbm>>
      tpu.enqueue_dma source(%dma_start3A_14 : memref<125x80xi32, #tpu.memory_space<hbm>>) target(%arg9 : memref<125x80xi32, #tpu.memory_space<vmem>>) target_semaphore(%run_scoped3A : memref<!tpu.dma_semaphore, #tpu.memory_space<semaphore_mem>>)
      %dma_wait3A = arith.constant 0 : i32
      %dma_wait3A_15 = tpu.memref_slice %arg4[%mul3A_2, %dma_wait3A] : memref<2000x80xi32, #tpu.memory_space<hbm>> -> memref<125x80xi32, #tpu.memory_space<hbm>>
      %dma_wait3A_16 = arith.constant 0 : i32
      %dma_wait3A_17 = tpu.memref_slice %arg4[%mul3A_2, %dma_wait3A_16] : memref<2000x80xi32, #tpu.memory_space<hbm>> -> memref<125x80xi32, #tpu.memory_space<hbm>>
      tpu.wait_dma2 semaphore(%run_scoped3A : memref<!tpu.dma_semaphore, #tpu.memory_space<semaphore_mem>>) src(%dma_wait3A_17 : memref<125x80xi32, #tpu.memory_space<hbm>>) dst(%arg9 : memref<125x80xi32, #tpu.memory_space<vmem>>)
      tpu.yield
    }) : () -> ()
    %mul3A_3 = arith.constant 125 : i32
    %mul3A_4 = arith.muli %arg1, %mul3A_3 : i32
    "tpu.region"() ({
      %run_scoped3A = tpu.sem_alloc : memref<!tpu.dma_semaphore, #tpu.memory_space<semaphore_mem>>
      %dma_start3A = arith.constant 0 : i32
      %dma_start3A_12 = tpu.memref_slice %arg5[%mul3A_4, %dma_start3A] : memref<2000x80xi32, #tpu.memory_space<hbm>> -> memref<125x80xi32, #tpu.memory_space<hbm>>
      %dma_start3A_13 = arith.constant 0 : i32
      %dma_start3A_14 = tpu.memref_slice %arg5[%mul3A_4, %dma_start3A_13] : memref<2000x80xi32, #tpu.memory_space<hbm>> -> memref<125x80xi32, #tpu.memory_space<hbm>>
      tpu.enqueue_dma source(%dma_start3A_14 : memref<125x80xi32, #tpu.memory_space<hbm>>) target(%arg10 : memref<125x80xi32, #tpu.memory_space<vmem>>) target_semaphore(%run_scoped3A : memref<!tpu.dma_semaphore, #tpu.memory_space<semaphore_mem>>)
      %dma_wait3A = arith.constant 0 : i32
      %dma_wait3A_15 = tpu.memref_slice %arg5[%mul3A_4, %dma_wait3A] : memref<2000x80xi32, #tpu.memory_space<hbm>> -> memref<125x80xi32, #tpu.memory_space<hbm>>
      %dma_wait3A_16 = arith.constant 0 : i32
      %dma_wait3A_17 = tpu.memref_slice %arg5[%mul3A_4, %dma_wait3A_16] : memref<2000x80xi32, #tpu.memory_space<hbm>> -> memref<125x80xi32, #tpu.memory_space<hbm>>
      tpu.wait_dma2 semaphore(%run_scoped3A : memref<!tpu.dma_semaphore, #tpu.memory_space<semaphore_mem>>) src(%dma_wait3A_17 : memref<125x80xi32, #tpu.memory_space<hbm>>) dst(%arg10 : memref<125x80xi32, #tpu.memory_space<vmem>>)
      tpu.yield
    }) : () -> ()
    %eq3A = arith.constant 0 : i32
    %eq3A_5 = arith.cmpi eq, %arg0, %eq3A : i32
    %convert_element_type3A = arith.extui %eq3A_5 : i1 to i32
    %cond3A = arith.constant 0 : i32
    %cond3A_6 = arith.cmpi ne, %convert_element_type3A, %cond3A : i32
    scf.if %cond3A_6 {
      "tpu.region"() ({
        %run_scoped3A_60 = tpu.sem_alloc : memref<!tpu.dma_semaphore, #tpu.memory_space<semaphore_mem>>
        %dma_start3A_61 = arith.constant 0 : i32
        %dma_start3A_62 = tpu.memref_slice %arg13[%mul3A_0, %dma_start3A_61] : memref<10000x256xbf16, #tpu.memory_space<vmem_shared>> -> memref<625x256xbf16, #tpu.memory_space<vmem_shared>>
        %dma_start3A_63 = arith.constant 0 : i32
        %dma_start3A_64 = tpu.memref_slice %arg6[%mul3A_0, %dma_start3A_63] : memref<10000x256xbf16, #tpu.memory_space<hbm>> -> memref<625x256xbf16, #tpu.memory_space<hbm>>
        tpu.enqueue_dma source(%dma_start3A_64 : memref<625x256xbf16, #tpu.memory_space<hbm>>) target(%dma_start3A_62 : memref<625x256xbf16, #tpu.memory_space<vmem_shared>>) target_semaphore(%run_scoped3A_60 : memref<!tpu.dma_semaphore, #tpu.memory_space<semaphore_mem>>)
        %dma_wait3A_65 = arith.constant 0 : i32
        %dma_wait3A_66 = tpu.memref_slice %arg13[%mul3A_0, %dma_wait3A_65] : memref<10000x256xbf16, #tpu.memory_space<vmem_shared>> -> memref<625x256xbf16, #tpu.memory_space<vmem_shared>>
        %dma_wait3A_67 = arith.constant 0 : i32
        %dma_wait3A_68 = tpu.memref_slice %arg6[%mul3A_0, %dma_wait3A_67] : memref<10000x256xbf16, #tpu.memory_space<hbm>> -> memref<625x256xbf16, #tpu.memory_space<hbm>>
        tpu.wait_dma2 semaphore(%run_scoped3A_60 : memref<!tpu.dma_semaphore, #tpu.memory_space<semaphore_mem>>) src(%dma_wait3A_68 : memref<625x256xbf16, #tpu.memory_space<hbm>>) dst(%dma_wait3A_66 : memref<625x256xbf16, #tpu.memory_space<vmem_shared>>)
        tpu.yield
      }) : () -> ()
      %barrier3A = arith.constant 0 : index
      tpu.barrier barrier_id(%barrier3A)
      %dma_start3A = arith.constant 124 : i32
      %dma_start3A_12 = arith.constant 0 : i32
      %dma_start3A_13 = tpu.memref_slice %arg9[%dma_start3A, %dma_start3A_12] : memref<125x80xi32, #tpu.memory_space<vmem>> -> memref<1x80xi32, #tpu.memory_space<vmem>>
      %dma_start3A_14 = tpu.memref_squeeze %dma_start3A_13 : memref<1x80xi32, #tpu.memory_space<vmem>> -> memref<80xi32, #tpu.memory_space<vmem>>
      %dma_start3A_15 = arith.constant 0 : i32
      %dma_start3A_16 = arith.constant 0 : i32
      %dma_start3A_17 = tpu.memref_slice %arg2[%dma_start3A_15, %dma_start3A_16] : memref<10000x256xbf16, #tpu.memory_space<hbm>> -> memref<10000x256xbf16, #tpu.memory_space<hbm>>
      tpu.enqueue_indirect_dma source(%dma_start3A_17 : memref<10000x256xbf16, #tpu.memory_space<hbm>>) target(%arg11 : memref<80x256xbf16, #tpu.memory_space<vmem>>) offsets(%dma_start3A_14 : memref<80xi32, #tpu.memory_space<vmem>>) semaphore(%arg14 : memref<!tpu.dma_semaphore, #tpu.memory_space<semaphore_mem>>)
      %dma_wait3A = arith.constant 124 : i32
      %dma_wait3A_18 = arith.constant 0 : i32
      %dma_wait3A_19 = tpu.memref_slice %arg9[%dma_wait3A, %dma_wait3A_18] : memref<125x80xi32, #tpu.memory_space<vmem>> -> memref<1x80xi32, #tpu.memory_space<vmem>>
      %dma_wait3A_20 = tpu.memref_squeeze %dma_wait3A_19 : memref<1x80xi32, #tpu.memory_space<vmem>> -> memref<80xi32, #tpu.memory_space<vmem>>
      %dma_wait3A_21 = arith.constant 0 : i32
      %dma_wait3A_22 = arith.constant 0 : i32
      %dma_wait3A_23 = tpu.memref_slice %arg2[%dma_wait3A_21, %dma_wait3A_22] : memref<10000x256xbf16, #tpu.memory_space<hbm>> -> memref<10000x256xbf16, #tpu.memory_space<hbm>>
      tpu.wait_indirect_dma semaphore(%arg14 : memref<!tpu.dma_semaphore, #tpu.memory_space<semaphore_mem>>) src(%dma_wait3A_23 : memref<10000x256xbf16, #tpu.memory_space<hbm>>) dst(%arg11 : memref<80x256xbf16, #tpu.memory_space<vmem>>)
      %run_scoped3A = arith.constant 124 : i32
      "tpu.region"() ({
        %run_scoped3A_60 = tpu.sem_alloc : memref<!tpu.dma_semaphore, #tpu.memory_space<semaphore_mem>>
        %dma_start3A_61 = arith.constant 0 : i32
        %dma_start3A_62 = tpu.memref_slice %arg10[%run_scoped3A, %dma_start3A_61] : memref<125x80xi32, #tpu.memory_space<vmem>> -> memref<1x80xi32, #tpu.memory_space<vmem>>
        %dma_start3A_63 = tpu.memref_squeeze %dma_start3A_62 : memref<1x80xi32, #tpu.memory_space<vmem>> -> memref<80xi32, #tpu.memory_space<vmem>>
        %dma_start3A_64 = arith.constant 0 : i32
        %dma_start3A_65 = arith.constant 0 : i32
        %dma_start3A_66 = tpu.memref_slice %arg13[%dma_start3A_64, %dma_start3A_65] : memref<10000x256xbf16, #tpu.memory_space<vmem_shared>> -> memref<10000x256xbf16, #tpu.memory_space<vmem_shared>>
        tpu.enqueue_indirect_dma source(%arg11 : memref<80x256xbf16, #tpu.memory_space<vmem>>) target(%dma_start3A_66 : memref<10000x256xbf16, #tpu.memory_space<vmem_shared>>) offsets(%dma_start3A_63 : memref<80xi32, #tpu.memory_space<vmem>>) semaphore(%run_scoped3A_60 : memref<!tpu.dma_semaphore, #tpu.memory_space<semaphore_mem>>) {add = true}
        %dma_wait3A_67 = arith.constant 0 : i32
        %dma_wait3A_68 = tpu.memref_slice %arg10[%run_scoped3A, %dma_wait3A_67] : memref<125x80xi32, #tpu.memory_space<vmem>> -> memref<1x80xi32, #tpu.memory_space<vmem>>
        %dma_wait3A_69 = tpu.memref_squeeze %dma_wait3A_68 : memref<1x80xi32, #tpu.memory_space<vmem>> -> memref<80xi32, #tpu.memory_space<vmem>>
        %dma_wait3A_70 = arith.constant 0 : i32
        %dma_wait3A_71 = arith.constant 0 : i32
        %dma_wait3A_72 = tpu.memref_slice %arg13[%dma_wait3A_70, %dma_wait3A_71] : memref<10000x256xbf16, #tpu.memory_space<vmem_shared>> -> memref<10000x256xbf16, #tpu.memory_space<vmem_shared>>
        tpu.wait_indirect_dma semaphore(%run_scoped3A_60 : memref<!tpu.dma_semaphore, #tpu.memory_space<semaphore_mem>>) src(%arg11 : memref<80x256xbf16, #tpu.memory_space<vmem>>) dst(%dma_wait3A_72 : memref<10000x256xbf16, #tpu.memory_space<vmem_shared>>)
        tpu.yield
      }) : () -> ()
      %dma_start3A_24 = arith.constant 0 : i32
      %dma_start3A_25 = arith.constant 0 : i32
      %dma_start3A_26 = tpu.memref_slice %arg9[%dma_start3A_24, %dma_start3A_25] : memref<125x80xi32, #tpu.memory_space<vmem>> -> memref<1x80xi32, #tpu.memory_space<vmem>>
      %dma_start3A_27 = tpu.memref_squeeze %dma_start3A_26 : memref<1x80xi32, #tpu.memory_space<vmem>> -> memref<80xi32, #tpu.memory_space<vmem>>
      %dma_start3A_28 = arith.constant 0 : i32
      %dma_start3A_29 = arith.constant 0 : i32
      %dma_start3A_30 = tpu.memref_slice %arg2[%dma_start3A_28, %dma_start3A_29] : memref<10000x256xbf16, #tpu.memory_space<hbm>> -> memref<10000x256xbf16, #tpu.memory_space<hbm>>
      tpu.enqueue_indirect_dma source(%dma_start3A_30 : memref<10000x256xbf16, #tpu.memory_space<hbm>>) target(%arg11 : memref<80x256xbf16, #tpu.memory_space<vmem>>) offsets(%dma_start3A_27 : memref<80xi32, #tpu.memory_space<vmem>>) semaphore(%arg14 : memref<!tpu.dma_semaphore, #tpu.memory_space<semaphore_mem>>)
      %dma_start3A_31 = arith.constant 1 : i32
      %dma_start3A_32 = arith.constant 0 : i32
      %dma_start3A_33 = tpu.memref_slice %arg9[%dma_start3A_31, %dma_start3A_32] : memref<125x80xi32, #tpu.memory_space<vmem>> -> memref<1x80xi32, #tpu.memory_space<vmem>>
      %dma_start3A_34 = tpu.memref_squeeze %dma_start3A_33 : memref<1x80xi32, #tpu.memory_space<vmem>> -> memref<80xi32, #tpu.memory_space<vmem>>
      %dma_start3A_35 = arith.constant 0 : i32
      %dma_start3A_36 = arith.constant 0 : i32
      %dma_start3A_37 = tpu.memref_slice %arg2[%dma_start3A_35, %dma_start3A_36] : memref<10000x256xbf16, #tpu.memory_space<hbm>> -> memref<10000x256xbf16, #tpu.memory_space<hbm>>
      tpu.enqueue_indirect_dma source(%dma_start3A_37 : memref<10000x256xbf16, #tpu.memory_space<hbm>>) target(%arg12 : memref<80x256xbf16, #tpu.memory_space<vmem>>) offsets(%dma_start3A_34 : memref<80xi32, #tpu.memory_space<vmem>>) semaphore(%arg15 : memref<!tpu.dma_semaphore, #tpu.memory_space<semaphore_mem>>)
      %scan3A = arith.constant 0 : i32
      %scan3A_38 = arith.constant 0 : i32
      %scan3A_39 = arith.constant 61 : i32
      %scan3A_40 = arith.addi %scan3A_38, %scan3A_39 : i32
      %scan3A_41 = arith.constant 1 : i32
      scf.for %scan3A_60 = %scan3A_38 to %scan3A_40 step %scan3A_41  : i32 {
        %mul3A_61 = arith.constant 2 : i32
        %mul3A_62 = arith.muli %mul3A_61, %scan3A_60 : i32
        %dma_wait3A_63 = arith.constant 0 : i32
        %dma_wait3A_64 = tpu.memref_slice %arg9[%mul3A_62, %dma_wait3A_63] : memref<125x80xi32, #tpu.memory_space<vmem>> -> memref<1x80xi32, #tpu.memory_space<vmem>>
        %dma_wait3A_65 = tpu.memref_squeeze %dma_wait3A_64 : memref<1x80xi32, #tpu.memory_space<vmem>> -> memref<80xi32, #tpu.memory_space<vmem>>
        %dma_wait3A_66 = arith.constant 0 : i32
        %dma_wait3A_67 = arith.constant 0 : i32
        %dma_wait3A_68 = tpu.memref_slice %arg2[%dma_wait3A_66, %dma_wait3A_67] : memref<10000x256xbf16, #tpu.memory_space<hbm>> -> memref<10000x256xbf16, #tpu.memory_space<hbm>>
        tpu.wait_indirect_dma semaphore(%arg14 : memref<!tpu.dma_semaphore, #tpu.memory_space<semaphore_mem>>) src(%dma_wait3A_68 : memref<10000x256xbf16, #tpu.memory_space<hbm>>) dst(%arg11 : memref<80x256xbf16, #tpu.memory_space<vmem>>)
        "tpu.region"() ({
          %run_scoped3A_94 = tpu.sem_alloc : memref<!tpu.dma_semaphore, #tpu.memory_space<semaphore_mem>>
          %dma_start3A_95 = arith.constant 0 : i32
          %dma_start3A_96 = tpu.memref_slice %arg10[%mul3A_62, %dma_start3A_95] : memref<125x80xi32, #tpu.memory_space<vmem>> -> memref<1x80xi32, #tpu.memory_space<vmem>>
          %dma_start3A_97 = tpu.memref_squeeze %dma_start3A_96 : memref<1x80xi32, #tpu.memory_space<vmem>> -> memref<80xi32, #tpu.memory_space<vmem>>
          %dma_start3A_98 = arith.constant 0 : i32
          %dma_start3A_99 = arith.constant 0 : i32
          %dma_start3A_100 = tpu.memref_slice %arg13[%dma_start3A_98, %dma_start3A_99] : memref<10000x256xbf16, #tpu.memory_space<vmem_shared>> -> memref<10000x256xbf16, #tpu.memory_space<vmem_shared>>
          tpu.enqueue_indirect_dma source(%arg11 : memref<80x256xbf16, #tpu.memory_space<vmem>>) target(%dma_start3A_100 : memref<10000x256xbf16, #tpu.memory_space<vmem_shared>>) offsets(%dma_start3A_97 : memref<80xi32, #tpu.memory_space<vmem>>) semaphore(%run_scoped3A_94 : memref<!tpu.dma_semaphore, #tpu.memory_space<semaphore_mem>>) {add = true}
          %dma_wait3A_101 = arith.constant 0 : i32
          %dma_wait3A_102 = tpu.memref_slice %arg10[%mul3A_62, %dma_wait3A_101] : memref<125x80xi32, #tpu.memory_space<vmem>> -> memref<1x80xi32, #tpu.memory_space<vmem>>
          %dma_wait3A_103 = tpu.memref_squeeze %dma_wait3A_102 : memref<1x80xi32, #tpu.memory_space<vmem>> -> memref<80xi32, #tpu.memory_space<vmem>>
          %dma_wait3A_104 = arith.constant 0 : i32
          %dma_wait3A_105 = arith.constant 0 : i32
          %dma_wait3A_106 = tpu.memref_slice %arg13[%dma_wait3A_104, %dma_wait3A_105] : memref<10000x256xbf16, #tpu.memory_space<vmem_shared>> -> memref<10000x256xbf16, #tpu.memory_space<vmem_shared>>
          tpu.wait_indirect_dma semaphore(%run_scoped3A_94 : memref<!tpu.dma_semaphore, #tpu.memory_space<semaphore_mem>>) src(%arg11 : memref<80x256xbf16, #tpu.memory_space<vmem>>) dst(%dma_wait3A_106 : memref<10000x256xbf16, #tpu.memory_space<vmem_shared>>)
          tpu.yield
        }) : () -> ()
        %add3A = arith.constant 2 : i32
        %add3A_69 = arith.addi %mul3A_62, %add3A : i32
        %dma_start3A_70 = arith.constant 0 : i32
        %dma_start3A_71 = tpu.memref_slice %arg9[%add3A_69, %dma_start3A_70] : memref<125x80xi32, #tpu.memory_space<vmem>> -> memref<1x80xi32, #tpu.memory_space<vmem>>
        %dma_start3A_72 = tpu.memref_squeeze %dma_start3A_71 : memref<1x80xi32, #tpu.memory_space<vmem>> -> memref<80xi32, #tpu.memory_space<vmem>>
        %dma_start3A_73 = arith.constant 0 : i32
        %dma_start3A_74 = arith.constant 0 : i32
        %dma_start3A_75 = tpu.memref_slice %arg2[%dma_start3A_73, %dma_start3A_74] : memref<10000x256xbf16, #tpu.memory_space<hbm>> -> memref<10000x256xbf16, #tpu.memory_space<hbm>>
        tpu.enqueue_indirect_dma source(%dma_start3A_75 : memref<10000x256xbf16, #tpu.memory_space<hbm>>) target(%arg11 : memref<80x256xbf16, #tpu.memory_space<vmem>>) offsets(%dma_start3A_72 : memref<80xi32, #tpu.memory_space<vmem>>) semaphore(%arg14 : memref<!tpu.dma_semaphore, #tpu.memory_space<semaphore_mem>>)
        %add3A_76 = arith.constant 1 : i32
        %add3A_77 = arith.addi %mul3A_62, %add3A_76 : i32
        %dma_wait3A_78 = arith.constant 0 : i32
        %dma_wait3A_79 = tpu.memref_slice %arg9[%add3A_77, %dma_wait3A_78] : memref<125x80xi32, #tpu.memory_space<vmem>> -> memref<1x80xi32, #tpu.memory_space<vmem>>
        %dma_wait3A_80 = tpu.memref_squeeze %dma_wait3A_79 : memref<1x80xi32, #tpu.memory_space<vmem>> -> memref<80xi32, #tpu.memory_space<vmem>>
        %dma_wait3A_81 = arith.constant 0 : i32
        %dma_wait3A_82 = arith.constant 0 : i32
        %dma_wait3A_83 = tpu.memref_slice %arg2[%dma_wait3A_81, %dma_wait3A_82] : memref<10000x256xbf16, #tpu.memory_space<hbm>> -> memref<10000x256xbf16, #tpu.memory_space<hbm>>
        tpu.wait_indirect_dma semaphore(%arg15 : memref<!tpu.dma_semaphore, #tpu.memory_space<semaphore_mem>>) src(%dma_wait3A_83 : memref<10000x256xbf16, #tpu.memory_space<hbm>>) dst(%arg12 : memref<80x256xbf16, #tpu.memory_space<vmem>>)
        %add3A_84 = arith.constant 1 : i32
        %add3A_85 = arith.addi %mul3A_62, %add3A_84 : i32
        "tpu.region"() ({
          %run_scoped3A_94 = tpu.sem_alloc : memref<!tpu.dma_semaphore, #tpu.memory_space<semaphore_mem>>
          %dma_start3A_95 = arith.constant 0 : i32
          %dma_start3A_96 = tpu.memref_slice %arg10[%add3A_85, %dma_start3A_95] : memref<125x80xi32, #tpu.memory_space<vmem>> -> memref<1x80xi32, #tpu.memory_space<vmem>>
          %dma_start3A_97 = tpu.memref_squeeze %dma_start3A_96 : memref<1x80xi32, #tpu.memory_space<vmem>> -> memref<80xi32, #tpu.memory_space<vmem>>
          %dma_start3A_98 = arith.constant 0 : i32
          %dma_start3A_99 = arith.constant 0 : i32
          %dma_start3A_100 = tpu.memref_slice %arg13[%dma_start3A_98, %dma_start3A_99] : memref<10000x256xbf16, #tpu.memory_space<vmem_shared>> -> memref<10000x256xbf16, #tpu.memory_space<vmem_shared>>
          tpu.enqueue_indirect_dma source(%arg12 : memref<80x256xbf16, #tpu.memory_space<vmem>>) target(%dma_start3A_100 : memref<10000x256xbf16, #tpu.memory_space<vmem_shared>>) offsets(%dma_start3A_97 : memref<80xi32, #tpu.memory_space<vmem>>) semaphore(%run_scoped3A_94 : memref<!tpu.dma_semaphore, #tpu.memory_space<semaphore_mem>>) {add = true}
          %dma_wait3A_101 = arith.constant 0 : i32
          %dma_wait3A_102 = tpu.memref_slice %arg10[%add3A_85, %dma_wait3A_101] : memref<125x80xi32, #tpu.memory_space<vmem>> -> memref<1x80xi32, #tpu.memory_space<vmem>>
          %dma_wait3A_103 = tpu.memref_squeeze %dma_wait3A_102 : memref<1x80xi32, #tpu.memory_space<vmem>> -> memref<80xi32, #tpu.memory_space<vmem>>
          %dma_wait3A_104 = arith.constant 0 : i32
          %dma_wait3A_105 = arith.constant 0 : i32
          %dma_wait3A_106 = tpu.memref_slice %arg13[%dma_wait3A_104, %dma_wait3A_105] : memref<10000x256xbf16, #tpu.memory_space<vmem_shared>> -> memref<10000x256xbf16, #tpu.memory_space<vmem_shared>>
          tpu.wait_indirect_dma semaphore(%run_scoped3A_94 : memref<!tpu.dma_semaphore, #tpu.memory_space<semaphore_mem>>) src(%arg12 : memref<80x256xbf16, #tpu.memory_space<vmem>>) dst(%dma_wait3A_106 : memref<10000x256xbf16, #tpu.memory_space<vmem_shared>>)
          tpu.yield
        }) : () -> ()
        %add3A_86 = arith.constant 3 : i32
        %add3A_87 = arith.addi %mul3A_62, %add3A_86 : i32
        %dma_start3A_88 = arith.constant 0 : i32
        %dma_start3A_89 = tpu.memref_slice %arg9[%add3A_87, %dma_start3A_88] : memref<125x80xi32, #tpu.memory_space<vmem>> -> memref<1x80xi32, #tpu.memory_space<vmem>>
        %dma_start3A_90 = tpu.memref_squeeze %dma_start3A_89 : memref<1x80xi32, #tpu.memory_space<vmem>> -> memref<80xi32, #tpu.memory_space<vmem>>
        %dma_start3A_91 = arith.constant 0 : i32
        %dma_start3A_92 = arith.constant 0 : i32
        %dma_start3A_93 = tpu.memref_slice %arg2[%dma_start3A_91, %dma_start3A_92] : memref<10000x256xbf16, #tpu.memory_space<hbm>> -> memref<10000x256xbf16, #tpu.memory_space<hbm>>
        tpu.enqueue_indirect_dma source(%dma_start3A_93 : memref<10000x256xbf16, #tpu.memory_space<hbm>>) target(%arg12 : memref<80x256xbf16, #tpu.memory_space<vmem>>) offsets(%dma_start3A_90 : memref<80xi32, #tpu.memory_space<vmem>>) semaphore(%arg15 : memref<!tpu.dma_semaphore, #tpu.memory_space<semaphore_mem>>)
      }
      %scan3A_42 = arith.constant 61 : i32
      %dma_wait3A_43 = arith.constant 122 : i32
      %dma_wait3A_44 = arith.constant 0 : i32
      %dma_wait3A_45 = tpu.memref_slice %arg9[%dma_wait3A_43, %dma_wait3A_44] : memref<125x80xi32, #tpu.memory_space<vmem>> -> memref<1x80xi32, #tpu.memory_space<vmem>>
      %dma_wait3A_46 = tpu.memref_squeeze %dma_wait3A_45 : memref<1x80xi32, #tpu.memory_space<vmem>> -> memref<80xi32, #tpu.memory_space<vmem>>
      %dma_wait3A_47 = arith.constant 0 : i32
      %dma_wait3A_48 = arith.constant 0 : i32
      %dma_wait3A_49 = tpu.memref_slice %arg2[%dma_wait3A_47, %dma_wait3A_48] : memref<10000x256xbf16, #tpu.memory_space<hbm>> -> memref<10000x256xbf16, #tpu.memory_space<hbm>>
      tpu.wait_indirect_dma semaphore(%arg14 : memref<!tpu.dma_semaphore, #tpu.memory_space<semaphore_mem>>) src(%dma_wait3A_49 : memref<10000x256xbf16, #tpu.memory_space<hbm>>) dst(%arg11 : memref<80x256xbf16, #tpu.memory_space<vmem>>)
      %run_scoped3A_50 = arith.constant 122 : i32
      "tpu.region"() ({
        %run_scoped3A_60 = tpu.sem_alloc : memref<!tpu.dma_semaphore, #tpu.memory_space<semaphore_mem>>
        %dma_start3A_61 = arith.constant 0 : i32
        %dma_start3A_62 = tpu.memref_slice %arg10[%run_scoped3A_50, %dma_start3A_61] : memref<125x80xi32, #tpu.memory_space<vmem>> -> memref<1x80xi32, #tpu.memory_space<vmem>>
        %dma_start3A_63 = tpu.memref_squeeze %dma_start3A_62 : memref<1x80xi32, #tpu.memory_space<vmem>> -> memref<80xi32, #tpu.memory_space<vmem>>
        %dma_start3A_64 = arith.constant 0 : i32
        %dma_start3A_65 = arith.constant 0 : i32
        %dma_start3A_66 = tpu.memref_slice %arg13[%dma_start3A_64, %dma_start3A_65] : memref<10000x256xbf16, #tpu.memory_space<vmem_shared>> -> memref<10000x256xbf16, #tpu.memory_space<vmem_shared>>
        tpu.enqueue_indirect_dma source(%arg11 : memref<80x256xbf16, #tpu.memory_space<vmem>>) target(%dma_start3A_66 : memref<10000x256xbf16, #tpu.memory_space<vmem_shared>>) offsets(%dma_start3A_63 : memref<80xi32, #tpu.memory_space<vmem>>) semaphore(%run_scoped3A_60 : memref<!tpu.dma_semaphore, #tpu.memory_space<semaphore_mem>>) {add = true}
        %dma_wait3A_67 = arith.constant 0 : i32
        %dma_wait3A_68 = tpu.memref_slice %arg10[%run_scoped3A_50, %dma_wait3A_67] : memref<125x80xi32, #tpu.memory_space<vmem>> -> memref<1x80xi32, #tpu.memory_space<vmem>>
        %dma_wait3A_69 = tpu.memref_squeeze %dma_wait3A_68 : memref<1x80xi32, #tpu.memory_space<vmem>> -> memref<80xi32, #tpu.memory_space<vmem>>
        %dma_wait3A_70 = arith.constant 0 : i32
        %dma_wait3A_71 = arith.constant 0 : i32
        %dma_wait3A_72 = tpu.memref_slice %arg13[%dma_wait3A_70, %dma_wait3A_71] : memref<10000x256xbf16, #tpu.memory_space<vmem_shared>> -> memref<10000x256xbf16, #tpu.memory_space<vmem_shared>>
        tpu.wait_indirect_dma semaphore(%run_scoped3A_60 : memref<!tpu.dma_semaphore, #tpu.memory_space<semaphore_mem>>) src(%arg11 : memref<80x256xbf16, #tpu.memory_space<vmem>>) dst(%dma_wait3A_72 : memref<10000x256xbf16, #tpu.memory_space<vmem_shared>>)
        tpu.yield
      }) : () -> ()
      %dma_wait3A_51 = arith.constant 123 : i32
      %dma_wait3A_52 = arith.constant 0 : i32
      %dma_wait3A_53 = tpu.memref_slice %arg9[%dma_wait3A_51, %dma_wait3A_52] : memref<125x80xi32, #tpu.memory_space<vmem>> -> memref<1x80xi32, #tpu.memory_space<vmem>>
      %dma_wait3A_54 = tpu.memref_squeeze %dma_wait3A_53 : memref<1x80xi32, #tpu.memory_space<vmem>> -> memref<80xi32, #tpu.memory_space<vmem>>
      %dma_wait3A_55 = arith.constant 0 : i32
      %dma_wait3A_56 = arith.constant 0 : i32
      %dma_wait3A_57 = tpu.memref_slice %arg2[%dma_wait3A_55, %dma_wait3A_56] : memref<10000x256xbf16, #tpu.memory_space<hbm>> -> memref<10000x256xbf16, #tpu.memory_space<hbm>>
      tpu.wait_indirect_dma semaphore(%arg15 : memref<!tpu.dma_semaphore, #tpu.memory_space<semaphore_mem>>) src(%dma_wait3A_57 : memref<10000x256xbf16, #tpu.memory_space<hbm>>) dst(%arg12 : memref<80x256xbf16, #tpu.memory_space<vmem>>)
      %run_scoped3A_58 = arith.constant 123 : i32
      "tpu.region"() ({
        %run_scoped3A_60 = tpu.sem_alloc : memref<!tpu.dma_semaphore, #tpu.memory_space<semaphore_mem>>
        %dma_start3A_61 = arith.constant 0 : i32
        %dma_start3A_62 = tpu.memref_slice %arg10[%run_scoped3A_58, %dma_start3A_61] : memref<125x80xi32, #tpu.memory_space<vmem>> -> memref<1x80xi32, #tpu.memory_space<vmem>>
        %dma_start3A_63 = tpu.memref_squeeze %dma_start3A_62 : memref<1x80xi32, #tpu.memory_space<vmem>> -> memref<80xi32, #tpu.memory_space<vmem>>
        %dma_start3A_64 = arith.constant 0 : i32
        %dma_start3A_65 = arith.constant 0 : i32
        %dma_start3A_66 = tpu.memref_slice %arg13[%dma_start3A_64, %dma_start3A_65] : memref<10000x256xbf16, #tpu.memory_space<vmem_shared>> -> memref<10000x256xbf16, #tpu.memory_space<vmem_shared>>
        tpu.enqueue_indirect_dma source(%arg12 : memref<80x256xbf16, #tpu.memory_space<vmem>>) target(%dma_start3A_66 : memref<10000x256xbf16, #tpu.memory_space<vmem_shared>>) offsets(%dma_start3A_63 : memref<80xi32, #tpu.memory_space<vmem>>) semaphore(%run_scoped3A_60 : memref<!tpu.dma_semaphore, #tpu.memory_space<semaphore_mem>>) {add = true}
        %dma_wait3A_67 = arith.constant 0 : i32
        %dma_wait3A_68 = tpu.memref_slice %arg10[%run_scoped3A_58, %dma_wait3A_67] : memref<125x80xi32, #tpu.memory_space<vmem>> -> memref<1x80xi32, #tpu.memory_space<vmem>>
        %dma_wait3A_69 = tpu.memref_squeeze %dma_wait3A_68 : memref<1x80xi32, #tpu.memory_space<vmem>> -> memref<80xi32, #tpu.memory_space<vmem>>
        %dma_wait3A_70 = arith.constant 0 : i32
        %dma_wait3A_71 = arith.constant 0 : i32
        %dma_wait3A_72 = tpu.memref_slice %arg13[%dma_wait3A_70, %dma_wait3A_71] : memref<10000x256xbf16, #tpu.memory_space<vmem_shared>> -> memref<10000x256xbf16, #tpu.memory_space<vmem_shared>>
        tpu.wait_indirect_dma semaphore(%run_scoped3A_60 : memref<!tpu.dma_semaphore, #tpu.memory_space<semaphore_mem>>) src(%arg12 : memref<80x256xbf16, #tpu.memory_space<vmem>>) dst(%dma_wait3A_72 : memref<10000x256xbf16, #tpu.memory_space<vmem_shared>>)
        tpu.yield
      }) : () -> ()
      %barrier3A_59 = arith.constant 0 : index
      tpu.barrier barrier_id(%barrier3A_59)
      "tpu.region"() ({
        %run_scoped3A_60 = tpu.sem_alloc : memref<!tpu.dma_semaphore, #tpu.memory_space<semaphore_mem>>
        %dma_start3A_61 = arith.constant 0 : i32
        %dma_start3A_62 = tpu.memref_slice %arg7[%mul3A_0, %dma_start3A_61] : memref<10000x256xbf16, #tpu.memory_space<hbm>> -> memref<625x256xbf16, #tpu.memory_space<hbm>>
        %dma_start3A_63 = arith.constant 0 : i32
        %dma_start3A_64 = tpu.memref_slice %arg13[%mul3A_0, %dma_start3A_63] : memref<10000x256xbf16, #tpu.memory_space<vmem_shared>> -> memref<625x256xbf16, #tpu.memory_space<vmem_shared>>
        tpu.enqueue_dma source(%dma_start3A_64 : memref<625x256xbf16, #tpu.memory_space<vmem_shared>>) target(%dma_start3A_62 : memref<625x256xbf16, #tpu.memory_space<hbm>>) target_semaphore(%run_scoped3A_60 : memref<!tpu.dma_semaphore, #tpu.memory_space<semaphore_mem>>)
        %dma_wait3A_65 = arith.constant 0 : i32
        %dma_wait3A_66 = tpu.memref_slice %arg7[%mul3A_0, %dma_wait3A_65] : memref<10000x256xbf16, #tpu.memory_space<hbm>> -> memref<625x256xbf16, #tpu.memory_space<hbm>>
        %dma_wait3A_67 = arith.constant 0 : i32
        %dma_wait3A_68 = tpu.memref_slice %arg13[%mul3A_0, %dma_wait3A_67] : memref<10000x256xbf16, #tpu.memory_space<vmem_shared>> -> memref<625x256xbf16, #tpu.memory_space<vmem_shared>>
        tpu.wait_dma2 semaphore(%run_scoped3A_60 : memref<!tpu.dma_semaphore, #tpu.memory_space<semaphore_mem>>) src(%dma_wait3A_68 : memref<625x256xbf16, #tpu.memory_space<vmem_shared>>) dst(%dma_wait3A_66 : memref<625x256xbf16, #tpu.memory_space<hbm>>)
        tpu.yield
      }) : () -> ()
    } else {
    }
    %eq3A_7 = arith.constant 1 : i32
    %eq3A_8 = arith.cmpi eq, %arg0, %eq3A_7 : i32
    %convert_element_type3A_9 = arith.extui %eq3A_8 : i1 to i32
    %cond3A_10 = arith.constant 0 : i32
    %cond3A_11 = arith.cmpi ne, %convert_element_type3A_9, %cond3A_10 : i32
    scf.if %cond3A_11 {
      "tpu.region"() ({
        %run_scoped3A_60 = tpu.sem_alloc : memref<!tpu.dma_semaphore, #tpu.memory_space<semaphore_mem>>
        %dma_start3A_61 = arith.constant 0 : i32
        %dma_start3A_62 = tpu.memref_slice %arg13[%mul3A_0, %dma_start3A_61] : memref<10000x256xbf16, #tpu.memory_space<vmem_shared>> -> memref<625x256xbf16, #tpu.memory_space<vmem_shared>>
        %dma_start3A_63 = arith.constant 0 : i32
        %dma_start3A_64 = tpu.memref_slice %arg6[%mul3A_0, %dma_start3A_63] : memref<10000x256xbf16, #tpu.memory_space<hbm>> -> memref<625x256xbf16, #tpu.memory_space<hbm>>
        tpu.enqueue_dma source(%dma_start3A_64 : memref<625x256xbf16, #tpu.memory_space<hbm>>) target(%dma_start3A_62 : memref<625x256xbf16, #tpu.memory_space<vmem_shared>>) target_semaphore(%run_scoped3A_60 : memref<!tpu.dma_semaphore, #tpu.memory_space<semaphore_mem>>)
        %dma_wait3A_65 = arith.constant 0 : i32
        %dma_wait3A_66 = tpu.memref_slice %arg13[%mul3A_0, %dma_wait3A_65] : memref<10000x256xbf16, #tpu.memory_space<vmem_shared>> -> memref<625x256xbf16, #tpu.memory_space<vmem_shared>>
        %dma_wait3A_67 = arith.constant 0 : i32
        %dma_wait3A_68 = tpu.memref_slice %arg6[%mul3A_0, %dma_wait3A_67] : memref<10000x256xbf16, #tpu.memory_space<hbm>> -> memref<625x256xbf16, #tpu.memory_space<hbm>>
        tpu.wait_dma2 semaphore(%run_scoped3A_60 : memref<!tpu.dma_semaphore, #tpu.memory_space<semaphore_mem>>) src(%dma_wait3A_68 : memref<625x256xbf16, #tpu.memory_space<hbm>>) dst(%dma_wait3A_66 : memref<625x256xbf16, #tpu.memory_space<vmem_shared>>)
        tpu.yield
      }) : () -> ()
      %barrier3A = arith.constant 0 : index
      tpu.barrier barrier_id(%barrier3A)
      %dma_start3A = arith.constant 124 : i32
      %dma_start3A_12 = arith.constant 0 : i32
      %dma_start3A_13 = tpu.memref_slice %arg9[%dma_start3A, %dma_start3A_12] : memref<125x80xi32, #tpu.memory_space<vmem>> -> memref<1x80xi32, #tpu.memory_space<vmem>>
      %dma_start3A_14 = tpu.memref_squeeze %dma_start3A_13 : memref<1x80xi32, #tpu.memory_space<vmem>> -> memref<80xi32, #tpu.memory_space<vmem>>
      %dma_start3A_15 = arith.constant 0 : i32
      %dma_start3A_16 = arith.constant 0 : i32
      %dma_start3A_17 = tpu.memref_slice %arg3[%dma_start3A_15, %dma_start3A_16] : memref<10000x256xbf16, #tpu.memory_space<hbm>> -> memref<10000x256xbf16, #tpu.memory_space<hbm>>
      tpu.enqueue_indirect_dma source(%dma_start3A_17 : memref<10000x256xbf16, #tpu.memory_space<hbm>>) target(%arg11 : memref<80x256xbf16, #tpu.memory_space<vmem>>) offsets(%dma_start3A_14 : memref<80xi32, #tpu.memory_space<vmem>>) semaphore(%arg14 : memref<!tpu.dma_semaphore, #tpu.memory_space<semaphore_mem>>)
      %dma_wait3A = arith.constant 124 : i32
      %dma_wait3A_18 = arith.constant 0 : i32
      %dma_wait3A_19 = tpu.memref_slice %arg9[%dma_wait3A, %dma_wait3A_18] : memref<125x80xi32, #tpu.memory_space<vmem>> -> memref<1x80xi32, #tpu.memory_space<vmem>>
      %dma_wait3A_20 = tpu.memref_squeeze %dma_wait3A_19 : memref<1x80xi32, #tpu.memory_space<vmem>> -> memref<80xi32, #tpu.memory_space<vmem>>
      %dma_wait3A_21 = arith.constant 0 : i32
      %dma_wait3A_22 = arith.constant 0 : i32
      %dma_wait3A_23 = tpu.memref_slice %arg3[%dma_wait3A_21, %dma_wait3A_22] : memref<10000x256xbf16, #tpu.memory_space<hbm>> -> memref<10000x256xbf16, #tpu.memory_space<hbm>>
      tpu.wait_indirect_dma semaphore(%arg14 : memref<!tpu.dma_semaphore, #tpu.memory_space<semaphore_mem>>) src(%dma_wait3A_23 : memref<10000x256xbf16, #tpu.memory_space<hbm>>) dst(%arg11 : memref<80x256xbf16, #tpu.memory_space<vmem>>)
      %run_scoped3A = arith.constant 124 : i32
      "tpu.region"() ({
        %run_scoped3A_60 = tpu.sem_alloc : memref<!tpu.dma_semaphore, #tpu.memory_space<semaphore_mem>>
        %dma_start3A_61 = arith.constant 0 : i32
        %dma_start3A_62 = tpu.memref_slice %arg10[%run_scoped3A, %dma_start3A_61] : memref<125x80xi32, #tpu.memory_space<vmem>> -> memref<1x80xi32, #tpu.memory_space<vmem>>
        %dma_start3A_63 = tpu.memref_squeeze %dma_start3A_62 : memref<1x80xi32, #tpu.memory_space<vmem>> -> memref<80xi32, #tpu.memory_space<vmem>>
        %dma_start3A_64 = arith.constant 0 : i32
        %dma_start3A_65 = arith.constant 0 : i32
        %dma_start3A_66 = tpu.memref_slice %arg13[%dma_start3A_64, %dma_start3A_65] : memref<10000x256xbf16, #tpu.memory_space<vmem_shared>> -> memref<10000x256xbf16, #tpu.memory_space<vmem_shared>>
        tpu.enqueue_indirect_dma source(%arg11 : memref<80x256xbf16, #tpu.memory_space<vmem>>) target(%dma_start3A_66 : memref<10000x256xbf16, #tpu.memory_space<vmem_shared>>) offsets(%dma_start3A_63 : memref<80xi32, #tpu.memory_space<vmem>>) semaphore(%run_scoped3A_60 : memref<!tpu.dma_semaphore, #tpu.memory_space<semaphore_mem>>) {add = true}
        %dma_wait3A_67 = arith.constant 0 : i32
        %dma_wait3A_68 = tpu.memref_slice %arg10[%run_scoped3A, %dma_wait3A_67] : memref<125x80xi32, #tpu.memory_space<vmem>> -> memref<1x80xi32, #tpu.memory_space<vmem>>
        %dma_wait3A_69 = tpu.memref_squeeze %dma_wait3A_68 : memref<1x80xi32, #tpu.memory_space<vmem>> -> memref<80xi32, #tpu.memory_space<vmem>>
        %dma_wait3A_70 = arith.constant 0 : i32
        %dma_wait3A_71 = arith.constant 0 : i32
        %dma_wait3A_72 = tpu.memref_slice %arg13[%dma_wait3A_70, %dma_wait3A_71] : memref<10000x256xbf16, #tpu.memory_space<vmem_shared>> -> memref<10000x256xbf16, #tpu.memory_space<vmem_shared>>
        tpu.wait_indirect_dma semaphore(%run_scoped3A_60 : memref<!tpu.dma_semaphore, #tpu.memory_space<semaphore_mem>>) src(%arg11 : memref<80x256xbf16, #tpu.memory_space<vmem>>) dst(%dma_wait3A_72 : memref<10000x256xbf16, #tpu.memory_space<vmem_shared>>)
        tpu.yield
      }) : () -> ()
      %dma_start3A_24 = arith.constant 0 : i32
      %dma_start3A_25 = arith.constant 0 : i32
      %dma_start3A_26 = tpu.memref_slice %arg9[%dma_start3A_24, %dma_start3A_25] : memref<125x80xi32, #tpu.memory_space<vmem>> -> memref<1x80xi32, #tpu.memory_space<vmem>>
      %dma_start3A_27 = tpu.memref_squeeze %dma_start3A_26 : memref<1x80xi32, #tpu.memory_space<vmem>> -> memref<80xi32, #tpu.memory_space<vmem>>
      %dma_start3A_28 = arith.constant 0 : i32
      %dma_start3A_29 = arith.constant 0 : i32
      %dma_start3A_30 = tpu.memref_slice %arg3[%dma_start3A_28, %dma_start3A_29] : memref<10000x256xbf16, #tpu.memory_space<hbm>> -> memref<10000x256xbf16, #tpu.memory_space<hbm>>
      tpu.enqueue_indirect_dma source(%dma_start3A_30 : memref<10000x256xbf16, #tpu.memory_space<hbm>>) target(%arg11 : memref<80x256xbf16, #tpu.memory_space<vmem>>) offsets(%dma_start3A_27 : memref<80xi32, #tpu.memory_space<vmem>>) semaphore(%arg14 : memref<!tpu.dma_semaphore, #tpu.memory_space<semaphore_mem>>)
      %dma_start3A_31 = arith.constant 1 : i32
      %dma_start3A_32 = arith.constant 0 : i32
      %dma_start3A_33 = tpu.memref_slice %arg9[%dma_start3A_31, %dma_start3A_32] : memref<125x80xi32, #tpu.memory_space<vmem>> -> memref<1x80xi32, #tpu.memory_space<vmem>>
      %dma_start3A_34 = tpu.memref_squeeze %dma_start3A_33 : memref<1x80xi32, #tpu.memory_space<vmem>> -> memref<80xi32, #tpu.memory_space<vmem>>
      %dma_start3A_35 = arith.constant 0 : i32
      %dma_start3A_36 = arith.constant 0 : i32
      %dma_start3A_37 = tpu.memref_slice %arg3[%dma_start3A_35, %dma_start3A_36] : memref<10000x256xbf16, #tpu.memory_space<hbm>> -> memref<10000x256xbf16, #tpu.memory_space<hbm>>
      tpu.enqueue_indirect_dma source(%dma_start3A_37 : memref<10000x256xbf16, #tpu.memory_space<hbm>>) target(%arg12 : memref<80x256xbf16, #tpu.memory_space<vmem>>) offsets(%dma_start3A_34 : memref<80xi32, #tpu.memory_space<vmem>>) semaphore(%arg15 : memref<!tpu.dma_semaphore, #tpu.memory_space<semaphore_mem>>)
      %scan3A = arith.constant 0 : i32
      %scan3A_38 = arith.constant 0 : i32
      %scan3A_39 = arith.constant 61 : i32
      %scan3A_40 = arith.addi %scan3A_38, %scan3A_39 : i32
      %scan3A_41 = arith.constant 1 : i32
      scf.for %scan3A_60 = %scan3A_38 to %scan3A_40 step %scan3A_41  : i32 {
        %mul3A_61 = arith.constant 2 : i32
        %mul3A_62 = arith.muli %mul3A_61, %scan3A_60 : i32
        %dma_wait3A_63 = arith.constant 0 : i32
        %dma_wait3A_64 = tpu.memref_slice %arg9[%mul3A_62, %dma_wait3A_63] : memref<125x80xi32, #tpu.memory_space<vmem>> -> memref<1x80xi32, #tpu.memory_space<vmem>>
        %dma_wait3A_65 = tpu.memref_squeeze %dma_wait3A_64 : memref<1x80xi32, #tpu.memory_space<vmem>> -> memref<80xi32, #tpu.memory_space<vmem>>
        %dma_wait3A_66 = arith.constant 0 : i32
        %dma_wait3A_67 = arith.constant 0 : i32
        %dma_wait3A_68 = tpu.memref_slice %arg3[%dma_wait3A_66, %dma_wait3A_67] : memref<10000x256xbf16, #tpu.memory_space<hbm>> -> memref<10000x256xbf16, #tpu.memory_space<hbm>>
        tpu.wait_indirect_dma semaphore(%arg14 : memref<!tpu.dma_semaphore, #tpu.memory_space<semaphore_mem>>) src(%dma_wait3A_68 : memref<10000x256xbf16, #tpu.memory_space<hbm>>) dst(%arg11 : memref<80x256xbf16, #tpu.memory_space<vmem>>)
        "tpu.region"() ({
          %run_scoped3A_94 = tpu.sem_alloc : memref<!tpu.dma_semaphore, #tpu.memory_space<semaphore_mem>>
          %dma_start3A_95 = arith.constant 0 : i32
          %dma_start3A_96 = tpu.memref_slice %arg10[%mul3A_62, %dma_start3A_95] : memref<125x80xi32, #tpu.memory_space<vmem>> -> memref<1x80xi32, #tpu.memory_space<vmem>>
          %dma_start3A_97 = tpu.memref_squeeze %dma_start3A_96 : memref<1x80xi32, #tpu.memory_space<vmem>> -> memref<80xi32, #tpu.memory_space<vmem>>
          %dma_start3A_98 = arith.constant 0 : i32
          %dma_start3A_99 = arith.constant 0 : i32
          %dma_start3A_100 = tpu.memref_slice %arg13[%dma_start3A_98, %dma_start3A_99] : memref<10000x256xbf16, #tpu.memory_space<vmem_shared>> -> memref<10000x256xbf16, #tpu.memory_space<vmem_shared>>
          tpu.enqueue_indirect_dma source(%arg11 : memref<80x256xbf16, #tpu.memory_space<vmem>>) target(%dma_start3A_100 : memref<10000x256xbf16, #tpu.memory_space<vmem_shared>>) offsets(%dma_start3A_97 : memref<80xi32, #tpu.memory_space<vmem>>) semaphore(%run_scoped3A_94 : memref<!tpu.dma_semaphore, #tpu.memory_space<semaphore_mem>>) {add = true}
          %dma_wait3A_101 = arith.constant 0 : i32
          %dma_wait3A_102 = tpu.memref_slice %arg10[%mul3A_62, %dma_wait3A_101] : memref<125x80xi32, #tpu.memory_space<vmem>> -> memref<1x80xi32, #tpu.memory_space<vmem>>
          %dma_wait3A_103 = tpu.memref_squeeze %dma_wait3A_102 : memref<1x80xi32, #tpu.memory_space<vmem>> -> memref<80xi32, #tpu.memory_space<vmem>>
          %dma_wait3A_104 = arith.constant 0 : i32
          %dma_wait3A_105 = arith.constant 0 : i32
          %dma_wait3A_106 = tpu.memref_slice %arg13[%dma_wait3A_104, %dma_wait3A_105] : memref<10000x256xbf16, #tpu.memory_space<vmem_shared>> -> memref<10000x256xbf16, #tpu.memory_space<vmem_shared>>
          tpu.wait_indirect_dma semaphore(%run_scoped3A_94 : memref<!tpu.dma_semaphore, #tpu.memory_space<semaphore_mem>>) src(%arg11 : memref<80x256xbf16, #tpu.memory_space<vmem>>) dst(%dma_wait3A_106 : memref<10000x256xbf16, #tpu.memory_space<vmem_shared>>)
          tpu.yield
        }) : () -> ()
        %add3A = arith.constant 2 : i32
        %add3A_69 = arith.addi %mul3A_62, %add3A : i32
        %dma_start3A_70 = arith.constant 0 : i32
        %dma_start3A_71 = tpu.memref_slice %arg9[%add3A_69, %dma_start3A_70] : memref<125x80xi32, #tpu.memory_space<vmem>> -> memref<1x80xi32, #tpu.memory_space<vmem>>
        %dma_start3A_72 = tpu.memref_squeeze %dma_start3A_71 : memref<1x80xi32, #tpu.memory_space<vmem>> -> memref<80xi32, #tpu.memory_space<vmem>>
        %dma_start3A_73 = arith.constant 0 : i32
        %dma_start3A_74 = arith.constant 0 : i32
        %dma_start3A_75 = tpu.memref_slice %arg3[%dma_start3A_73, %dma_start3A_74] : memref<10000x256xbf16, #tpu.memory_space<hbm>> -> memref<10000x256xbf16, #tpu.memory_space<hbm>>
        tpu.enqueue_indirect_dma source(%dma_start3A_75 : memref<10000x256xbf16, #tpu.memory_space<hbm>>) target(%arg11 : memref<80x256xbf16, #tpu.memory_space<vmem>>) offsets(%dma_start3A_72 : memref<80xi32, #tpu.memory_space<vmem>>) semaphore(%arg14 : memref<!tpu.dma_semaphore, #tpu.memory_space<semaphore_mem>>)
        %add3A_76 = arith.constant 1 : i32
        %add3A_77 = arith.addi %mul3A_62, %add3A_76 : i32
        %dma_wait3A_78 = arith.constant 0 : i32
        %dma_wait3A_79 = tpu.memref_slice %arg9[%add3A_77, %dma_wait3A_78] : memref<125x80xi32, #tpu.memory_space<vmem>> -> memref<1x80xi32, #tpu.memory_space<vmem>>
        %dma_wait3A_80 = tpu.memref_squeeze %dma_wait3A_79 : memref<1x80xi32, #tpu.memory_space<vmem>> -> memref<80xi32, #tpu.memory_space<vmem>>
        %dma_wait3A_81 = arith.constant 0 : i32
        %dma_wait3A_82 = arith.constant 0 : i32
        %dma_wait3A_83 = tpu.memref_slice %arg3[%dma_wait3A_81, %dma_wait3A_82] : memref<10000x256xbf16, #tpu.memory_space<hbm>> -> memref<10000x256xbf16, #tpu.memory_space<hbm>>
        tpu.wait_indirect_dma semaphore(%arg15 : memref<!tpu.dma_semaphore, #tpu.memory_space<semaphore_mem>>) src(%dma_wait3A_83 : memref<10000x256xbf16, #tpu.memory_space<hbm>>) dst(%arg12 : memref<80x256xbf16, #tpu.memory_space<vmem>>)
        %add3A_84 = arith.constant 1 : i32
        %add3A_85 = arith.addi %mul3A_62, %add3A_84 : i32
        "tpu.region"() ({
          %run_scoped3A_94 = tpu.sem_alloc : memref<!tpu.dma_semaphore, #tpu.memory_space<semaphore_mem>>
          %dma_start3A_95 = arith.constant 0 : i32
          %dma_start3A_96 = tpu.memref_slice %arg10[%add3A_85, %dma_start3A_95] : memref<125x80xi32, #tpu.memory_space<vmem>> -> memref<1x80xi32, #tpu.memory_space<vmem>>
          %dma_start3A_97 = tpu.memref_squeeze %dma_start3A_96 : memref<1x80xi32, #tpu.memory_space<vmem>> -> memref<80xi32, #tpu.memory_space<vmem>>
          %dma_start3A_98 = arith.constant 0 : i32
          %dma_start3A_99 = arith.constant 0 : i32
          %dma_start3A_100 = tpu.memref_slice %arg13[%dma_start3A_98, %dma_start3A_99] : memref<10000x256xbf16, #tpu.memory_space<vmem_shared>> -> memref<10000x256xbf16, #tpu.memory_space<vmem_shared>>
          tpu.enqueue_indirect_dma source(%arg12 : memref<80x256xbf16, #tpu.memory_space<vmem>>) target(%dma_start3A_100 : memref<10000x256xbf16, #tpu.memory_space<vmem_shared>>) offsets(%dma_start3A_97 : memref<80xi32, #tpu.memory_space<vmem>>) semaphore(%run_scoped3A_94 : memref<!tpu.dma_semaphore, #tpu.memory_space<semaphore_mem>>) {add = true}
          %dma_wait3A_101 = arith.constant 0 : i32
          %dma_wait3A_102 = tpu.memref_slice %arg10[%add3A_85, %dma_wait3A_101] : memref<125x80xi32, #tpu.memory_space<vmem>> -> memref<1x80xi32, #tpu.memory_space<vmem>>
          %dma_wait3A_103 = tpu.memref_squeeze %dma_wait3A_102 : memref<1x80xi32, #tpu.memory_space<vmem>> -> memref<80xi32, #tpu.memory_space<vmem>>
          %dma_wait3A_104 = arith.constant 0 : i32
          %dma_wait3A_105 = arith.constant 0 : i32
          %dma_wait3A_106 = tpu.memref_slice %arg13[%dma_wait3A_104, %dma_wait3A_105] : memref<10000x256xbf16, #tpu.memory_space<vmem_shared>> -> memref<10000x256xbf16, #tpu.memory_space<vmem_shared>>
          tpu.wait_indirect_dma semaphore(%run_scoped3A_94 : memref<!tpu.dma_semaphore, #tpu.memory_space<semaphore_mem>>) src(%arg12 : memref<80x256xbf16, #tpu.memory_space<vmem>>) dst(%dma_wait3A_106 : memref<10000x256xbf16, #tpu.memory_space<vmem_shared>>)
          tpu.yield
        }) : () -> ()
        %add3A_86 = arith.constant 3 : i32
        %add3A_87 = arith.addi %mul3A_62, %add3A_86 : i32
        %dma_start3A_88 = arith.constant 0 : i32
        %dma_start3A_89 = tpu.memref_slice %arg9[%add3A_87, %dma_start3A_88] : memref<125x80xi32, #tpu.memory_space<vmem>> -> memref<1x80xi32, #tpu.memory_space<vmem>>
        %dma_start3A_90 = tpu.memref_squeeze %dma_start3A_89 : memref<1x80xi32, #tpu.memory_space<vmem>> -> memref<80xi32, #tpu.memory_space<vmem>>
        %dma_start3A_91 = arith.constant 0 : i32
        %dma_start3A_92 = arith.constant 0 : i32
        %dma_start3A_93 = tpu.memref_slice %arg3[%dma_start3A_91, %dma_start3A_92] : memref<10000x256xbf16, #tpu.memory_space<hbm>> -> memref<10000x256xbf16, #tpu.memory_space<hbm>>
        tpu.enqueue_indirect_dma source(%dma_start3A_93 : memref<10000x256xbf16, #tpu.memory_space<hbm>>) target(%arg12 : memref<80x256xbf16, #tpu.memory_space<vmem>>) offsets(%dma_start3A_90 : memref<80xi32, #tpu.memory_space<vmem>>) semaphore(%arg15 : memref<!tpu.dma_semaphore, #tpu.memory_space<semaphore_mem>>)
      }
      %scan3A_42 = arith.constant 61 : i32
      %dma_wait3A_43 = arith.constant 122 : i32
      %dma_wait3A_44 = arith.constant 0 : i32
      %dma_wait3A_45 = tpu.memref_slice %arg9[%dma_wait3A_43, %dma_wait3A_44] : memref<125x80xi32, #tpu.memory_space<vmem>> -> memref<1x80xi32, #tpu.memory_space<vmem>>
      %dma_wait3A_46 = tpu.memref_squeeze %dma_wait3A_45 : memref<1x80xi32, #tpu.memory_space<vmem>> -> memref<80xi32, #tpu.memory_space<vmem>>
      %dma_wait3A_47 = arith.constant 0 : i32
      %dma_wait3A_48 = arith.constant 0 : i32
      %dma_wait3A_49 = tpu.memref_slice %arg3[%dma_wait3A_47, %dma_wait3A_48] : memref<10000x256xbf16, #tpu.memory_space<hbm>> -> memref<10000x256xbf16, #tpu.memory_space<hbm>>
      tpu.wait_indirect_dma semaphore(%arg14 : memref<!tpu.dma_semaphore, #tpu.memory_space<semaphore_mem>>) src(%dma_wait3A_49 : memref<10000x256xbf16, #tpu.memory_space<hbm>>) dst(%arg11 : memref<80x256xbf16, #tpu.memory_space<vmem>>)
      %run_scoped3A_50 = arith.constant 122 : i32
      "tpu.region"() ({
        %run_scoped3A_60 = tpu.sem_alloc : memref<!tpu.dma_semaphore, #tpu.memory_space<semaphore_mem>>
        %dma_start3A_61 = arith.constant 0 : i32
        %dma_start3A_62 = tpu.memref_slice %arg10[%run_scoped3A_50, %dma_start3A_61] : memref<125x80xi32, #tpu.memory_space<vmem>> -> memref<1x80xi32, #tpu.memory_space<vmem>>
        %dma_start3A_63 = tpu.memref_squeeze %dma_start3A_62 : memref<1x80xi32, #tpu.memory_space<vmem>> -> memref<80xi32, #tpu.memory_space<vmem>>
        %dma_start3A_64 = arith.constant 0 : i32
        %dma_start3A_65 = arith.constant 0 : i32
        %dma_start3A_66 = tpu.memref_slice %arg13[%dma_start3A_64, %dma_start3A_65] : memref<10000x256xbf16, #tpu.memory_space<vmem_shared>> -> memref<10000x256xbf16, #tpu.memory_space<vmem_shared>>
        tpu.enqueue_indirect_dma source(%arg11 : memref<80x256xbf16, #tpu.memory_space<vmem>>) target(%dma_start3A_66 : memref<10000x256xbf16, #tpu.memory_space<vmem_shared>>) offsets(%dma_start3A_63 : memref<80xi32, #tpu.memory_space<vmem>>) semaphore(%run_scoped3A_60 : memref<!tpu.dma_semaphore, #tpu.memory_space<semaphore_mem>>) {add = true}
        %dma_wait3A_67 = arith.constant 0 : i32
        %dma_wait3A_68 = tpu.memref_slice %arg10[%run_scoped3A_50, %dma_wait3A_67] : memref<125x80xi32, #tpu.memory_space<vmem>> -> memref<1x80xi32, #tpu.memory_space<vmem>>
        %dma_wait3A_69 = tpu.memref_squeeze %dma_wait3A_68 : memref<1x80xi32, #tpu.memory_space<vmem>> -> memref<80xi32, #tpu.memory_space<vmem>>
        %dma_wait3A_70 = arith.constant 0 : i32
        %dma_wait3A_71 = arith.constant 0 : i32
        %dma_wait3A_72 = tpu.memref_slice %arg13[%dma_wait3A_70, %dma_wait3A_71] : memref<10000x256xbf16, #tpu.memory_space<vmem_shared>> -> memref<10000x256xbf16, #tpu.memory_space<vmem_shared>>
        tpu.wait_indirect_dma semaphore(%run_scoped3A_60 : memref<!tpu.dma_semaphore, #tpu.memory_space<semaphore_mem>>) src(%arg11 : memref<80x256xbf16, #tpu.memory_space<vmem>>) dst(%dma_wait3A_72 : memref<10000x256xbf16, #tpu.memory_space<vmem_shared>>)
        tpu.yield
      }) : () -> ()
      %dma_wait3A_51 = arith.constant 123 : i32
      %dma_wait3A_52 = arith.constant 0 : i32
      %dma_wait3A_53 = tpu.memref_slice %arg9[%dma_wait3A_51, %dma_wait3A_52] : memref<125x80xi32, #tpu.memory_space<vmem>> -> memref<1x80xi32, #tpu.memory_space<vmem>>
      %dma_wait3A_54 = tpu.memref_squeeze %dma_wait3A_53 : memref<1x80xi32, #tpu.memory_space<vmem>> -> memref<80xi32, #tpu.memory_space<vmem>>
      %dma_wait3A_55 = arith.constant 0 : i32
      %dma_wait3A_56 = arith.constant 0 : i32
      %dma_wait3A_57 = tpu.memref_slice %arg3[%dma_wait3A_55, %dma_wait3A_56] : memref<10000x256xbf16, #tpu.memory_space<hbm>> -> memref<10000x256xbf16, #tpu.memory_space<hbm>>
      tpu.wait_indirect_dma semaphore(%arg15 : memref<!tpu.dma_semaphore, #tpu.memory_space<semaphore_mem>>) src(%dma_wait3A_57 : memref<10000x256xbf16, #tpu.memory_space<hbm>>) dst(%arg12 : memref<80x256xbf16, #tpu.memory_space<vmem>>)
      %run_scoped3A_58 = arith.constant 123 : i32
      "tpu.region"() ({
        %run_scoped3A_60 = tpu.sem_alloc : memref<!tpu.dma_semaphore, #tpu.memory_space<semaphore_mem>>
        %dma_start3A_61 = arith.constant 0 : i32
        %dma_start3A_62 = tpu.memref_slice %arg10[%run_scoped3A_58, %dma_start3A_61] : memref<125x80xi32, #tpu.memory_space<vmem>> -> memref<1x80xi32, #tpu.memory_space<vmem>>
        %dma_start3A_63 = tpu.memref_squeeze %dma_start3A_62 : memref<1x80xi32, #tpu.memory_space<vmem>> -> memref<80xi32, #tpu.memory_space<vmem>>
        %dma_start3A_64 = arith.constant 0 : i32
        %dma_start3A_65 = arith.constant 0 : i32
        %dma_start3A_66 = tpu.memref_slice %arg13[%dma_start3A_64, %dma_start3A_65] : memref<10000x256xbf16, #tpu.memory_space<vmem_shared>> -> memref<10000x256xbf16, #tpu.memory_space<vmem_shared>>
        tpu.enqueue_indirect_dma source(%arg12 : memref<80x256xbf16, #tpu.memory_space<vmem>>) target(%dma_start3A_66 : memref<10000x256xbf16, #tpu.memory_space<vmem_shared>>) offsets(%dma_start3A_63 : memref<80xi32, #tpu.memory_space<vmem>>) semaphore(%run_scoped3A_60 : memref<!tpu.dma_semaphore, #tpu.memory_space<semaphore_mem>>) {add = true}
        %dma_wait3A_67 = arith.constant 0 : i32
        %dma_wait3A_68 = tpu.memref_slice %arg10[%run_scoped3A_58, %dma_wait3A_67] : memref<125x80xi32, #tpu.memory_space<vmem>> -> memref<1x80xi32, #tpu.memory_space<vmem>>
        %dma_wait3A_69 = tpu.memref_squeeze %dma_wait3A_68 : memref<1x80xi32, #tpu.memory_space<vmem>> -> memref<80xi32, #tpu.memory_space<vmem>>
        %dma_wait3A_70 = arith.constant 0 : i32
        %dma_wait3A_71 = arith.constant 0 : i32
        %dma_wait3A_72 = tpu.memref_slice %arg13[%dma_wait3A_70, %dma_wait3A_71] : memref<10000x256xbf16, #tpu.memory_space<vmem_shared>> -> memref<10000x256xbf16, #tpu.memory_space<vmem_shared>>
        tpu.wait_indirect_dma semaphore(%run_scoped3A_60 : memref<!tpu.dma_semaphore, #tpu.memory_space<semaphore_mem>>) src(%arg12 : memref<80x256xbf16, #tpu.memory_space<vmem>>) dst(%dma_wait3A_72 : memref<10000x256xbf16, #tpu.memory_space<vmem_shared>>)
        tpu.yield
      }) : () -> ()
      %barrier3A_59 = arith.constant 0 : index
      tpu.barrier barrier_id(%barrier3A_59)
      "tpu.region"() ({
        %run_scoped3A_60 = tpu.sem_alloc : memref<!tpu.dma_semaphore, #tpu.memory_space<semaphore_mem>>
        %dma_start3A_61 = arith.constant 0 : i32
        %dma_start3A_62 = tpu.memref_slice %arg8[%mul3A_0, %dma_start3A_61] : memref<10000x256xbf16, #tpu.memory_space<hbm>> -> memref<625x256xbf16, #tpu.memory_space<hbm>>
        %dma_start3A_63 = arith.constant 0 : i32
        %dma_start3A_64 = tpu.memref_slice %arg13[%mul3A_0, %dma_start3A_63] : memref<10000x256xbf16, #tpu.memory_space<vmem_shared>> -> memref<625x256xbf16, #tpu.memory_space<vmem_shared>>
        tpu.enqueue_dma source(%dma_start3A_64 : memref<625x256xbf16, #tpu.memory_space<vmem_shared>>) target(%dma_start3A_62 : memref<625x256xbf16, #tpu.memory_space<hbm>>) target_semaphore(%run_scoped3A_60 : memref<!tpu.dma_semaphore, #tpu.memory_space<semaphore_mem>>)
        %dma_wait3A_65 = arith.constant 0 : i32
        %dma_wait3A_66 = tpu.memref_slice %arg8[%mul3A_0, %dma_wait3A_65] : memref<10000x256xbf16, #tpu.memory_space<hbm>> -> memref<625x256xbf16, #tpu.memory_space<hbm>>
        %dma_wait3A_67 = arith.constant 0 : i32
        %dma_wait3A_68 = tpu.memref_slice %arg13[%mul3A_0, %dma_wait3A_67] : memref<10000x256xbf16, #tpu.memory_space<vmem_shared>> -> memref<625x256xbf16, #tpu.memory_space<vmem_shared>>
        tpu.wait_dma2 semaphore(%run_scoped3A_60 : memref<!tpu.dma_semaphore, #tpu.memory_space<semaphore_mem>>) src(%dma_wait3A_68 : memref<625x256xbf16, #tpu.memory_space<vmem_shared>>) dst(%dma_wait3A_66 : memref<625x256xbf16, #tpu.memory_space<hbm>>)
        tpu.yield
      }) : () -> ()
    } else {
    }
    return
  }
}

#map = affine_map<(d0, d1) -> (0, 0)>
module attributes {stable_mosaic.version = 14 : i64} {
  func.func @body(%arg0: i32, %arg1: i32, %arg2: memref<10000x256xbf16, #tpu.memory_space<hbm>>, %arg3: memref<10000x256xbf16, #tpu.memory_space<hbm>>, %arg4: memref<2000x80xi32, #tpu.memory_space<hbm>>, %arg5: memref<2000x80xi32, #tpu.memory_space<hbm>>, %arg6: memref<10000x256xbf16, #tpu.memory_space<hbm>>, %arg7: memref<10000x256xbf16, #tpu.memory_space<hbm>>, %arg8: memref<10000x256xbf16, #tpu.memory_space<hbm>>, %arg9: memref<125x80xi32, #tpu.memory_space<vmem>>, %arg10: memref<125x80xi32, #tpu.memory_space<vmem>>, %arg11: memref<80x256xbf16, #tpu.memory_space<vmem>>, %arg12: memref<80x256xbf16, #tpu.memory_space<vmem>>, %arg13: memref<10000x256xbf16, #tpu.memory_space<vmem_shared>>, %arg14: memref<!tpu.dma_semaphore, #tpu.memory_space<semaphore_mem>>, %arg15: memref<!tpu.dma_semaphore, #tpu.memory_space<semaphore_mem>>) attributes {dimension_semantics = [#tpu.dimension_semantics<core_parallel>, #tpu.dimension_semantics<subcore_parallel>], iteration_bounds = array<i64: 2, 16>, scalar_prefetch = 0 : i64, scratch_operands = 7 : i64, tpu.core_type = #tpu.core_type<sc_vector_subcore>, window_params = [{transform_indices = #map}, {transform_indices = #map}, {transform_indices = #map}, {transform_indices = #map}, {transform_indices = #map}, {transform_indices = #map}, {transform_indices = #map}]} {
    %mul3A = arith.constant 625 : i32
    %mul3A_0 = arith.muli %arg1, %mul3A : i32
    %mul3A_1 = arith.constant 125 : i32
    %mul3A_2 = arith.muli %arg1, %mul3A_1 : i32
    "tpu.region"() ({
      %run_scoped3A = tpu.sem_alloc : memref<!tpu.dma_semaphore, #tpu.memory_space<semaphore_mem>>
      %dma_start3A = arith.constant 0 : i32
      %dma_start3A_12 = tpu.memref_slice %arg4[%mul3A_2, %dma_start3A] : memref<2000x80xi32, #tpu.memory_space<hbm>> -> memref<125x80xi32, #tpu.memory_space<hbm>>
      %dma_start3A_13 = arith.constant 0 : i32
      %dma_start3A_14 = tpu.memref_slice %arg4[%mul3A_2, %dma_start3A_13] : memref<2000x80xi32, #tpu.memory_space<hbm>> -> memref<125x80xi32, #tpu.memory_space<hbm>>
      tpu.enqueue_dma source(%dma_start3A_14 : memref<125x80xi32, #tpu.memory_space<hbm>>) target(%arg9 : memref<125x80xi32, #tpu.memory_space<vmem>>) target_semaphore(%run_scoped3A : memref<!tpu.dma_semaphore, #tpu.memory_space<semaphore_mem>>)
      %dma_wait3A = arith.constant 0 : i32
      %dma_wait3A_15 = tpu.memref_slice %arg4[%mul3A_2, %dma_wait3A] : memref<2000x80xi32, #tpu.memory_space<hbm>> -> memref<125x80xi32, #tpu.memory_space<hbm>>
      %dma_wait3A_16 = arith.constant 0 : i32
      %dma_wait3A_17 = tpu.memref_slice %arg4[%mul3A_2, %dma_wait3A_16] : memref<2000x80xi32, #tpu.memory_space<hbm>> -> memref<125x80xi32, #tpu.memory_space<hbm>>
      tpu.wait_dma2 semaphore(%run_scoped3A : memref<!tpu.dma_semaphore, #tpu.memory_space<semaphore_mem>>) src(%dma_wait3A_17 : memref<125x80xi32, #tpu.memory_space<hbm>>) dst(%arg9 : memref<125x80xi32, #tpu.memory_space<vmem>>)
      tpu.yield
    }) : () -> ()
    %mul3A_3 = arith.constant 125 : i32
    %mul3A_4 = arith.muli %arg1, %mul3A_3 : i32
    "tpu.region"() ({
      %run_scoped3A = tpu.sem_alloc : memref<!tpu.dma_semaphore, #tpu.memory_space<semaphore_mem>>
      %dma_start3A = arith.constant 0 : i32
      %dma_start3A_12 = tpu.memref_slice %arg5[%mul3A_4, %dma_start3A] : memref<2000x80xi32, #tpu.memory_space<hbm>> -> memref<125x80xi32, #tpu.memory_space<hbm>>
      %dma_start3A_13 = arith.constant 0 : i32
      %dma_start3A_14 = tpu.memref_slice %arg5[%mul3A_4, %dma_start3A_13] : memref<2000x80xi32, #tpu.memory_space<hbm>> -> memref<125x80xi32, #tpu.memory_space<hbm>>
      tpu.enqueue_dma source(%dma_start3A_14 : memref<125x80xi32, #tpu.memory_space<hbm>>) target(%arg10 : memref<125x80xi32, #tpu.memory_space<vmem>>) target_semaphore(%run_scoped3A : memref<!tpu.dma_semaphore, #tpu.memory_space<semaphore_mem>>)
      %dma_wait3A = arith.constant 0 : i32
      %dma_wait3A_15 = tpu.memref_slice %arg5[%mul3A_4, %dma_wait3A] : memref<2000x80xi32, #tpu.memory_space<hbm>> -> memref<125x80xi32, #tpu.memory_space<hbm>>
      %dma_wait3A_16 = arith.constant 0 : i32
      %dma_wait3A_17 = tpu.memref_slice %arg5[%mul3A_4, %dma_wait3A_16] : memref<2000x80xi32, #tpu.memory_space<hbm>> -> memref<125x80xi32, #tpu.memory_space<hbm>>
      tpu.wait_dma2 semaphore(%run_scoped3A : memref<!tpu.dma_semaphore, #tpu.memory_space<semaphore_mem>>) src(%dma_wait3A_17 : memref<125x80xi32, #tpu.memory_space<hbm>>) dst(%arg10 : memref<125x80xi32, #tpu.memory_space<vmem>>)
      tpu.yield
    }) : () -> ()
    %eq3A = arith.constant 0 : i32
    %eq3A_5 = arith.cmpi eq, %arg0, %eq3A : i32
    %convert_element_type3A = arith.extui %eq3A_5 : i1 to i32
    %cond3A = arith.constant 0 : i32
    %cond3A_6 = arith.cmpi ne, %convert_element_type3A, %cond3A : i32
    scf.if %cond3A_6 {
      "tpu.region"() ({
        %run_scoped3A_60 = tpu.sem_alloc : memref<!tpu.dma_semaphore, #tpu.memory_space<semaphore_mem>>
        %dma_start3A_61 = arith.constant 0 : i32
        %dma_start3A_62 = tpu.memref_slice %arg13[%mul3A_0, %dma_start3A_61] : memref<10000x256xbf16, #tpu.memory_space<vmem_shared>> -> memref<625x256xbf16, #tpu.memory_space<vmem_shared>>
        %dma_start3A_63 = arith.constant 0 : i32
        %dma_start3A_64 = tpu.memref_slice %arg6[%mul3A_0, %dma_start3A_63] : memref<10000x256xbf16, #tpu.memory_space<hbm>> -> memref<625x256xbf16, #tpu.memory_space<hbm>>
        tpu.enqueue_dma source(%dma_start3A_64 : memref<625x256xbf16, #tpu.memory_space<hbm>>) target(%dma_start3A_62 : memref<625x256xbf16, #tpu.memory_space<vmem_shared>>) target_semaphore(%run_scoped3A_60 : memref<!tpu.dma_semaphore, #tpu.memory_space<semaphore_mem>>)
        %dma_wait3A_65 = arith.constant 0 : i32
        %dma_wait3A_66 = tpu.memref_slice %arg13[%mul3A_0, %dma_wait3A_65] : memref<10000x256xbf16, #tpu.memory_space<vmem_shared>> -> memref<625x256xbf16, #tpu.memory_space<vmem_shared>>
        %dma_wait3A_67 = arith.constant 0 : i32
        %dma_wait3A_68 = tpu.memref_slice %arg6[%mul3A_0, %dma_wait3A_67] : memref<10000x256xbf16, #tpu.memory_space<hbm>> -> memref<625x256xbf16, #tpu.memory_space<hbm>>
        tpu.wait_dma2 semaphore(%run_scoped3A_60 : memref<!tpu.dma_semaphore, #tpu.memory_space<semaphore_mem>>) src(%dma_wait3A_68 : memref<625x256xbf16, #tpu.memory_space<hbm>>) dst(%dma_wait3A_66 : memref<625x256xbf16, #tpu.memory_space<vmem_shared>>)
        tpu.yield
      }) : () -> ()
      %barrier3A = arith.constant 0 : index
      tpu.barrier barrier_id(%barrier3A)
      %dma_start3A = arith.constant 124 : i32
      %dma_start3A_12 = arith.constant 0 : i32
      %dma_start3A_13 = tpu.memref_slice %arg9[%dma_start3A, %dma_start3A_12] : memref<125x80xi32, #tpu.memory_space<vmem>> -> memref<1x80xi32, #tpu.memory_space<vmem>>
      %dma_start3A_14 = tpu.memref_squeeze %dma_start3A_13 : memref<1x80xi32, #tpu.memory_space<vmem>> -> memref<80xi32, #tpu.memory_space<vmem>>
      %dma_start3A_15 = arith.constant 0 : i32
      %dma_start3A_16 = arith.constant 0 : i32
      %dma_start3A_17 = tpu.memref_slice %arg2[%dma_start3A_15, %dma_start3A_16] : memref<10000x256xbf16, #tpu.memory_space<hbm>> -> memref<10000x256xbf16, #tpu.memory_space<hbm>>
      tpu.enqueue_indirect_dma source(%dma_start3A_17 : memref<10000x256xbf16, #tpu.memory_space<hbm>>) target(%arg11 : memref<80x256xbf16, #tpu.memory_space<vmem>>) offsets(%dma_start3A_14 : memref<80xi32, #tpu.memory_space<vmem>>) semaphore(%arg14 : memref<!tpu.dma_semaphore, #tpu.memory_space<semaphore_mem>>)
      %dma_wait3A = arith.constant 124 : i32
      %dma_wait3A_18 = arith.constant 0 : i32
      %dma_wait3A_19 = tpu.memref_slice %arg9[%dma_wait3A, %dma_wait3A_18] : memref<125x80xi32, #tpu.memory_space<vmem>> -> memref<1x80xi32, #tpu.memory_space<vmem>>
      %dma_wait3A_20 = tpu.memref_squeeze %dma_wait3A_19 : memref<1x80xi32, #tpu.memory_space<vmem>> -> memref<80xi32, #tpu.memory_space<vmem>>
      %dma_wait3A_21 = arith.constant 0 : i32
      %dma_wait3A_22 = arith.constant 0 : i32
      %dma_wait3A_23 = tpu.memref_slice %arg2[%dma_wait3A_21, %dma_wait3A_22] : memref<10000x256xbf16, #tpu.memory_space<hbm>> -> memref<10000x256xbf16, #tpu.memory_space<hbm>>
      tpu.wait_indirect_dma semaphore(%arg14 : memref<!tpu.dma_semaphore, #tpu.memory_space<semaphore_mem>>) src(%dma_wait3A_23 : memref<10000x256xbf16, #tpu.memory_space<hbm>>) dst(%arg11 : memref<80x256xbf16, #tpu.memory_space<vmem>>)
      %run_scoped3A = arith.constant 124 : i32
      "tpu.region"() ({
        %run_scoped3A_60 = tpu.sem_alloc : memref<!tpu.dma_semaphore, #tpu.memory_space<semaphore_mem>>
        %dma_start3A_61 = arith.constant 0 : i32
        %dma_start3A_62 = tpu.memref_slice %arg10[%run_scoped3A, %dma_start3A_61] : memref<125x80xi32, #tpu.memory_space<vmem>> -> memref<1x80xi32, #tpu.memory_space<vmem>>
        %dma_start3A_63 = tpu.memref_squeeze %dma_start3A_62 : memref<1x80xi32, #tpu.memory_space<vmem>> -> memref<80xi32, #tpu.memory_space<vmem>>
        %dma_start3A_64 = arith.constant 0 : i32
        %dma_start3A_65 = arith.constant 0 : i32
        %dma_start3A_66 = tpu.memref_slice %arg13[%dma_start3A_64, %dma_start3A_65] : memref<10000x256xbf16, #tpu.memory_space<vmem_shared>> -> memref<10000x256xbf16, #tpu.memory_space<vmem_shared>>
        tpu.enqueue_indirect_dma source(%arg11 : memref<80x256xbf16, #tpu.memory_space<vmem>>) target(%dma_start3A_66 : memref<10000x256xbf16, #tpu.memory_space<vmem_shared>>) offsets(%dma_start3A_63 : memref<80xi32, #tpu.memory_space<vmem>>) semaphore(%run_scoped3A_60 : memref<!tpu.dma_semaphore, #tpu.memory_space<semaphore_mem>>) {add = true}
        %dma_wait3A_67 = arith.constant 0 : i32
        %dma_wait3A_68 = tpu.memref_slice %arg10[%run_scoped3A, %dma_wait3A_67] : memref<125x80xi32, #tpu.memory_space<vmem>> -> memref<1x80xi32, #tpu.memory_space<vmem>>
        %dma_wait3A_69 = tpu.memref_squeeze %dma_wait3A_68 : memref<1x80xi32, #tpu.memory_space<vmem>> -> memref<80xi32, #tpu.memory_space<vmem>>
        %dma_wait3A_70 = arith.constant 0 : i32
        %dma_wait3A_71 = arith.constant 0 : i32
        %dma_wait3A_72 = tpu.memref_slice %arg13[%dma_wait3A_70, %dma_wait3A_71] : memref<10000x256xbf16, #tpu.memory_space<vmem_shared>> -> memref<10000x256xbf16, #tpu.memory_space<vmem_shared>>
        tpu.wait_indirect_dma semaphore(%run_scoped3A_60 : memref<!tpu.dma_semaphore, #tpu.memory_space<semaphore_mem>>) src(%arg11 : memref<80x256xbf16, #tpu.memory_space<vmem>>) dst(%dma_wait3A_72 : memref<10000x256xbf16, #tpu.memory_space<vmem_shared>>)
        tpu.yield
      }) : () -> ()
      %dma_start3A_24 = arith.constant 0 : i32
      %dma_start3A_25 = arith.constant 0 : i32
      %dma_start3A_26 = tpu.memref_slice %arg9[%dma_start3A_24, %dma_start3A_25] : memref<125x80xi32, #tpu.memory_space<vmem>> -> memref<1x80xi32, #tpu.memory_space<vmem>>
      %dma_start3A_27 = tpu.memref_squeeze %dma_start3A_26 : memref<1x80xi32, #tpu.memory_space<vmem>> -> memref<80xi32, #tpu.memory_space<vmem>>
      %dma_start3A_28 = arith.constant 0 : i32
      %dma_start3A_29 = arith.constant 0 : i32
      %dma_start3A_30 = tpu.memref_slice %arg2[%dma_start3A_28, %dma_start3A_29] : memref<10000x256xbf16, #tpu.memory_space<hbm>> -> memref<10000x256xbf16, #tpu.memory_space<hbm>>
      tpu.enqueue_indirect_dma source(%dma_start3A_30 : memref<10000x256xbf16, #tpu.memory_space<hbm>>) target(%arg11 : memref<80x256xbf16, #tpu.memory_space<vmem>>) offsets(%dma_start3A_27 : memref<80xi32, #tpu.memory_space<vmem>>) semaphore(%arg14 : memref<!tpu.dma_semaphore, #tpu.memory_space<semaphore_mem>>)
      %dma_start3A_31 = arith.constant 1 : i32
      %dma_start3A_32 = arith.constant 0 : i32
      %dma_start3A_33 = tpu.memref_slice %arg9[%dma_start3A_31, %dma_start3A_32] : memref<125x80xi32, #tpu.memory_space<vmem>> -> memref<1x80xi32, #tpu.memory_space<vmem>>
      %dma_start3A_34 = tpu.memref_squeeze %dma_start3A_33 : memref<1x80xi32, #tpu.memory_space<vmem>> -> memref<80xi32, #tpu.memory_space<vmem>>
      %dma_start3A_35 = arith.constant 0 : i32
      %dma_start3A_36 = arith.constant 0 : i32
      %dma_start3A_37 = tpu.memref_slice %arg2[%dma_start3A_35, %dma_start3A_36] : memref<10000x256xbf16, #tpu.memory_space<hbm>> -> memref<10000x256xbf16, #tpu.memory_space<hbm>>
      tpu.enqueue_indirect_dma source(%dma_start3A_37 : memref<10000x256xbf16, #tpu.memory_space<hbm>>) target(%arg12 : memref<80x256xbf16, #tpu.memory_space<vmem>>) offsets(%dma_start3A_34 : memref<80xi32, #tpu.memory_space<vmem>>) semaphore(%arg15 : memref<!tpu.dma_semaphore, #tpu.memory_space<semaphore_mem>>)
      %scan3A = arith.constant 0 : i32
      %scan3A_38 = arith.constant 0 : i32
      %scan3A_39 = arith.constant 61 : i32
      %scan3A_40 = arith.addi %scan3A_38, %scan3A_39 : i32
      %scan3A_41 = arith.constant 1 : i32
      scf.for %scan3A_60 = %scan3A_38 to %scan3A_40 step %scan3A_41  : i32 {
        %mul3A_61 = arith.constant 2 : i32
        %mul3A_62 = arith.muli %mul3A_61, %scan3A_60 : i32
        %dma_wait3A_63 = arith.constant 0 : i32
        %dma_wait3A_64 = tpu.memref_slice %arg9[%mul3A_62, %dma_wait3A_63] : memref<125x80xi32, #tpu.memory_space<vmem>> -> memref<1x80xi32, #tpu.memory_space<vmem>>
        %dma_wait3A_65 = tpu.memref_squeeze %dma_wait3A_64 : memref<1x80xi32, #tpu.memory_space<vmem>> -> memref<80xi32, #tpu.memory_space<vmem>>
        %dma_wait3A_66 = arith.constant 0 : i32
        %dma_wait3A_67 = arith.constant 0 : i32
        %dma_wait3A_68 = tpu.memref_slice %arg2[%dma_wait3A_66, %dma_wait3A_67] : memref<10000x256xbf16, #tpu.memory_space<hbm>> -> memref<10000x256xbf16, #tpu.memory_space<hbm>>
        tpu.wait_indirect_dma semaphore(%arg14 : memref<!tpu.dma_semaphore, #tpu.memory_space<semaphore_mem>>) src(%dma_wait3A_68 : memref<10000x256xbf16, #tpu.memory_space<hbm>>) dst(%arg11 : memref<80x256xbf16, #tpu.memory_space<vmem>>)
        "tpu.region"() ({
          %run_scoped3A_94 = tpu.sem_alloc : memref<!tpu.dma_semaphore, #tpu.memory_space<semaphore_mem>>
          %dma_start3A_95 = arith.constant 0 : i32
          %dma_start3A_96 = tpu.memref_slice %arg10[%mul3A_62, %dma_start3A_95] : memref<125x80xi32, #tpu.memory_space<vmem>> -> memref<1x80xi32, #tpu.memory_space<vmem>>
          %dma_start3A_97 = tpu.memref_squeeze %dma_start3A_96 : memref<1x80xi32, #tpu.memory_space<vmem>> -> memref<80xi32, #tpu.memory_space<vmem>>
          %dma_start3A_98 = arith.constant 0 : i32
          %dma_start3A_99 = arith.constant 0 : i32
          %dma_start3A_100 = tpu.memref_slice %arg13[%dma_start3A_98, %dma_start3A_99] : memref<10000x256xbf16, #tpu.memory_space<vmem_shared>> -> memref<10000x256xbf16, #tpu.memory_space<vmem_shared>>
          tpu.enqueue_indirect_dma source(%arg11 : memref<80x256xbf16, #tpu.memory_space<vmem>>) target(%dma_start3A_100 : memref<10000x256xbf16, #tpu.memory_space<vmem_shared>>) offsets(%dma_start3A_97 : memref<80xi32, #tpu.memory_space<vmem>>) semaphore(%run_scoped3A_94 : memref<!tpu.dma_semaphore, #tpu.memory_space<semaphore_mem>>) {add = true}
          %dma_wait3A_101 = arith.constant 0 : i32
          %dma_wait3A_102 = tpu.memref_slice %arg10[%mul3A_62, %dma_wait3A_101] : memref<125x80xi32, #tpu.memory_space<vmem>> -> memref<1x80xi32, #tpu.memory_space<vmem>>
          %dma_wait3A_103 = tpu.memref_squeeze %dma_wait3A_102 : memref<1x80xi32, #tpu.memory_space<vmem>> -> memref<80xi32, #tpu.memory_space<vmem>>
          %dma_wait3A_104 = arith.constant 0 : i32
          %dma_wait3A_105 = arith.constant 0 : i32
          %dma_wait3A_106 = tpu.memref_slice %arg13[%dma_wait3A_104, %dma_wait3A_105] : memref<10000x256xbf16, #tpu.memory_space<vmem_shared>> -> memref<10000x256xbf16, #tpu.memory_space<vmem_shared>>
          tpu.wait_indirect_dma semaphore(%run_scoped3A_94 : memref<!tpu.dma_semaphore, #tpu.memory_space<semaphore_mem>>) src(%arg11 : memref<80x256xbf16, #tpu.memory_space<vmem>>) dst(%dma_wait3A_106 : memref<10000x256xbf16, #tpu.memory_space<vmem_shared>>)
          tpu.yield
        }) : () -> ()
        %add3A = arith.constant 2 : i32
        %add3A_69 = arith.addi %mul3A_62, %add3A : i32
        %dma_start3A_70 = arith.constant 0 : i32
        %dma_start3A_71 = tpu.memref_slice %arg9[%add3A_69, %dma_start3A_70] : memref<125x80xi32, #tpu.memory_space<vmem>> -> memref<1x80xi32, #tpu.memory_space<vmem>>
        %dma_start3A_72 = tpu.memref_squeeze %dma_start3A_71 : memref<1x80xi32, #tpu.memory_space<vmem>> -> memref<80xi32, #tpu.memory_space<vmem>>
        %dma_start3A_73 = arith.constant 0 : i32
        %dma_start3A_74 = arith.constant 0 : i32
        %dma_start3A_75 = tpu.memref_slice %arg2[%dma_start3A_73, %dma_start3A_74] : memref<10000x256xbf16, #tpu.memory_space<hbm>> -> memref<10000x256xbf16, #tpu.memory_space<hbm>>
        tpu.enqueue_indirect_dma source(%dma_start3A_75 : memref<10000x256xbf16, #tpu.memory_space<hbm>>) target(%arg11 : memref<80x256xbf16, #tpu.memory_space<vmem>>) offsets(%dma_start3A_72 : memref<80xi32, #tpu.memory_space<vmem>>) semaphore(%arg14 : memref<!tpu.dma_semaphore, #tpu.memory_space<semaphore_mem>>)
        %add3A_76 = arith.constant 1 : i32
        %add3A_77 = arith.addi %mul3A_62, %add3A_76 : i32
        %dma_wait3A_78 = arith.constant 0 : i32
        %dma_wait3A_79 = tpu.memref_slice %arg9[%add3A_77, %dma_wait3A_78] : memref<125x80xi32, #tpu.memory_space<vmem>> -> memref<1x80xi32, #tpu.memory_space<vmem>>
        %dma_wait3A_80 = tpu.memref_squeeze %dma_wait3A_79 : memref<1x80xi32, #tpu.memory_space<vmem>> -> memref<80xi32, #tpu.memory_space<vmem>>
        %dma_wait3A_81 = arith.constant 0 : i32
        %dma_wait3A_82 = arith.constant 0 : i32
        %dma_wait3A_83 = tpu.memref_slice %arg2[%dma_wait3A_81, %dma_wait3A_82] : memref<10000x256xbf16, #tpu.memory_space<hbm>> -> memref<10000x256xbf16, #tpu.memory_space<hbm>>
        tpu.wait_indirect_dma semaphore(%arg15 : memref<!tpu.dma_semaphore, #tpu.memory_space<semaphore_mem>>) src(%dma_wait3A_83 : memref<10000x256xbf16, #tpu.memory_space<hbm>>) dst(%arg12 : memref<80x256xbf16, #tpu.memory_space<vmem>>)
        %add3A_84 = arith.constant 1 : i32
        %add3A_85 = arith.addi %mul3A_62, %add3A_84 : i32
        "tpu.region"() ({
          %run_scoped3A_94 = tpu.sem_alloc : memref<!tpu.dma_semaphore, #tpu.memory_space<semaphore_mem>>
          %dma_start3A_95 = arith.constant 0 : i32
          %dma_start3A_96 = tpu.memref_slice %arg10[%add3A_85, %dma_start3A_95] : memref<125x80xi32, #tpu.memory_space<vmem>> -> memref<1x80xi32, #tpu.memory_space<vmem>>
          %dma_start3A_97 = tpu.memref_squeeze %dma_start3A_96 : memref<1x80xi32, #tpu.memory_space<vmem>> -> memref<80xi32, #tpu.memory_space<vmem>>
          %dma_start3A_98 = arith.constant 0 : i32
          %dma_start3A_99 = arith.constant 0 : i32
          %dma_start3A_100 = tpu.memref_slice %arg13[%dma_start3A_98, %dma_start3A_99] : memref<10000x256xbf16, #tpu.memory_space<vmem_shared>> -> memref<10000x256xbf16, #tpu.memory_space<vmem_shared>>
          tpu.enqueue_indirect_dma source(%arg12 : memref<80x256xbf16, #tpu.memory_space<vmem>>) target(%dma_start3A_100 : memref<10000x256xbf16, #tpu.memory_space<vmem_shared>>) offsets(%dma_start3A_97 : memref<80xi32, #tpu.memory_space<vmem>>) semaphore(%run_scoped3A_94 : memref<!tpu.dma_semaphore, #tpu.memory_space<semaphore_mem>>) {add = true}
          %dma_wait3A_101 = arith.constant 0 : i32
          %dma_wait3A_102 = tpu.memref_slice %arg10[%add3A_85, %dma_wait3A_101] : memref<125x80xi32, #tpu.memory_space<vmem>> -> memref<1x80xi32, #tpu.memory_space<vmem>>
          %dma_wait3A_103 = tpu.memref_squeeze %dma_wait3A_102 : memref<1x80xi32, #tpu.memory_space<vmem>> -> memref<80xi32, #tpu.memory_space<vmem>>
          %dma_wait3A_104 = arith.constant 0 : i32
          %dma_wait3A_105 = arith.constant 0 : i32
          %dma_wait3A_106 = tpu.memref_slice %arg13[%dma_wait3A_104, %dma_wait3A_105] : memref<10000x256xbf16, #tpu.memory_space<vmem_shared>> -> memref<10000x256xbf16, #tpu.memory_space<vmem_shared>>
          tpu.wait_indirect_dma semaphore(%run_scoped3A_94 : memref<!tpu.dma_semaphore, #tpu.memory_space<semaphore_mem>>) src(%arg12 : memref<80x256xbf16, #tpu.memory_space<vmem>>) dst(%dma_wait3A_106 : memref<10000x256xbf16, #tpu.memory_space<vmem_shared>>)
          tpu.yield
        }) : () -> ()
        %add3A_86 = arith.constant 3 : i32
        %add3A_87 = arith.addi %mul3A_62, %add3A_86 : i32
        %dma_start3A_88 = arith.constant 0 : i32
        %dma_start3A_89 = tpu.memref_slice %arg9[%add3A_87, %dma_start3A_88] : memref<125x80xi32, #tpu.memory_space<vmem>> -> memref<1x80xi32, #tpu.memory_space<vmem>>
        %dma_start3A_90 = tpu.memref_squeeze %dma_start3A_89 : memref<1x80xi32, #tpu.memory_space<vmem>> -> memref<80xi32, #tpu.memory_space<vmem>>
        %dma_start3A_91 = arith.constant 0 : i32
        %dma_start3A_92 = arith.constant 0 : i32
        %dma_start3A_93 = tpu.memref_slice %arg2[%dma_start3A_91, %dma_start3A_92] : memref<10000x256xbf16, #tpu.memory_space<hbm>> -> memref<10000x256xbf16, #tpu.memory_space<hbm>>
        tpu.enqueue_indirect_dma source(%dma_start3A_93 : memref<10000x256xbf16, #tpu.memory_space<hbm>>) target(%arg12 : memref<80x256xbf16, #tpu.memory_space<vmem>>) offsets(%dma_start3A_90 : memref<80xi32, #tpu.memory_space<vmem>>) semaphore(%arg15 : memref<!tpu.dma_semaphore, #tpu.memory_space<semaphore_mem>>)
      }
      %scan3A_42 = arith.constant 61 : i32
      %dma_wait3A_43 = arith.constant 122 : i32
      %dma_wait3A_44 = arith.constant 0 : i32
      %dma_wait3A_45 = tpu.memref_slice %arg9[%dma_wait3A_43, %dma_wait3A_44] : memref<125x80xi32, #tpu.memory_space<vmem>> -> memref<1x80xi32, #tpu.memory_space<vmem>>
      %dma_wait3A_46 = tpu.memref_squeeze %dma_wait3A_45 : memref<1x80xi32, #tpu.memory_space<vmem>> -> memref<80xi32, #tpu.memory_space<vmem>>
      %dma_wait3A_47 = arith.constant 0 : i32
      %dma_wait3A_48 = arith.constant 0 : i32
      %dma_wait3A_49 = tpu.memref_slice %arg2[%dma_wait3A_47, %dma_wait3A_48] : memref<10000x256xbf16, #tpu.memory_space<hbm>> -> memref<10000x256xbf16, #tpu.memory_space<hbm>>
      tpu.wait_indirect_dma semaphore(%arg14 : memref<!tpu.dma_semaphore, #tpu.memory_space<semaphore_mem>>) src(%dma_wait3A_49 : memref<10000x256xbf16, #tpu.memory_space<hbm>>) dst(%arg11 : memref<80x256xbf16, #tpu.memory_space<vmem>>)
      %run_scoped3A_50 = arith.constant 122 : i32
      "tpu.region"() ({
        %run_scoped3A_60 = tpu.sem_alloc : memref<!tpu.dma_semaphore, #tpu.memory_space<semaphore_mem>>
        %dma_start3A_61 = arith.constant 0 : i32
        %dma_start3A_62 = tpu.memref_slice %arg10[%run_scoped3A_50, %dma_start3A_61] : memref<125x80xi32, #tpu.memory_space<vmem>> -> memref<1x80xi32, #tpu.memory_space<vmem>>
        %dma_start3A_63 = tpu.memref_squeeze %dma_start3A_62 : memref<1x80xi32, #tpu.memory_space<vmem>> -> memref<80xi32, #tpu.memory_space<vmem>>
        %dma_start3A_64 = arith.constant 0 : i32
        %dma_start3A_65 = arith.constant 0 : i32
        %dma_start3A_66 = tpu.memref_slice %arg13[%dma_start3A_64, %dma_start3A_65] : memref<10000x256xbf16, #tpu.memory_space<vmem_shared>> -> memref<10000x256xbf16, #tpu.memory_space<vmem_shared>>
        tpu.enqueue_indirect_dma source(%arg11 : memref<80x256xbf16, #tpu.memory_space<vmem>>) target(%dma_start3A_66 : memref<10000x256xbf16, #tpu.memory_space<vmem_shared>>) offsets(%dma_start3A_63 : memref<80xi32, #tpu.memory_space<vmem>>) semaphore(%run_scoped3A_60 : memref<!tpu.dma_semaphore, #tpu.memory_space<semaphore_mem>>) {add = true}
        %dma_wait3A_67 = arith.constant 0 : i32
        %dma_wait3A_68 = tpu.memref_slice %arg10[%run_scoped3A_50, %dma_wait3A_67] : memref<125x80xi32, #tpu.memory_space<vmem>> -> memref<1x80xi32, #tpu.memory_space<vmem>>
        %dma_wait3A_69 = tpu.memref_squeeze %dma_wait3A_68 : memref<1x80xi32, #tpu.memory_space<vmem>> -> memref<80xi32, #tpu.memory_space<vmem>>
        %dma_wait3A_70 = arith.constant 0 : i32
        %dma_wait3A_71 = arith.constant 0 : i32
        %dma_wait3A_72 = tpu.memref_slice %arg13[%dma_wait3A_70, %dma_wait3A_71] : memref<10000x256xbf16, #tpu.memory_space<vmem_shared>> -> memref<10000x256xbf16, #tpu.memory_space<vmem_shared>>
        tpu.wait_indirect_dma semaphore(%run_scoped3A_60 : memref<!tpu.dma_semaphore, #tpu.memory_space<semaphore_mem>>) src(%arg11 : memref<80x256xbf16, #tpu.memory_space<vmem>>) dst(%dma_wait3A_72 : memref<10000x256xbf16, #tpu.memory_space<vmem_shared>>)
        tpu.yield
      }) : () -> ()
      %dma_wait3A_51 = arith.constant 123 : i32
      %dma_wait3A_52 = arith.constant 0 : i32
      %dma_wait3A_53 = tpu.memref_slice %arg9[%dma_wait3A_51, %dma_wait3A_52] : memref<125x80xi32, #tpu.memory_space<vmem>> -> memref<1x80xi32, #tpu.memory_space<vmem>>
      %dma_wait3A_54 = tpu.memref_squeeze %dma_wait3A_53 : memref<1x80xi32, #tpu.memory_space<vmem>> -> memref<80xi32, #tpu.memory_space<vmem>>
      %dma_wait3A_55 = arith.constant 0 : i32
      %dma_wait3A_56 = arith.constant 0 : i32
      %dma_wait3A_57 = tpu.memref_slice %arg2[%dma_wait3A_55, %dma_wait3A_56] : memref<10000x256xbf16, #tpu.memory_space<hbm>> -> memref<10000x256xbf16, #tpu.memory_space<hbm>>
      tpu.wait_indirect_dma semaphore(%arg15 : memref<!tpu.dma_semaphore, #tpu.memory_space<semaphore_mem>>) src(%dma_wait3A_57 : memref<10000x256xbf16, #tpu.memory_space<hbm>>) dst(%arg12 : memref<80x256xbf16, #tpu.memory_space<vmem>>)
      %run_scoped3A_58 = arith.constant 123 : i32
      "tpu.region"() ({
        %run_scoped3A_60 = tpu.sem_alloc : memref<!tpu.dma_semaphore, #tpu.memory_space<semaphore_mem>>
        %dma_start3A_61 = arith.constant 0 : i32
        %dma_start3A_62 = tpu.memref_slice %arg10[%run_scoped3A_58, %dma_start3A_61] : memref<125x80xi32, #tpu.memory_space<vmem>> -> memref<1x80xi32, #tpu.memory_space<vmem>>
        %dma_start3A_63 = tpu.memref_squeeze %dma_start3A_62 : memref<1x80xi32, #tpu.memory_space<vmem>> -> memref<80xi32, #tpu.memory_space<vmem>>
        %dma_start3A_64 = arith.constant 0 : i32
        %dma_start3A_65 = arith.constant 0 : i32
        %dma_start3A_66 = tpu.memref_slice %arg13[%dma_start3A_64, %dma_start3A_65] : memref<10000x256xbf16, #tpu.memory_space<vmem_shared>> -> memref<10000x256xbf16, #tpu.memory_space<vmem_shared>>
        tpu.enqueue_indirect_dma source(%arg12 : memref<80x256xbf16, #tpu.memory_space<vmem>>) target(%dma_start3A_66 : memref<10000x256xbf16, #tpu.memory_space<vmem_shared>>) offsets(%dma_start3A_63 : memref<80xi32, #tpu.memory_space<vmem>>) semaphore(%run_scoped3A_60 : memref<!tpu.dma_semaphore, #tpu.memory_space<semaphore_mem>>) {add = true}
        %dma_wait3A_67 = arith.constant 0 : i32
        %dma_wait3A_68 = tpu.memref_slice %arg10[%run_scoped3A_58, %dma_wait3A_67] : memref<125x80xi32, #tpu.memory_space<vmem>> -> memref<1x80xi32, #tpu.memory_space<vmem>>
        %dma_wait3A_69 = tpu.memref_squeeze %dma_wait3A_68 : memref<1x80xi32, #tpu.memory_space<vmem>> -> memref<80xi32, #tpu.memory_space<vmem>>
        %dma_wait3A_70 = arith.constant 0 : i32
        %dma_wait3A_71 = arith.constant 0 : i32
        %dma_wait3A_72 = tpu.memref_slice %arg13[%dma_wait3A_70, %dma_wait3A_71] : memref<10000x256xbf16, #tpu.memory_space<vmem_shared>> -> memref<10000x256xbf16, #tpu.memory_space<vmem_shared>>
        tpu.wait_indirect_dma semaphore(%run_scoped3A_60 : memref<!tpu.dma_semaphore, #tpu.memory_space<semaphore_mem>>) src(%arg12 : memref<80x256xbf16, #tpu.memory_space<vmem>>) dst(%dma_wait3A_72 : memref<10000x256xbf16, #tpu.memory_space<vmem_shared>>)
        tpu.yield
      }) : () -> ()
      %barrier3A_59 = arith.constant 0 : index
      tpu.barrier barrier_id(%barrier3A_59)
      "tpu.region"() ({
        %run_scoped3A_60 = tpu.sem_alloc : memref<!tpu.dma_semaphore, #tpu.memory_space<semaphore_mem>>
        %dma_start3A_61 = arith.constant 0 : i32
        %dma_start3A_62 = tpu.memref_slice %arg7[%mul3A_0, %dma_start3A_61] : memref<10000x256xbf16, #tpu.memory_space<hbm>> -> memref<625x256xbf16, #tpu.memory_space<hbm>>
        %dma_start3A_63 = arith.constant 0 : i32
        %dma_start3A_64 = tpu.memref_slice %arg13[%mul3A_0, %dma_start3A_63] : memref<10000x256xbf16, #tpu.memory_space<vmem_shared>> -> memref<625x256xbf16, #tpu.memory_space<vmem_shared>>
        tpu.enqueue_dma source(%dma_start3A_64 : memref<625x256xbf16, #tpu.memory_space<vmem_shared>>) target(%dma_start3A_62 : memref<625x256xbf16, #tpu.memory_space<hbm>>) target_semaphore(%run_scoped3A_60 : memref<!tpu.dma_semaphore, #tpu.memory_space<semaphore_mem>>)
        %dma_wait3A_65 = arith.constant 0 : i32
        %dma_wait3A_66 = tpu.memref_slice %arg7[%mul3A_0, %dma_wait3A_65] : memref<10000x256xbf16, #tpu.memory_space<hbm>> -> memref<625x256xbf16, #tpu.memory_space<hbm>>
        %dma_wait3A_67 = arith.constant 0 : i32
        %dma_wait3A_68 = tpu.memref_slice %arg13[%mul3A_0, %dma_wait3A_67] : memref<10000x256xbf16, #tpu.memory_space<vmem_shared>> -> memref<625x256xbf16, #tpu.memory_space<vmem_shared>>
        tpu.wait_dma2 semaphore(%run_scoped3A_60 : memref<!tpu.dma_semaphore, #tpu.memory_space<semaphore_mem>>) src(%dma_wait3A_68 : memref<625x256xbf16, #tpu.memory_space<vmem_shared>>) dst(%dma_wait3A_66 : memref<625x256xbf16, #tpu.memory_space<hbm>>)
        tpu.yield
      }) : () -> ()
    } else {
    }
    %eq3A_7 = arith.constant 1 : i32
    %eq3A_8 = arith.cmpi eq, %arg0, %eq3A_7 : i32
    %convert_element_type3A_9 = arith.extui %eq3A_8 : i1 to i32
    %cond3A_10 = arith.constant 0 : i32
    %cond3A_11 = arith.cmpi ne, %convert_element_type3A_9, %cond3A_10 : i32
    scf.if %cond3A_11 {
      "tpu.region"() ({
        %run_scoped3A_60 = tpu.sem_alloc : memref<!tpu.dma_semaphore, #tpu.memory_space<semaphore_mem>>
        %dma_start3A_61 = arith.constant 0 : i32
        %dma_start3A_62 = tpu.memref_slice %arg13[%mul3A_0, %dma_start3A_61] : memref<10000x256xbf16, #tpu.memory_space<vmem_shared>> -> memref<625x256xbf16, #tpu.memory_space<vmem_shared>>
        %dma_start3A_63 = arith.constant 0 : i32
        %dma_start3A_64 = tpu.memref_slice %arg6[%mul3A_0, %dma_start3A_63] : memref<10000x256xbf16, #tpu.memory_space<hbm>> -> memref<625x256xbf16, #tpu.memory_space<hbm>>
        tpu.enqueue_dma source(%dma_start3A_64 : memref<625x256xbf16, #tpu.memory_space<hbm>>) target(%dma_start3A_62 : memref<625x256xbf16, #tpu.memory_space<vmem_shared>>) target_semaphore(%run_scoped3A_60 : memref<!tpu.dma_semaphore, #tpu.memory_space<semaphore_mem>>)
        %dma_wait3A_65 = arith.constant 0 : i32
        %dma_wait3A_66 = tpu.memref_slice %arg13[%mul3A_0, %dma_wait3A_65] : memref<10000x256xbf16, #tpu.memory_space<vmem_shared>> -> memref<625x256xbf16, #tpu.memory_space<vmem_shared>>
        %dma_wait3A_67 = arith.constant 0 : i32
        %dma_wait3A_68 = tpu.memref_slice %arg6[%mul3A_0, %dma_wait3A_67] : memref<10000x256xbf16, #tpu.memory_space<hbm>> -> memref<625x256xbf16, #tpu.memory_space<hbm>>
        tpu.wait_dma2 semaphore(%run_scoped3A_60 : memref<!tpu.dma_semaphore, #tpu.memory_space<semaphore_mem>>) src(%dma_wait3A_68 : memref<625x256xbf16, #tpu.memory_space<hbm>>) dst(%dma_wait3A_66 : memref<625x256xbf16, #tpu.memory_space<vmem_shared>>)
        tpu.yield
      }) : () -> ()
      %barrier3A = arith.constant 0 : index
      tpu.barrier barrier_id(%barrier3A)
      %dma_start3A = arith.constant 124 : i32
      %dma_start3A_12 = arith.constant 0 : i32
      %dma_start3A_13 = tpu.memref_slice %arg9[%dma_start3A, %dma_start3A_12] : memref<125x80xi32, #tpu.memory_space<vmem>> -> memref<1x80xi32, #tpu.memory_space<vmem>>
      %dma_start3A_14 = tpu.memref_squeeze %dma_start3A_13 : memref<1x80xi32, #tpu.memory_space<vmem>> -> memref<80xi32, #tpu.memory_space<vmem>>
      %dma_start3A_15 = arith.constant 0 : i32
      %dma_start3A_16 = arith.constant 0 : i32
      %dma_start3A_17 = tpu.memref_slice %arg3[%dma_start3A_15, %dma_start3A_16] : memref<10000x256xbf16, #tpu.memory_space<hbm>> -> memref<10000x256xbf16, #tpu.memory_space<hbm>>
      tpu.enqueue_indirect_dma source(%dma_start3A_17 : memref<10000x256xbf16, #tpu.memory_space<hbm>>) target(%arg11 : memref<80x256xbf16, #tpu.memory_space<vmem>>) offsets(%dma_start3A_14 : memref<80xi32, #tpu.memory_space<vmem>>) semaphore(%arg14 : memref<!tpu.dma_semaphore, #tpu.memory_space<semaphore_mem>>)
      %dma_wait3A = arith.constant 124 : i32
      %dma_wait3A_18 = arith.constant 0 : i32
      %dma_wait3A_19 = tpu.memref_slice %arg9[%dma_wait3A, %dma_wait3A_18] : memref<125x80xi32, #tpu.memory_space<vmem>> -> memref<1x80xi32, #tpu.memory_space<vmem>>
      %dma_wait3A_20 = tpu.memref_squeeze %dma_wait3A_19 : memref<1x80xi32, #tpu.memory_space<vmem>> -> memref<80xi32, #tpu.memory_space<vmem>>
      %dma_wait3A_21 = arith.constant 0 : i32
      %dma_wait3A_22 = arith.constant 0 : i32
      %dma_wait3A_23 = tpu.memref_slice %arg3[%dma_wait3A_21, %dma_wait3A_22] : memref<10000x256xbf16, #tpu.memory_space<hbm>> -> memref<10000x256xbf16, #tpu.memory_space<hbm>>
      tpu.wait_indirect_dma semaphore(%arg14 : memref<!tpu.dma_semaphore, #tpu.memory_space<semaphore_mem>>) src(%dma_wait3A_23 : memref<10000x256xbf16, #tpu.memory_space<hbm>>) dst(%arg11 : memref<80x256xbf16, #tpu.memory_space<vmem>>)
      %run_scoped3A = arith.constant 124 : i32
      "tpu.region"() ({
        %run_scoped3A_60 = tpu.sem_alloc : memref<!tpu.dma_semaphore, #tpu.memory_space<semaphore_mem>>
        %dma_start3A_61 = arith.constant 0 : i32
        %dma_start3A_62 = tpu.memref_slice %arg10[%run_scoped3A, %dma_start3A_61] : memref<125x80xi32, #tpu.memory_space<vmem>> -> memref<1x80xi32, #tpu.memory_space<vmem>>
        %dma_start3A_63 = tpu.memref_squeeze %dma_start3A_62 : memref<1x80xi32, #tpu.memory_space<vmem>> -> memref<80xi32, #tpu.memory_space<vmem>>
        %dma_start3A_64 = arith.constant 0 : i32
        %dma_start3A_65 = arith.constant 0 : i32
        %dma_start3A_66 = tpu.memref_slice %arg13[%dma_start3A_64, %dma_start3A_65] : memref<10000x256xbf16, #tpu.memory_space<vmem_shared>> -> memref<10000x256xbf16, #tpu.memory_space<vmem_shared>>
        tpu.enqueue_indirect_dma source(%arg11 : memref<80x256xbf16, #tpu.memory_space<vmem>>) target(%dma_start3A_66 : memref<10000x256xbf16, #tpu.memory_space<vmem_shared>>) offsets(%dma_start3A_63 : memref<80xi32, #tpu.memory_space<vmem>>) semaphore(%run_scoped3A_60 : memref<!tpu.dma_semaphore, #tpu.memory_space<semaphore_mem>>) {add = true}
        %dma_wait3A_67 = arith.constant 0 : i32
        %dma_wait3A_68 = tpu.memref_slice %arg10[%run_scoped3A, %dma_wait3A_67] : memref<125x80xi32, #tpu.memory_space<vmem>> -> memref<1x80xi32, #tpu.memory_space<vmem>>
        %dma_wait3A_69 = tpu.memref_squeeze %dma_wait3A_68 : memref<1x80xi32, #tpu.memory_space<vmem>> -> memref<80xi32, #tpu.memory_space<vmem>>
        %dma_wait3A_70 = arith.constant 0 : i32
        %dma_wait3A_71 = arith.constant 0 : i32
        %dma_wait3A_72 = tpu.memref_slice %arg13[%dma_wait3A_70, %dma_wait3A_71] : memref<10000x256xbf16, #tpu.memory_space<vmem_shared>> -> memref<10000x256xbf16, #tpu.memory_space<vmem_shared>>
        tpu.wait_indirect_dma semaphore(%run_scoped3A_60 : memref<!tpu.dma_semaphore, #tpu.memory_space<semaphore_mem>>) src(%arg11 : memref<80x256xbf16, #tpu.memory_space<vmem>>) dst(%dma_wait3A_72 : memref<10000x256xbf16, #tpu.memory_space<vmem_shared>>)
        tpu.yield
      }) : () -> ()
      %dma_start3A_24 = arith.constant 0 : i32
      %dma_start3A_25 = arith.constant 0 : i32
      %dma_start3A_26 = tpu.memref_slice %arg9[%dma_start3A_24, %dma_start3A_25] : memref<125x80xi32, #tpu.memory_space<vmem>> -> memref<1x80xi32, #tpu.memory_space<vmem>>
      %dma_start3A_27 = tpu.memref_squeeze %dma_start3A_26 : memref<1x80xi32, #tpu.memory_space<vmem>> -> memref<80xi32, #tpu.memory_space<vmem>>
      %dma_start3A_28 = arith.constant 0 : i32
      %dma_start3A_29 = arith.constant 0 : i32
      %dma_start3A_30 = tpu.memref_slice %arg3[%dma_start3A_28, %dma_start3A_29] : memref<10000x256xbf16, #tpu.memory_space<hbm>> -> memref<10000x256xbf16, #tpu.memory_space<hbm>>
      tpu.enqueue_indirect_dma source(%dma_start3A_30 : memref<10000x256xbf16, #tpu.memory_space<hbm>>) target(%arg11 : memref<80x256xbf16, #tpu.memory_space<vmem>>) offsets(%dma_start3A_27 : memref<80xi32, #tpu.memory_space<vmem>>) semaphore(%arg14 : memref<!tpu.dma_semaphore, #tpu.memory_space<semaphore_mem>>)
      %dma_start3A_31 = arith.constant 1 : i32
      %dma_start3A_32 = arith.constant 0 : i32
      %dma_start3A_33 = tpu.memref_slice %arg9[%dma_start3A_31, %dma_start3A_32] : memref<125x80xi32, #tpu.memory_space<vmem>> -> memref<1x80xi32, #tpu.memory_space<vmem>>
      %dma_start3A_34 = tpu.memref_squeeze %dma_start3A_33 : memref<1x80xi32, #tpu.memory_space<vmem>> -> memref<80xi32, #tpu.memory_space<vmem>>
      %dma_start3A_35 = arith.constant 0 : i32
      %dma_start3A_36 = arith.constant 0 : i32
      %dma_start3A_37 = tpu.memref_slice %arg3[%dma_start3A_35, %dma_start3A_36] : memref<10000x256xbf16, #tpu.memory_space<hbm>> -> memref<10000x256xbf16, #tpu.memory_space<hbm>>
      tpu.enqueue_indirect_dma source(%dma_start3A_37 : memref<10000x256xbf16, #tpu.memory_space<hbm>>) target(%arg12 : memref<80x256xbf16, #tpu.memory_space<vmem>>) offsets(%dma_start3A_34 : memref<80xi32, #tpu.memory_space<vmem>>) semaphore(%arg15 : memref<!tpu.dma_semaphore, #tpu.memory_space<semaphore_mem>>)
      %scan3A = arith.constant 0 : i32
      %scan3A_38 = arith.constant 0 : i32
      %scan3A_39 = arith.constant 61 : i32
      %scan3A_40 = arith.addi %scan3A_38, %scan3A_39 : i32
      %scan3A_41 = arith.constant 1 : i32
      scf.for %scan3A_60 = %scan3A_38 to %scan3A_40 step %scan3A_41  : i32 {
        %mul3A_61 = arith.constant 2 : i32
        %mul3A_62 = arith.muli %mul3A_61, %scan3A_60 : i32
        %dma_wait3A_63 = arith.constant 0 : i32
        %dma_wait3A_64 = tpu.memref_slice %arg9[%mul3A_62, %dma_wait3A_63] : memref<125x80xi32, #tpu.memory_space<vmem>> -> memref<1x80xi32, #tpu.memory_space<vmem>>
        %dma_wait3A_65 = tpu.memref_squeeze %dma_wait3A_64 : memref<1x80xi32, #tpu.memory_space<vmem>> -> memref<80xi32, #tpu.memory_space<vmem>>
        %dma_wait3A_66 = arith.constant 0 : i32
        %dma_wait3A_67 = arith.constant 0 : i32
        %dma_wait3A_68 = tpu.memref_slice %arg3[%dma_wait3A_66, %dma_wait3A_67] : memref<10000x256xbf16, #tpu.memory_space<hbm>> -> memref<10000x256xbf16, #tpu.memory_space<hbm>>
        tpu.wait_indirect_dma semaphore(%arg14 : memref<!tpu.dma_semaphore, #tpu.memory_space<semaphore_mem>>) src(%dma_wait3A_68 : memref<10000x256xbf16, #tpu.memory_space<hbm>>) dst(%arg11 : memref<80x256xbf16, #tpu.memory_space<vmem>>)
        "tpu.region"() ({
          %run_scoped3A_94 = tpu.sem_alloc : memref<!tpu.dma_semaphore, #tpu.memory_space<semaphore_mem>>
          %dma_start3A_95 = arith.constant 0 : i32
          %dma_start3A_96 = tpu.memref_slice %arg10[%mul3A_62, %dma_start3A_95] : memref<125x80xi32, #tpu.memory_space<vmem>> -> memref<1x80xi32, #tpu.memory_space<vmem>>
          %dma_start3A_97 = tpu.memref_squeeze %dma_start3A_96 : memref<1x80xi32, #tpu.memory_space<vmem>> -> memref<80xi32, #tpu.memory_space<vmem>>
          %dma_start3A_98 = arith.constant 0 : i32
          %dma_start3A_99 = arith.constant 0 : i32
          %dma_start3A_100 = tpu.memref_slice %arg13[%dma_start3A_98, %dma_start3A_99] : memref<10000x256xbf16, #tpu.memory_space<vmem_shared>> -> memref<10000x256xbf16, #tpu.memory_space<vmem_shared>>
          tpu.enqueue_indirect_dma source(%arg11 : memref<80x256xbf16, #tpu.memory_space<vmem>>) target(%dma_start3A_100 : memref<10000x256xbf16, #tpu.memory_space<vmem_shared>>) offsets(%dma_start3A_97 : memref<80xi32, #tpu.memory_space<vmem>>) semaphore(%run_scoped3A_94 : memref<!tpu.dma_semaphore, #tpu.memory_space<semaphore_mem>>) {add = true}
          %dma_wait3A_101 = arith.constant 0 : i32
          %dma_wait3A_102 = tpu.memref_slice %arg10[%mul3A_62, %dma_wait3A_101] : memref<125x80xi32, #tpu.memory_space<vmem>> -> memref<1x80xi32, #tpu.memory_space<vmem>>
          %dma_wait3A_103 = tpu.memref_squeeze %dma_wait3A_102 : memref<1x80xi32, #tpu.memory_space<vmem>> -> memref<80xi32, #tpu.memory_space<vmem>>
          %dma_wait3A_104 = arith.constant 0 : i32
          %dma_wait3A_105 = arith.constant 0 : i32
          %dma_wait3A_106 = tpu.memref_slice %arg13[%dma_wait3A_104, %dma_wait3A_105] : memref<10000x256xbf16, #tpu.memory_space<vmem_shared>> -> memref<10000x256xbf16, #tpu.memory_space<vmem_shared>>
          tpu.wait_indirect_dma semaphore(%run_scoped3A_94 : memref<!tpu.dma_semaphore, #tpu.memory_space<semaphore_mem>>) src(%arg11 : memref<80x256xbf16, #tpu.memory_space<vmem>>) dst(%dma_wait3A_106 : memref<10000x256xbf16, #tpu.memory_space<vmem_shared>>)
          tpu.yield
        }) : () -> ()
        %add3A = arith.constant 2 : i32
        %add3A_69 = arith.addi %mul3A_62, %add3A : i32
        %dma_start3A_70 = arith.constant 0 : i32
        %dma_start3A_71 = tpu.memref_slice %arg9[%add3A_69, %dma_start3A_70] : memref<125x80xi32, #tpu.memory_space<vmem>> -> memref<1x80xi32, #tpu.memory_space<vmem>>
        %dma_start3A_72 = tpu.memref_squeeze %dma_start3A_71 : memref<1x80xi32, #tpu.memory_space<vmem>> -> memref<80xi32, #tpu.memory_space<vmem>>
        %dma_start3A_73 = arith.constant 0 : i32
        %dma_start3A_74 = arith.constant 0 : i32
        %dma_start3A_75 = tpu.memref_slice %arg3[%dma_start3A_73, %dma_start3A_74] : memref<10000x256xbf16, #tpu.memory_space<hbm>> -> memref<10000x256xbf16, #tpu.memory_space<hbm>>
        tpu.enqueue_indirect_dma source(%dma_start3A_75 : memref<10000x256xbf16, #tpu.memory_space<hbm>>) target(%arg11 : memref<80x256xbf16, #tpu.memory_space<vmem>>) offsets(%dma_start3A_72 : memref<80xi32, #tpu.memory_space<vmem>>) semaphore(%arg14 : memref<!tpu.dma_semaphore, #tpu.memory_space<semaphore_mem>>)
        %add3A_76 = arith.constant 1 : i32
        %add3A_77 = arith.addi %mul3A_62, %add3A_76 : i32
        %dma_wait3A_78 = arith.constant 0 : i32
        %dma_wait3A_79 = tpu.memref_slice %arg9[%add3A_77, %dma_wait3A_78] : memref<125x80xi32, #tpu.memory_space<vmem>> -> memref<1x80xi32, #tpu.memory_space<vmem>>
        %dma_wait3A_80 = tpu.memref_squeeze %dma_wait3A_79 : memref<1x80xi32, #tpu.memory_space<vmem>> -> memref<80xi32, #tpu.memory_space<vmem>>
        %dma_wait3A_81 = arith.constant 0 : i32
        %dma_wait3A_82 = arith.constant 0 : i32
        %dma_wait3A_83 = tpu.memref_slice %arg3[%dma_wait3A_81, %dma_wait3A_82] : memref<10000x256xbf16, #tpu.memory_space<hbm>> -> memref<10000x256xbf16, #tpu.memory_space<hbm>>
        tpu.wait_indirect_dma semaphore(%arg15 : memref<!tpu.dma_semaphore, #tpu.memory_space<semaphore_mem>>) src(%dma_wait3A_83 : memref<10000x256xbf16, #tpu.memory_space<hbm>>) dst(%arg12 : memref<80x256xbf16, #tpu.memory_space<vmem>>)
        %add3A_84 = arith.constant 1 : i32
        %add3A_85 = arith.addi %mul3A_62, %add3A_84 : i32
        "tpu.region"() ({
          %run_scoped3A_94 = tpu.sem_alloc : memref<!tpu.dma_semaphore, #tpu.memory_space<semaphore_mem>>
          %dma_start3A_95 = arith.constant 0 : i32
          %dma_start3A_96 = tpu.memref_slice %arg10[%add3A_85, %dma_start3A_95] : memref<125x80xi32, #tpu.memory_space<vmem>> -> memref<1x80xi32, #tpu.memory_space<vmem>>
          %dma_start3A_97 = tpu.memref_squeeze %dma_start3A_96 : memref<1x80xi32, #tpu.memory_space<vmem>> -> memref<80xi32, #tpu.memory_space<vmem>>
          %dma_start3A_98 = arith.constant 0 : i32
          %dma_start3A_99 = arith.constant 0 : i32
          %dma_start3A_100 = tpu.memref_slice %arg13[%dma_start3A_98, %dma_start3A_99] : memref<10000x256xbf16, #tpu.memory_space<vmem_shared>> -> memref<10000x256xbf16, #tpu.memory_space<vmem_shared>>
          tpu.enqueue_indirect_dma source(%arg12 : memref<80x256xbf16, #tpu.memory_space<vmem>>) target(%dma_start3A_100 : memref<10000x256xbf16, #tpu.memory_space<vmem_shared>>) offsets(%dma_start3A_97 : memref<80xi32, #tpu.memory_space<vmem>>) semaphore(%run_scoped3A_94 : memref<!tpu.dma_semaphore, #tpu.memory_space<semaphore_mem>>) {add = true}
          %dma_wait3A_101 = arith.constant 0 : i32
          %dma_wait3A_102 = tpu.memref_slice %arg10[%add3A_85, %dma_wait3A_101] : memref<125x80xi32, #tpu.memory_space<vmem>> -> memref<1x80xi32, #tpu.memory_space<vmem>>
          %dma_wait3A_103 = tpu.memref_squeeze %dma_wait3A_102 : memref<1x80xi32, #tpu.memory_space<vmem>> -> memref<80xi32, #tpu.memory_space<vmem>>
          %dma_wait3A_104 = arith.constant 0 : i32
          %dma_wait3A_105 = arith.constant 0 : i32
          %dma_wait3A_106 = tpu.memref_slice %arg13[%dma_wait3A_104, %dma_wait3A_105] : memref<10000x256xbf16, #tpu.memory_space<vmem_shared>> -> memref<10000x256xbf16, #tpu.memory_space<vmem_shared>>
          tpu.wait_indirect_dma semaphore(%run_scoped3A_94 : memref<!tpu.dma_semaphore, #tpu.memory_space<semaphore_mem>>) src(%arg12 : memref<80x256xbf16, #tpu.memory_space<vmem>>) dst(%dma_wait3A_106 : memref<10000x256xbf16, #tpu.memory_space<vmem_shared>>)
          tpu.yield
        }) : () -> ()
        %add3A_86 = arith.constant 3 : i32
        %add3A_87 = arith.addi %mul3A_62, %add3A_86 : i32
        %dma_start3A_88 = arith.constant 0 : i32
        %dma_start3A_89 = tpu.memref_slice %arg9[%add3A_87, %dma_start3A_88] : memref<125x80xi32, #tpu.memory_space<vmem>> -> memref<1x80xi32, #tpu.memory_space<vmem>>
        %dma_start3A_90 = tpu.memref_squeeze %dma_start3A_89 : memref<1x80xi32, #tpu.memory_space<vmem>> -> memref<80xi32, #tpu.memory_space<vmem>>
        %dma_start3A_91 = arith.constant 0 : i32
        %dma_start3A_92 = arith.constant 0 : i32
        %dma_start3A_93 = tpu.memref_slice %arg3[%dma_start3A_91, %dma_start3A_92] : memref<10000x256xbf16, #tpu.memory_space<hbm>> -> memref<10000x256xbf16, #tpu.memory_space<hbm>>
        tpu.enqueue_indirect_dma source(%dma_start3A_93 : memref<10000x256xbf16, #tpu.memory_space<hbm>>) target(%arg12 : memref<80x256xbf16, #tpu.memory_space<vmem>>) offsets(%dma_start3A_90 : memref<80xi32, #tpu.memory_space<vmem>>) semaphore(%arg15 : memref<!tpu.dma_semaphore, #tpu.memory_space<semaphore_mem>>)
      }
      %scan3A_42 = arith.constant 61 : i32
      %dma_wait3A_43 = arith.constant 122 : i32
      %dma_wait3A_44 = arith.constant 0 : i32
      %dma_wait3A_45 = tpu.memref_slice %arg9[%dma_wait3A_43, %dma_wait3A_44] : memref<125x80xi32, #tpu.memory_space<vmem>> -> memref<1x80xi32, #tpu.memory_space<vmem>>
      %dma_wait3A_46 = tpu.memref_squeeze %dma_wait3A_45 : memref<1x80xi32, #tpu.memory_space<vmem>> -> memref<80xi32, #tpu.memory_space<vmem>>
      %dma_wait3A_47 = arith.constant 0 : i32
      %dma_wait3A_48 = arith.constant 0 : i32
      %dma_wait3A_49 = tpu.memref_slice %arg3[%dma_wait3A_47, %dma_wait3A_48] : memref<10000x256xbf16, #tpu.memory_space<hbm>> -> memref<10000x256xbf16, #tpu.memory_space<hbm>>
      tpu.wait_indirect_dma semaphore(%arg14 : memref<!tpu.dma_semaphore, #tpu.memory_space<semaphore_mem>>) src(%dma_wait3A_49 : memref<10000x256xbf16, #tpu.memory_space<hbm>>) dst(%arg11 : memref<80x256xbf16, #tpu.memory_space<vmem>>)
      %run_scoped3A_50 = arith.constant 122 : i32
      "tpu.region"() ({
        %run_scoped3A_60 = tpu.sem_alloc : memref<!tpu.dma_semaphore, #tpu.memory_space<semaphore_mem>>
        %dma_start3A_61 = arith.constant 0 : i32
        %dma_start3A_62 = tpu.memref_slice %arg10[%run_scoped3A_50, %dma_start3A_61] : memref<125x80xi32, #tpu.memory_space<vmem>> -> memref<1x80xi32, #tpu.memory_space<vmem>>
        %dma_start3A_63 = tpu.memref_squeeze %dma_start3A_62 : memref<1x80xi32, #tpu.memory_space<vmem>> -> memref<80xi32, #tpu.memory_space<vmem>>
        %dma_start3A_64 = arith.constant 0 : i32
        %dma_start3A_65 = arith.constant 0 : i32
        %dma_start3A_66 = tpu.memref_slice %arg13[%dma_start3A_64, %dma_start3A_65] : memref<10000x256xbf16, #tpu.memory_space<vmem_shared>> -> memref<10000x256xbf16, #tpu.memory_space<vmem_shared>>
        tpu.enqueue_indirect_dma source(%arg11 : memref<80x256xbf16, #tpu.memory_space<vmem>>) target(%dma_start3A_66 : memref<10000x256xbf16, #tpu.memory_space<vmem_shared>>) offsets(%dma_start3A_63 : memref<80xi32, #tpu.memory_space<vmem>>) semaphore(%run_scoped3A_60 : memref<!tpu.dma_semaphore, #tpu.memory_space<semaphore_mem>>) {add = true}
        %dma_wait3A_67 = arith.constant 0 : i32
        %dma_wait3A_68 = tpu.memref_slice %arg10[%run_scoped3A_50, %dma_wait3A_67] : memref<125x80xi32, #tpu.memory_space<vmem>> -> memref<1x80xi32, #tpu.memory_space<vmem>>
        %dma_wait3A_69 = tpu.memref_squeeze %dma_wait3A_68 : memref<1x80xi32, #tpu.memory_space<vmem>> -> memref<80xi32, #tpu.memory_space<vmem>>
        %dma_wait3A_70 = arith.constant 0 : i32
        %dma_wait3A_71 = arith.constant 0 : i32
        %dma_wait3A_72 = tpu.memref_slice %arg13[%dma_wait3A_70, %dma_wait3A_71] : memref<10000x256xbf16, #tpu.memory_space<vmem_shared>> -> memref<10000x256xbf16, #tpu.memory_space<vmem_shared>>
        tpu.wait_indirect_dma semaphore(%run_scoped3A_60 : memref<!tpu.dma_semaphore, #tpu.memory_space<semaphore_mem>>) src(%arg11 : memref<80x256xbf16, #tpu.memory_space<vmem>>) dst(%dma_wait3A_72 : memref<10000x256xbf16, #tpu.memory_space<vmem_shared>>)
        tpu.yield
      }) : () -> ()
      %dma_wait3A_51 = arith.constant 123 : i32
      %dma_wait3A_52 = arith.constant 0 : i32
      %dma_wait3A_53 = tpu.memref_slice %arg9[%dma_wait3A_51, %dma_wait3A_52] : memref<125x80xi32, #tpu.memory_space<vmem>> -> memref<1x80xi32, #tpu.memory_space<vmem>>
      %dma_wait3A_54 = tpu.memref_squeeze %dma_wait3A_53 : memref<1x80xi32, #tpu.memory_space<vmem>> -> memref<80xi32, #tpu.memory_space<vmem>>
      %dma_wait3A_55 = arith.constant 0 : i32
      %dma_wait3A_56 = arith.constant 0 : i32
      %dma_wait3A_57 = tpu.memref_slice %arg3[%dma_wait3A_55, %dma_wait3A_56] : memref<10000x256xbf16, #tpu.memory_space<hbm>> -> memref<10000x256xbf16, #tpu.memory_space<hbm>>
      tpu.wait_indirect_dma semaphore(%arg15 : memref<!tpu.dma_semaphore, #tpu.memory_space<semaphore_mem>>) src(%dma_wait3A_57 : memref<10000x256xbf16, #tpu.memory_space<hbm>>) dst(%arg12 : memref<80x256xbf16, #tpu.memory_space<vmem>>)
      %run_scoped3A_58 = arith.constant 123 : i32
      "tpu.region"() ({
        %run_scoped3A_60 = tpu.sem_alloc : memref<!tpu.dma_semaphore, #tpu.memory_space<semaphore_mem>>
        %dma_start3A_61 = arith.constant 0 : i32
        %dma_start3A_62 = tpu.memref_slice %arg10[%run_scoped3A_58, %dma_start3A_61] : memref<125x80xi32, #tpu.memory_space<vmem>> -> memref<1x80xi32, #tpu.memory_space<vmem>>
        %dma_start3A_63 = tpu.memref_squeeze %dma_start3A_62 : memref<1x80xi32, #tpu.memory_space<vmem>> -> memref<80xi32, #tpu.memory_space<vmem>>
        %dma_start3A_64 = arith.constant 0 : i32
        %dma_start3A_65 = arith.constant 0 : i32
        %dma_start3A_66 = tpu.memref_slice %arg13[%dma_start3A_64, %dma_start3A_65] : memref<10000x256xbf16, #tpu.memory_space<vmem_shared>> -> memref<10000x256xbf16, #tpu.memory_space<vmem_shared>>
        tpu.enqueue_indirect_dma source(%arg12 : memref<80x256xbf16, #tpu.memory_space<vmem>>) target(%dma_start3A_66 : memref<10000x256xbf16, #tpu.memory_space<vmem_shared>>) offsets(%dma_start3A_63 : memref<80xi32, #tpu.memory_space<vmem>>) semaphore(%run_scoped3A_60 : memref<!tpu.dma_semaphore, #tpu.memory_space<semaphore_mem>>) {add = true}
        %dma_wait3A_67 = arith.constant 0 : i32
        %dma_wait3A_68 = tpu.memref_slice %arg10[%run_scoped3A_58, %dma_wait3A_67] : memref<125x80xi32, #tpu.memory_space<vmem>> -> memref<1x80xi32, #tpu.memory_space<vmem>>
        %dma_wait3A_69 = tpu.memref_squeeze %dma_wait3A_68 : memref<1x80xi32, #tpu.memory_space<vmem>> -> memref<80xi32, #tpu.memory_space<vmem>>
        %dma_wait3A_70 = arith.constant 0 : i32
        %dma_wait3A_71 = arith.constant 0 : i32
        %dma_wait3A_72 = tpu.memref_slice %arg13[%dma_wait3A_70, %dma_wait3A_71] : memref<10000x256xbf16, #tpu.memory_space<vmem_shared>> -> memref<10000x256xbf16, #tpu.memory_space<vmem_shared>>
        tpu.wait_indirect_dma semaphore(%run_scoped3A_60 : memref<!tpu.dma_semaphore, #tpu.memory_space<semaphore_mem>>) src(%arg12 : memref<80x256xbf16, #tpu.memory_space<vmem>>) dst(%dma_wait3A_72 : memref<10000x256xbf16, #tpu.memory_space<vmem_shared>>)
        tpu.yield
      }) : () -> ()
      %barrier3A_59 = arith.constant 0 : index
      tpu.barrier barrier_id(%barrier3A_59)
      "tpu.region"() ({
        %run_scoped3A_60 = tpu.sem_alloc : memref<!tpu.dma_semaphore, #tpu.memory_space<semaphore_mem>>
        %dma_start3A_61 = arith.constant 0 : i32
        %dma_start3A_62 = tpu.memref_slice %arg8[%mul3A_0, %dma_start3A_61] : memref<10000x256xbf16, #tpu.memory_space<hbm>> -> memref<625x256xbf16, #tpu.memory_space<hbm>>
        %dma_start3A_63 = arith.constant 0 : i32
        %dma_start3A_64 = tpu.memref_slice %arg13[%mul3A_0, %dma_start3A_63] : memref<10000x256xbf16, #tpu.memory_space<vmem_shared>> -> memref<625x256xbf16, #tpu.memory_space<vmem_shared>>
        tpu.enqueue_dma source(%dma_start3A_64 : memref<625x256xbf16, #tpu.memory_space<vmem_shared>>) target(%dma_start3A_62 : memref<625x256xbf16, #tpu.memory_space<hbm>>) target_semaphore(%run_scoped3A_60 : memref<!tpu.dma_semaphore, #tpu.memory_space<semaphore_mem>>)
        %dma_wait3A_65 = arith.constant 0 : i32
        %dma_wait3A_66 = tpu.memref_slice %arg8[%mul3A_0, %dma_wait3A_65] : memref<10000x256xbf16, #tpu.memory_space<hbm>> -> memref<625x256xbf16, #tpu.memory_space<hbm>>
        %dma_wait3A_67 = arith.constant 0 : i32
        %dma_wait3A_68 = tpu.memref_slice %arg13[%mul3A_0, %dma_wait3A_67] : memref<10000x256xbf16, #tpu.memory_space<vmem_shared>> -> memref<625x256xbf16, #tpu.memory_space<vmem_shared>>
        tpu.wait_dma2 semaphore(%run_scoped3A_60 : memref<!tpu.dma_semaphore, #tpu.memory_space<semaphore_mem>>) src(%dma_wait3A_68 : memref<625x256xbf16, #tpu.memory_space<vmem_shared>>) dst(%dma_wait3A_66 : memref<625x256xbf16, #tpu.memory_space<hbm>>)
        tpu.yield
      }) : () -> ()
    } else {
    }
    return
  }
}

#map = affine_map<(d0, d1) -> (0, 0)>
module attributes {stable_mosaic.version = 14 : i64} {
  func.func @body(%arg0: i32, %arg1: i32, %arg2: memref<10000x256xbf16, #tpu.memory_space<hbm>>, %arg3: memref<10000x256xbf16, #tpu.memory_space<hbm>>, %arg4: memref<2000x80xi32, #tpu.memory_space<hbm>>, %arg5: memref<2000x80xi32, #tpu.memory_space<hbm>>, %arg6: memref<10000x256xbf16, #tpu.memory_space<hbm>>, %arg7: memref<10000x256xbf16, #tpu.memory_space<hbm>>, %arg8: memref<10000x256xbf16, #tpu.memory_space<hbm>>, %arg9: memref<125x80xi32, #tpu.memory_space<vmem>>, %arg10: memref<125x80xi32, #tpu.memory_space<vmem>>, %arg11: memref<80x256xbf16, #tpu.memory_space<vmem>>, %arg12: memref<80x256xbf16, #tpu.memory_space<vmem>>, %arg13: memref<10000x256xbf16, #tpu.memory_space<vmem_shared>>, %arg14: memref<!tpu.dma_semaphore, #tpu.memory_space<semaphore_mem>>, %arg15: memref<!tpu.dma_semaphore, #tpu.memory_space<semaphore_mem>>) attributes {dimension_semantics = [#tpu.dimension_semantics<core_parallel>, #tpu.dimension_semantics<subcore_parallel>], iteration_bounds = array<i64: 2, 16>, scalar_prefetch = 0 : i64, scratch_operands = 7 : i64, tpu.core_type = #tpu.core_type<sc_vector_subcore>, window_params = [{transform_indices = #map}, {transform_indices = #map}, {transform_indices = #map}, {transform_indices = #map}, {transform_indices = #map}, {transform_indices = #map}, {transform_indices = #map}]} {
    %mul3A = arith.constant 625 : i32
    %mul3A_0 = arith.muli %arg1, %mul3A : i32
    %mul3A_1 = arith.constant 125 : i32
    %mul3A_2 = arith.muli %arg1, %mul3A_1 : i32
    "tpu.region"() ({
      %run_scoped3A = tpu.sem_alloc : memref<!tpu.dma_semaphore, #tpu.memory_space<semaphore_mem>>
      %dma_start3A = arith.constant 0 : i32
      %dma_start3A_12 = tpu.memref_slice %arg4[%mul3A_2, %dma_start3A] : memref<2000x80xi32, #tpu.memory_space<hbm>> -> memref<125x80xi32, #tpu.memory_space<hbm>>
      %dma_start3A_13 = arith.constant 0 : i32
      %dma_start3A_14 = tpu.memref_slice %arg4[%mul3A_2, %dma_start3A_13] : memref<2000x80xi32, #tpu.memory_space<hbm>> -> memref<125x80xi32, #tpu.memory_space<hbm>>
      tpu.enqueue_dma source(%dma_start3A_14 : memref<125x80xi32, #tpu.memory_space<hbm>>) target(%arg9 : memref<125x80xi32, #tpu.memory_space<vmem>>) target_semaphore(%run_scoped3A : memref<!tpu.dma_semaphore, #tpu.memory_space<semaphore_mem>>)
      %dma_wait3A = arith.constant 0 : i32
      %dma_wait3A_15 = tpu.memref_slice %arg4[%mul3A_2, %dma_wait3A] : memref<2000x80xi32, #tpu.memory_space<hbm>> -> memref<125x80xi32, #tpu.memory_space<hbm>>
      %dma_wait3A_16 = arith.constant 0 : i32
      %dma_wait3A_17 = tpu.memref_slice %arg4[%mul3A_2, %dma_wait3A_16] : memref<2000x80xi32, #tpu.memory_space<hbm>> -> memref<125x80xi32, #tpu.memory_space<hbm>>
      tpu.wait_dma2 semaphore(%run_scoped3A : memref<!tpu.dma_semaphore, #tpu.memory_space<semaphore_mem>>) src(%dma_wait3A_17 : memref<125x80xi32, #tpu.memory_space<hbm>>) dst(%arg9 : memref<125x80xi32, #tpu.memory_space<vmem>>)
      tpu.yield
    }) : () -> ()
    %mul3A_3 = arith.constant 125 : i32
    %mul3A_4 = arith.muli %arg1, %mul3A_3 : i32
    "tpu.region"() ({
      %run_scoped3A = tpu.sem_alloc : memref<!tpu.dma_semaphore, #tpu.memory_space<semaphore_mem>>
      %dma_start3A = arith.constant 0 : i32
      %dma_start3A_12 = tpu.memref_slice %arg5[%mul3A_4, %dma_start3A] : memref<2000x80xi32, #tpu.memory_space<hbm>> -> memref<125x80xi32, #tpu.memory_space<hbm>>
      %dma_start3A_13 = arith.constant 0 : i32
      %dma_start3A_14 = tpu.memref_slice %arg5[%mul3A_4, %dma_start3A_13] : memref<2000x80xi32, #tpu.memory_space<hbm>> -> memref<125x80xi32, #tpu.memory_space<hbm>>
      tpu.enqueue_dma source(%dma_start3A_14 : memref<125x80xi32, #tpu.memory_space<hbm>>) target(%arg10 : memref<125x80xi32, #tpu.memory_space<vmem>>) target_semaphore(%run_scoped3A : memref<!tpu.dma_semaphore, #tpu.memory_space<semaphore_mem>>)
      %dma_wait3A = arith.constant 0 : i32
      %dma_wait3A_15 = tpu.memref_slice %arg5[%mul3A_4, %dma_wait3A] : memref<2000x80xi32, #tpu.memory_space<hbm>> -> memref<125x80xi32, #tpu.memory_space<hbm>>
      %dma_wait3A_16 = arith.constant 0 : i32
      %dma_wait3A_17 = tpu.memref_slice %arg5[%mul3A_4, %dma_wait3A_16] : memref<2000x80xi32, #tpu.memory_space<hbm>> -> memref<125x80xi32, #tpu.memory_space<hbm>>
      tpu.wait_dma2 semaphore(%run_scoped3A : memref<!tpu.dma_semaphore, #tpu.memory_space<semaphore_mem>>) src(%dma_wait3A_17 : memref<125x80xi32, #tpu.memory_space<hbm>>) dst(%arg10 : memref<125x80xi32, #tpu.memory_space<vmem>>)
      tpu.yield
    }) : () -> ()
    %eq3A = arith.constant 0 : i32
    %eq3A_5 = arith.cmpi eq, %arg0, %eq3A : i32
    %convert_element_type3A = arith.extui %eq3A_5 : i1 to i32
    %cond3A = arith.constant 0 : i32
    %cond3A_6 = arith.cmpi ne, %convert_element_type3A, %cond3A : i32
    scf.if %cond3A_6 {
      "tpu.region"() ({
        %run_scoped3A_60 = tpu.sem_alloc : memref<!tpu.dma_semaphore, #tpu.memory_space<semaphore_mem>>
        %dma_start3A_61 = arith.constant 0 : i32
        %dma_start3A_62 = tpu.memref_slice %arg13[%mul3A_0, %dma_start3A_61] : memref<10000x256xbf16, #tpu.memory_space<vmem_shared>> -> memref<625x256xbf16, #tpu.memory_space<vmem_shared>>
        %dma_start3A_63 = arith.constant 0 : i32
        %dma_start3A_64 = tpu.memref_slice %arg6[%mul3A_0, %dma_start3A_63] : memref<10000x256xbf16, #tpu.memory_space<hbm>> -> memref<625x256xbf16, #tpu.memory_space<hbm>>
        tpu.enqueue_dma source(%dma_start3A_64 : memref<625x256xbf16, #tpu.memory_space<hbm>>) target(%dma_start3A_62 : memref<625x256xbf16, #tpu.memory_space<vmem_shared>>) target_semaphore(%run_scoped3A_60 : memref<!tpu.dma_semaphore, #tpu.memory_space<semaphore_mem>>)
        %dma_wait3A_65 = arith.constant 0 : i32
        %dma_wait3A_66 = tpu.memref_slice %arg13[%mul3A_0, %dma_wait3A_65] : memref<10000x256xbf16, #tpu.memory_space<vmem_shared>> -> memref<625x256xbf16, #tpu.memory_space<vmem_shared>>
        %dma_wait3A_67 = arith.constant 0 : i32
        %dma_wait3A_68 = tpu.memref_slice %arg6[%mul3A_0, %dma_wait3A_67] : memref<10000x256xbf16, #tpu.memory_space<hbm>> -> memref<625x256xbf16, #tpu.memory_space<hbm>>
        tpu.wait_dma2 semaphore(%run_scoped3A_60 : memref<!tpu.dma_semaphore, #tpu.memory_space<semaphore_mem>>) src(%dma_wait3A_68 : memref<625x256xbf16, #tpu.memory_space<hbm>>) dst(%dma_wait3A_66 : memref<625x256xbf16, #tpu.memory_space<vmem_shared>>)
        tpu.yield
      }) : () -> ()
      %barrier3A = arith.constant 0 : index
      tpu.barrier barrier_id(%barrier3A)
      %dma_start3A = arith.constant 124 : i32
      %dma_start3A_12 = arith.constant 0 : i32
      %dma_start3A_13 = tpu.memref_slice %arg9[%dma_start3A, %dma_start3A_12] : memref<125x80xi32, #tpu.memory_space<vmem>> -> memref<1x80xi32, #tpu.memory_space<vmem>>
      %dma_start3A_14 = tpu.memref_squeeze %dma_start3A_13 : memref<1x80xi32, #tpu.memory_space<vmem>> -> memref<80xi32, #tpu.memory_space<vmem>>
      %dma_start3A_15 = arith.constant 0 : i32
      %dma_start3A_16 = arith.constant 0 : i32
      %dma_start3A_17 = tpu.memref_slice %arg2[%dma_start3A_15, %dma_start3A_16] : memref<10000x256xbf16, #tpu.memory_space<hbm>> -> memref<10000x256xbf16, #tpu.memory_space<hbm>>
      tpu.enqueue_indirect_dma source(%dma_start3A_17 : memref<10000x256xbf16, #tpu.memory_space<hbm>>) target(%arg11 : memref<80x256xbf16, #tpu.memory_space<vmem>>) offsets(%dma_start3A_14 : memref<80xi32, #tpu.memory_space<vmem>>) semaphore(%arg14 : memref<!tpu.dma_semaphore, #tpu.memory_space<semaphore_mem>>)
      %dma_wait3A = arith.constant 124 : i32
      %dma_wait3A_18 = arith.constant 0 : i32
      %dma_wait3A_19 = tpu.memref_slice %arg9[%dma_wait3A, %dma_wait3A_18] : memref<125x80xi32, #tpu.memory_space<vmem>> -> memref<1x80xi32, #tpu.memory_space<vmem>>
      %dma_wait3A_20 = tpu.memref_squeeze %dma_wait3A_19 : memref<1x80xi32, #tpu.memory_space<vmem>> -> memref<80xi32, #tpu.memory_space<vmem>>
      %dma_wait3A_21 = arith.constant 0 : i32
      %dma_wait3A_22 = arith.constant 0 : i32
      %dma_wait3A_23 = tpu.memref_slice %arg2[%dma_wait3A_21, %dma_wait3A_22] : memref<10000x256xbf16, #tpu.memory_space<hbm>> -> memref<10000x256xbf16, #tpu.memory_space<hbm>>
      tpu.wait_indirect_dma semaphore(%arg14 : memref<!tpu.dma_semaphore, #tpu.memory_space<semaphore_mem>>) src(%dma_wait3A_23 : memref<10000x256xbf16, #tpu.memory_space<hbm>>) dst(%arg11 : memref<80x256xbf16, #tpu.memory_space<vmem>>)
      %run_scoped3A = arith.constant 124 : i32
      "tpu.region"() ({
        %run_scoped3A_60 = tpu.sem_alloc : memref<!tpu.dma_semaphore, #tpu.memory_space<semaphore_mem>>
        %dma_start3A_61 = arith.constant 0 : i32
        %dma_start3A_62 = tpu.memref_slice %arg10[%run_scoped3A, %dma_start3A_61] : memref<125x80xi32, #tpu.memory_space<vmem>> -> memref<1x80xi32, #tpu.memory_space<vmem>>
        %dma_start3A_63 = tpu.memref_squeeze %dma_start3A_62 : memref<1x80xi32, #tpu.memory_space<vmem>> -> memref<80xi32, #tpu.memory_space<vmem>>
        %dma_start3A_64 = arith.constant 0 : i32
        %dma_start3A_65 = arith.constant 0 : i32
        %dma_start3A_66 = tpu.memref_slice %arg13[%dma_start3A_64, %dma_start3A_65] : memref<10000x256xbf16, #tpu.memory_space<vmem_shared>> -> memref<10000x256xbf16, #tpu.memory_space<vmem_shared>>
        tpu.enqueue_indirect_dma source(%arg11 : memref<80x256xbf16, #tpu.memory_space<vmem>>) target(%dma_start3A_66 : memref<10000x256xbf16, #tpu.memory_space<vmem_shared>>) offsets(%dma_start3A_63 : memref<80xi32, #tpu.memory_space<vmem>>) semaphore(%run_scoped3A_60 : memref<!tpu.dma_semaphore, #tpu.memory_space<semaphore_mem>>) {add = true}
        %dma_wait3A_67 = arith.constant 0 : i32
        %dma_wait3A_68 = tpu.memref_slice %arg10[%run_scoped3A, %dma_wait3A_67] : memref<125x80xi32, #tpu.memory_space<vmem>> -> memref<1x80xi32, #tpu.memory_space<vmem>>
        %dma_wait3A_69 = tpu.memref_squeeze %dma_wait3A_68 : memref<1x80xi32, #tpu.memory_space<vmem>> -> memref<80xi32, #tpu.memory_space<vmem>>
        %dma_wait3A_70 = arith.constant 0 : i32
        %dma_wait3A_71 = arith.constant 0 : i32
        %dma_wait3A_72 = tpu.memref_slice %arg13[%dma_wait3A_70, %dma_wait3A_71] : memref<10000x256xbf16, #tpu.memory_space<vmem_shared>> -> memref<10000x256xbf16, #tpu.memory_space<vmem_shared>>
        tpu.wait_indirect_dma semaphore(%run_scoped3A_60 : memref<!tpu.dma_semaphore, #tpu.memory_space<semaphore_mem>>) src(%arg11 : memref<80x256xbf16, #tpu.memory_space<vmem>>) dst(%dma_wait3A_72 : memref<10000x256xbf16, #tpu.memory_space<vmem_shared>>)
        tpu.yield
      }) : () -> ()
      %dma_start3A_24 = arith.constant 0 : i32
      %dma_start3A_25 = arith.constant 0 : i32
      %dma_start3A_26 = tpu.memref_slice %arg9[%dma_start3A_24, %dma_start3A_25] : memref<125x80xi32, #tpu.memory_space<vmem>> -> memref<1x80xi32, #tpu.memory_space<vmem>>
      %dma_start3A_27 = tpu.memref_squeeze %dma_start3A_26 : memref<1x80xi32, #tpu.memory_space<vmem>> -> memref<80xi32, #tpu.memory_space<vmem>>
      %dma_start3A_28 = arith.constant 0 : i32
      %dma_start3A_29 = arith.constant 0 : i32
      %dma_start3A_30 = tpu.memref_slice %arg2[%dma_start3A_28, %dma_start3A_29] : memref<10000x256xbf16, #tpu.memory_space<hbm>> -> memref<10000x256xbf16, #tpu.memory_space<hbm>>
      tpu.enqueue_indirect_dma source(%dma_start3A_30 : memref<10000x256xbf16, #tpu.memory_space<hbm>>) target(%arg11 : memref<80x256xbf16, #tpu.memory_space<vmem>>) offsets(%dma_start3A_27 : memref<80xi32, #tpu.memory_space<vmem>>) semaphore(%arg14 : memref<!tpu.dma_semaphore, #tpu.memory_space<semaphore_mem>>)
      %dma_start3A_31 = arith.constant 1 : i32
      %dma_start3A_32 = arith.constant 0 : i32
      %dma_start3A_33 = tpu.memref_slice %arg9[%dma_start3A_31, %dma_start3A_32] : memref<125x80xi32, #tpu.memory_space<vmem>> -> memref<1x80xi32, #tpu.memory_space<vmem>>
      %dma_start3A_34 = tpu.memref_squeeze %dma_start3A_33 : memref<1x80xi32, #tpu.memory_space<vmem>> -> memref<80xi32, #tpu.memory_space<vmem>>
      %dma_start3A_35 = arith.constant 0 : i32
      %dma_start3A_36 = arith.constant 0 : i32
      %dma_start3A_37 = tpu.memref_slice %arg2[%dma_start3A_35, %dma_start3A_36] : memref<10000x256xbf16, #tpu.memory_space<hbm>> -> memref<10000x256xbf16, #tpu.memory_space<hbm>>
      tpu.enqueue_indirect_dma source(%dma_start3A_37 : memref<10000x256xbf16, #tpu.memory_space<hbm>>) target(%arg12 : memref<80x256xbf16, #tpu.memory_space<vmem>>) offsets(%dma_start3A_34 : memref<80xi32, #tpu.memory_space<vmem>>) semaphore(%arg15 : memref<!tpu.dma_semaphore, #tpu.memory_space<semaphore_mem>>)
      %scan3A = arith.constant 0 : i32
      %scan3A_38 = arith.constant 0 : i32
      %scan3A_39 = arith.constant 61 : i32
      %scan3A_40 = arith.addi %scan3A_38, %scan3A_39 : i32
      %scan3A_41 = arith.constant 1 : i32
      scf.for %scan3A_60 = %scan3A_38 to %scan3A_40 step %scan3A_41  : i32 {
        %mul3A_61 = arith.constant 2 : i32
        %mul3A_62 = arith.muli %mul3A_61, %scan3A_60 : i32
        %dma_wait3A_63 = arith.constant 0 : i32
        %dma_wait3A_64 = tpu.memref_slice %arg9[%mul3A_62, %dma_wait3A_63] : memref<125x80xi32, #tpu.memory_space<vmem>> -> memref<1x80xi32, #tpu.memory_space<vmem>>
        %dma_wait3A_65 = tpu.memref_squeeze %dma_wait3A_64 : memref<1x80xi32, #tpu.memory_space<vmem>> -> memref<80xi32, #tpu.memory_space<vmem>>
        %dma_wait3A_66 = arith.constant 0 : i32
        %dma_wait3A_67 = arith.constant 0 : i32
        %dma_wait3A_68 = tpu.memref_slice %arg2[%dma_wait3A_66, %dma_wait3A_67] : memref<10000x256xbf16, #tpu.memory_space<hbm>> -> memref<10000x256xbf16, #tpu.memory_space<hbm>>
        tpu.wait_indirect_dma semaphore(%arg14 : memref<!tpu.dma_semaphore, #tpu.memory_space<semaphore_mem>>) src(%dma_wait3A_68 : memref<10000x256xbf16, #tpu.memory_space<hbm>>) dst(%arg11 : memref<80x256xbf16, #tpu.memory_space<vmem>>)
        "tpu.region"() ({
          %run_scoped3A_94 = tpu.sem_alloc : memref<!tpu.dma_semaphore, #tpu.memory_space<semaphore_mem>>
          %dma_start3A_95 = arith.constant 0 : i32
          %dma_start3A_96 = tpu.memref_slice %arg10[%mul3A_62, %dma_start3A_95] : memref<125x80xi32, #tpu.memory_space<vmem>> -> memref<1x80xi32, #tpu.memory_space<vmem>>
          %dma_start3A_97 = tpu.memref_squeeze %dma_start3A_96 : memref<1x80xi32, #tpu.memory_space<vmem>> -> memref<80xi32, #tpu.memory_space<vmem>>
          %dma_start3A_98 = arith.constant 0 : i32
          %dma_start3A_99 = arith.constant 0 : i32
          %dma_start3A_100 = tpu.memref_slice %arg13[%dma_start3A_98, %dma_start3A_99] : memref<10000x256xbf16, #tpu.memory_space<vmem_shared>> -> memref<10000x256xbf16, #tpu.memory_space<vmem_shared>>
          tpu.enqueue_indirect_dma source(%arg11 : memref<80x256xbf16, #tpu.memory_space<vmem>>) target(%dma_start3A_100 : memref<10000x256xbf16, #tpu.memory_space<vmem_shared>>) offsets(%dma_start3A_97 : memref<80xi32, #tpu.memory_space<vmem>>) semaphore(%run_scoped3A_94 : memref<!tpu.dma_semaphore, #tpu.memory_space<semaphore_mem>>) {add = true}
          %dma_wait3A_101 = arith.constant 0 : i32
          %dma_wait3A_102 = tpu.memref_slice %arg10[%mul3A_62, %dma_wait3A_101] : memref<125x80xi32, #tpu.memory_space<vmem>> -> memref<1x80xi32, #tpu.memory_space<vmem>>
          %dma_wait3A_103 = tpu.memref_squeeze %dma_wait3A_102 : memref<1x80xi32, #tpu.memory_space<vmem>> -> memref<80xi32, #tpu.memory_space<vmem>>
          %dma_wait3A_104 = arith.constant 0 : i32
          %dma_wait3A_105 = arith.constant 0 : i32
          %dma_wait3A_106 = tpu.memref_slice %arg13[%dma_wait3A_104, %dma_wait3A_105] : memref<10000x256xbf16, #tpu.memory_space<vmem_shared>> -> memref<10000x256xbf16, #tpu.memory_space<vmem_shared>>
          tpu.wait_indirect_dma semaphore(%run_scoped3A_94 : memref<!tpu.dma_semaphore, #tpu.memory_space<semaphore_mem>>) src(%arg11 : memref<80x256xbf16, #tpu.memory_space<vmem>>) dst(%dma_wait3A_106 : memref<10000x256xbf16, #tpu.memory_space<vmem_shared>>)
          tpu.yield
        }) : () -> ()
        %add3A = arith.constant 2 : i32
        %add3A_69 = arith.addi %mul3A_62, %add3A : i32
        %dma_start3A_70 = arith.constant 0 : i32
        %dma_start3A_71 = tpu.memref_slice %arg9[%add3A_69, %dma_start3A_70] : memref<125x80xi32, #tpu.memory_space<vmem>> -> memref<1x80xi32, #tpu.memory_space<vmem>>
        %dma_start3A_72 = tpu.memref_squeeze %dma_start3A_71 : memref<1x80xi32, #tpu.memory_space<vmem>> -> memref<80xi32, #tpu.memory_space<vmem>>
        %dma_start3A_73 = arith.constant 0 : i32
        %dma_start3A_74 = arith.constant 0 : i32
        %dma_start3A_75 = tpu.memref_slice %arg2[%dma_start3A_73, %dma_start3A_74] : memref<10000x256xbf16, #tpu.memory_space<hbm>> -> memref<10000x256xbf16, #tpu.memory_space<hbm>>
        tpu.enqueue_indirect_dma source(%dma_start3A_75 : memref<10000x256xbf16, #tpu.memory_space<hbm>>) target(%arg11 : memref<80x256xbf16, #tpu.memory_space<vmem>>) offsets(%dma_start3A_72 : memref<80xi32, #tpu.memory_space<vmem>>) semaphore(%arg14 : memref<!tpu.dma_semaphore, #tpu.memory_space<semaphore_mem>>)
        %add3A_76 = arith.constant 1 : i32
        %add3A_77 = arith.addi %mul3A_62, %add3A_76 : i32
        %dma_wait3A_78 = arith.constant 0 : i32
        %dma_wait3A_79 = tpu.memref_slice %arg9[%add3A_77, %dma_wait3A_78] : memref<125x80xi32, #tpu.memory_space<vmem>> -> memref<1x80xi32, #tpu.memory_space<vmem>>
        %dma_wait3A_80 = tpu.memref_squeeze %dma_wait3A_79 : memref<1x80xi32, #tpu.memory_space<vmem>> -> memref<80xi32, #tpu.memory_space<vmem>>
        %dma_wait3A_81 = arith.constant 0 : i32
        %dma_wait3A_82 = arith.constant 0 : i32
        %dma_wait3A_83 = tpu.memref_slice %arg2[%dma_wait3A_81, %dma_wait3A_82] : memref<10000x256xbf16, #tpu.memory_space<hbm>> -> memref<10000x256xbf16, #tpu.memory_space<hbm>>
        tpu.wait_indirect_dma semaphore(%arg15 : memref<!tpu.dma_semaphore, #tpu.memory_space<semaphore_mem>>) src(%dma_wait3A_83 : memref<10000x256xbf16, #tpu.memory_space<hbm>>) dst(%arg12 : memref<80x256xbf16, #tpu.memory_space<vmem>>)
        %add3A_84 = arith.constant 1 : i32
        %add3A_85 = arith.addi %mul3A_62, %add3A_84 : i32
        "tpu.region"() ({
          %run_scoped3A_94 = tpu.sem_alloc : memref<!tpu.dma_semaphore, #tpu.memory_space<semaphore_mem>>
          %dma_start3A_95 = arith.constant 0 : i32
          %dma_start3A_96 = tpu.memref_slice %arg10[%add3A_85, %dma_start3A_95] : memref<125x80xi32, #tpu.memory_space<vmem>> -> memref<1x80xi32, #tpu.memory_space<vmem>>
          %dma_start3A_97 = tpu.memref_squeeze %dma_start3A_96 : memref<1x80xi32, #tpu.memory_space<vmem>> -> memref<80xi32, #tpu.memory_space<vmem>>
          %dma_start3A_98 = arith.constant 0 : i32
          %dma_start3A_99 = arith.constant 0 : i32
          %dma_start3A_100 = tpu.memref_slice %arg13[%dma_start3A_98, %dma_start3A_99] : memref<10000x256xbf16, #tpu.memory_space<vmem_shared>> -> memref<10000x256xbf16, #tpu.memory_space<vmem_shared>>
          tpu.enqueue_indirect_dma source(%arg12 : memref<80x256xbf16, #tpu.memory_space<vmem>>) target(%dma_start3A_100 : memref<10000x256xbf16, #tpu.memory_space<vmem_shared>>) offsets(%dma_start3A_97 : memref<80xi32, #tpu.memory_space<vmem>>) semaphore(%run_scoped3A_94 : memref<!tpu.dma_semaphore, #tpu.memory_space<semaphore_mem>>) {add = true}
          %dma_wait3A_101 = arith.constant 0 : i32
          %dma_wait3A_102 = tpu.memref_slice %arg10[%add3A_85, %dma_wait3A_101] : memref<125x80xi32, #tpu.memory_space<vmem>> -> memref<1x80xi32, #tpu.memory_space<vmem>>
          %dma_wait3A_103 = tpu.memref_squeeze %dma_wait3A_102 : memref<1x80xi32, #tpu.memory_space<vmem>> -> memref<80xi32, #tpu.memory_space<vmem>>
          %dma_wait3A_104 = arith.constant 0 : i32
          %dma_wait3A_105 = arith.constant 0 : i32
          %dma_wait3A_106 = tpu.memref_slice %arg13[%dma_wait3A_104, %dma_wait3A_105] : memref<10000x256xbf16, #tpu.memory_space<vmem_shared>> -> memref<10000x256xbf16, #tpu.memory_space<vmem_shared>>
          tpu.wait_indirect_dma semaphore(%run_scoped3A_94 : memref<!tpu.dma_semaphore, #tpu.memory_space<semaphore_mem>>) src(%arg12 : memref<80x256xbf16, #tpu.memory_space<vmem>>) dst(%dma_wait3A_106 : memref<10000x256xbf16, #tpu.memory_space<vmem_shared>>)
          tpu.yield
        }) : () -> ()
        %add3A_86 = arith.constant 3 : i32
        %add3A_87 = arith.addi %mul3A_62, %add3A_86 : i32
        %dma_start3A_88 = arith.constant 0 : i32
        %dma_start3A_89 = tpu.memref_slice %arg9[%add3A_87, %dma_start3A_88] : memref<125x80xi32, #tpu.memory_space<vmem>> -> memref<1x80xi32, #tpu.memory_space<vmem>>
        %dma_start3A_90 = tpu.memref_squeeze %dma_start3A_89 : memref<1x80xi32, #tpu.memory_space<vmem>> -> memref<80xi32, #tpu.memory_space<vmem>>
        %dma_start3A_91 = arith.constant 0 : i32
        %dma_start3A_92 = arith.constant 0 : i32
        %dma_start3A_93 = tpu.memref_slice %arg2[%dma_start3A_91, %dma_start3A_92] : memref<10000x256xbf16, #tpu.memory_space<hbm>> -> memref<10000x256xbf16, #tpu.memory_space<hbm>>
        tpu.enqueue_indirect_dma source(%dma_start3A_93 : memref<10000x256xbf16, #tpu.memory_space<hbm>>) target(%arg12 : memref<80x256xbf16, #tpu.memory_space<vmem>>) offsets(%dma_start3A_90 : memref<80xi32, #tpu.memory_space<vmem>>) semaphore(%arg15 : memref<!tpu.dma_semaphore, #tpu.memory_space<semaphore_mem>>)
      }
      %scan3A_42 = arith.constant 61 : i32
      %dma_wait3A_43 = arith.constant 122 : i32
      %dma_wait3A_44 = arith.constant 0 : i32
      %dma_wait3A_45 = tpu.memref_slice %arg9[%dma_wait3A_43, %dma_wait3A_44] : memref<125x80xi32, #tpu.memory_space<vmem>> -> memref<1x80xi32, #tpu.memory_space<vmem>>
      %dma_wait3A_46 = tpu.memref_squeeze %dma_wait3A_45 : memref<1x80xi32, #tpu.memory_space<vmem>> -> memref<80xi32, #tpu.memory_space<vmem>>
      %dma_wait3A_47 = arith.constant 0 : i32
      %dma_wait3A_48 = arith.constant 0 : i32
      %dma_wait3A_49 = tpu.memref_slice %arg2[%dma_wait3A_47, %dma_wait3A_48] : memref<10000x256xbf16, #tpu.memory_space<hbm>> -> memref<10000x256xbf16, #tpu.memory_space<hbm>>
      tpu.wait_indirect_dma semaphore(%arg14 : memref<!tpu.dma_semaphore, #tpu.memory_space<semaphore_mem>>) src(%dma_wait3A_49 : memref<10000x256xbf16, #tpu.memory_space<hbm>>) dst(%arg11 : memref<80x256xbf16, #tpu.memory_space<vmem>>)
      %run_scoped3A_50 = arith.constant 122 : i32
      "tpu.region"() ({
        %run_scoped3A_60 = tpu.sem_alloc : memref<!tpu.dma_semaphore, #tpu.memory_space<semaphore_mem>>
        %dma_start3A_61 = arith.constant 0 : i32
        %dma_start3A_62 = tpu.memref_slice %arg10[%run_scoped3A_50, %dma_start3A_61] : memref<125x80xi32, #tpu.memory_space<vmem>> -> memref<1x80xi32, #tpu.memory_space<vmem>>
        %dma_start3A_63 = tpu.memref_squeeze %dma_start3A_62 : memref<1x80xi32, #tpu.memory_space<vmem>> -> memref<80xi32, #tpu.memory_space<vmem>>
        %dma_start3A_64 = arith.constant 0 : i32
        %dma_start3A_65 = arith.constant 0 : i32
        %dma_start3A_66 = tpu.memref_slice %arg13[%dma_start3A_64, %dma_start3A_65] : memref<10000x256xbf16, #tpu.memory_space<vmem_shared>> -> memref<10000x256xbf16, #tpu.memory_space<vmem_shared>>
        tpu.enqueue_indirect_dma source(%arg11 : memref<80x256xbf16, #tpu.memory_space<vmem>>) target(%dma_start3A_66 : memref<10000x256xbf16, #tpu.memory_space<vmem_shared>>) offsets(%dma_start3A_63 : memref<80xi32, #tpu.memory_space<vmem>>) semaphore(%run_scoped3A_60 : memref<!tpu.dma_semaphore, #tpu.memory_space<semaphore_mem>>) {add = true}
        %dma_wait3A_67 = arith.constant 0 : i32
        %dma_wait3A_68 = tpu.memref_slice %arg10[%run_scoped3A_50, %dma_wait3A_67] : memref<125x80xi32, #tpu.memory_space<vmem>> -> memref<1x80xi32, #tpu.memory_space<vmem>>
        %dma_wait3A_69 = tpu.memref_squeeze %dma_wait3A_68 : memref<1x80xi32, #tpu.memory_space<vmem>> -> memref<80xi32, #tpu.memory_space<vmem>>
        %dma_wait3A_70 = arith.constant 0 : i32
        %dma_wait3A_71 = arith.constant 0 : i32
        %dma_wait3A_72 = tpu.memref_slice %arg13[%dma_wait3A_70, %dma_wait3A_71] : memref<10000x256xbf16, #tpu.memory_space<vmem_shared>> -> memref<10000x256xbf16, #tpu.memory_space<vmem_shared>>
        tpu.wait_indirect_dma semaphore(%run_scoped3A_60 : memref<!tpu.dma_semaphore, #tpu.memory_space<semaphore_mem>>) src(%arg11 : memref<80x256xbf16, #tpu.memory_space<vmem>>) dst(%dma_wait3A_72 : memref<10000x256xbf16, #tpu.memory_space<vmem_shared>>)
        tpu.yield
      }) : () -> ()
      %dma_wait3A_51 = arith.constant 123 : i32
      %dma_wait3A_52 = arith.constant 0 : i32
      %dma_wait3A_53 = tpu.memref_slice %arg9[%dma_wait3A_51, %dma_wait3A_52] : memref<125x80xi32, #tpu.memory_space<vmem>> -> memref<1x80xi32, #tpu.memory_space<vmem>>
      %dma_wait3A_54 = tpu.memref_squeeze %dma_wait3A_53 : memref<1x80xi32, #tpu.memory_space<vmem>> -> memref<80xi32, #tpu.memory_space<vmem>>
      %dma_wait3A_55 = arith.constant 0 : i32
      %dma_wait3A_56 = arith.constant 0 : i32
      %dma_wait3A_57 = tpu.memref_slice %arg2[%dma_wait3A_55, %dma_wait3A_56] : memref<10000x256xbf16, #tpu.memory_space<hbm>> -> memref<10000x256xbf16, #tpu.memory_space<hbm>>
      tpu.wait_indirect_dma semaphore(%arg15 : memref<!tpu.dma_semaphore, #tpu.memory_space<semaphore_mem>>) src(%dma_wait3A_57 : memref<10000x256xbf16, #tpu.memory_space<hbm>>) dst(%arg12 : memref<80x256xbf16, #tpu.memory_space<vmem>>)
      %run_scoped3A_58 = arith.constant 123 : i32
      "tpu.region"() ({
        %run_scoped3A_60 = tpu.sem_alloc : memref<!tpu.dma_semaphore, #tpu.memory_space<semaphore_mem>>
        %dma_start3A_61 = arith.constant 0 : i32
        %dma_start3A_62 = tpu.memref_slice %arg10[%run_scoped3A_58, %dma_start3A_61] : memref<125x80xi32, #tpu.memory_space<vmem>> -> memref<1x80xi32, #tpu.memory_space<vmem>>
        %dma_start3A_63 = tpu.memref_squeeze %dma_start3A_62 : memref<1x80xi32, #tpu.memory_space<vmem>> -> memref<80xi32, #tpu.memory_space<vmem>>
        %dma_start3A_64 = arith.constant 0 : i32
        %dma_start3A_65 = arith.constant 0 : i32
        %dma_start3A_66 = tpu.memref_slice %arg13[%dma_start3A_64, %dma_start3A_65] : memref<10000x256xbf16, #tpu.memory_space<vmem_shared>> -> memref<10000x256xbf16, #tpu.memory_space<vmem_shared>>
        tpu.enqueue_indirect_dma source(%arg12 : memref<80x256xbf16, #tpu.memory_space<vmem>>) target(%dma_start3A_66 : memref<10000x256xbf16, #tpu.memory_space<vmem_shared>>) offsets(%dma_start3A_63 : memref<80xi32, #tpu.memory_space<vmem>>) semaphore(%run_scoped3A_60 : memref<!tpu.dma_semaphore, #tpu.memory_space<semaphore_mem>>) {add = true}
        %dma_wait3A_67 = arith.constant 0 : i32
        %dma_wait3A_68 = tpu.memref_slice %arg10[%run_scoped3A_58, %dma_wait3A_67] : memref<125x80xi32, #tpu.memory_space<vmem>> -> memref<1x80xi32, #tpu.memory_space<vmem>>
        %dma_wait3A_69 = tpu.memref_squeeze %dma_wait3A_68 : memref<1x80xi32, #tpu.memory_space<vmem>> -> memref<80xi32, #tpu.memory_space<vmem>>
        %dma_wait3A_70 = arith.constant 0 : i32
        %dma_wait3A_71 = arith.constant 0 : i32
        %dma_wait3A_72 = tpu.memref_slice %arg13[%dma_wait3A_70, %dma_wait3A_71] : memref<10000x256xbf16, #tpu.memory_space<vmem_shared>> -> memref<10000x256xbf16, #tpu.memory_space<vmem_shared>>
        tpu.wait_indirect_dma semaphore(%run_scoped3A_60 : memref<!tpu.dma_semaphore, #tpu.memory_space<semaphore_mem>>) src(%arg12 : memref<80x256xbf16, #tpu.memory_space<vmem>>) dst(%dma_wait3A_72 : memref<10000x256xbf16, #tpu.memory_space<vmem_shared>>)
        tpu.yield
      }) : () -> ()
      %barrier3A_59 = arith.constant 0 : index
      tpu.barrier barrier_id(%barrier3A_59)
      "tpu.region"() ({
        %run_scoped3A_60 = tpu.sem_alloc : memref<!tpu.dma_semaphore, #tpu.memory_space<semaphore_mem>>
        %dma_start3A_61 = arith.constant 0 : i32
        %dma_start3A_62 = tpu.memref_slice %arg7[%mul3A_0, %dma_start3A_61] : memref<10000x256xbf16, #tpu.memory_space<hbm>> -> memref<625x256xbf16, #tpu.memory_space<hbm>>
        %dma_start3A_63 = arith.constant 0 : i32
        %dma_start3A_64 = tpu.memref_slice %arg13[%mul3A_0, %dma_start3A_63] : memref<10000x256xbf16, #tpu.memory_space<vmem_shared>> -> memref<625x256xbf16, #tpu.memory_space<vmem_shared>>
        tpu.enqueue_dma source(%dma_start3A_64 : memref<625x256xbf16, #tpu.memory_space<vmem_shared>>) target(%dma_start3A_62 : memref<625x256xbf16, #tpu.memory_space<hbm>>) target_semaphore(%run_scoped3A_60 : memref<!tpu.dma_semaphore, #tpu.memory_space<semaphore_mem>>)
        %dma_wait3A_65 = arith.constant 0 : i32
        %dma_wait3A_66 = tpu.memref_slice %arg7[%mul3A_0, %dma_wait3A_65] : memref<10000x256xbf16, #tpu.memory_space<hbm>> -> memref<625x256xbf16, #tpu.memory_space<hbm>>
        %dma_wait3A_67 = arith.constant 0 : i32
        %dma_wait3A_68 = tpu.memref_slice %arg13[%mul3A_0, %dma_wait3A_67] : memref<10000x256xbf16, #tpu.memory_space<vmem_shared>> -> memref<625x256xbf16, #tpu.memory_space<vmem_shared>>
        tpu.wait_dma2 semaphore(%run_scoped3A_60 : memref<!tpu.dma_semaphore, #tpu.memory_space<semaphore_mem>>) src(%dma_wait3A_68 : memref<625x256xbf16, #tpu.memory_space<vmem_shared>>) dst(%dma_wait3A_66 : memref<625x256xbf16, #tpu.memory_space<hbm>>)
        tpu.yield
      }) : () -> ()
    } else {
    }
    %eq3A_7 = arith.constant 1 : i32
    %eq3A_8 = arith.cmpi eq, %arg0, %eq3A_7 : i32
    %convert_element_type3A_9 = arith.extui %eq3A_8 : i1 to i32
    %cond3A_10 = arith.constant 0 : i32
    %cond3A_11 = arith.cmpi ne, %convert_element_type3A_9, %cond3A_10 : i32
    scf.if %cond3A_11 {
      "tpu.region"() ({
        %run_scoped3A_60 = tpu.sem_alloc : memref<!tpu.dma_semaphore, #tpu.memory_space<semaphore_mem>>
        %dma_start3A_61 = arith.constant 0 : i32
        %dma_start3A_62 = tpu.memref_slice %arg13[%mul3A_0, %dma_start3A_61] : memref<10000x256xbf16, #tpu.memory_space<vmem_shared>> -> memref<625x256xbf16, #tpu.memory_space<vmem_shared>>
        %dma_start3A_63 = arith.constant 0 : i32
        %dma_start3A_64 = tpu.memref_slice %arg6[%mul3A_0, %dma_start3A_63] : memref<10000x256xbf16, #tpu.memory_space<hbm>> -> memref<625x256xbf16, #tpu.memory_space<hbm>>
        tpu.enqueue_dma source(%dma_start3A_64 : memref<625x256xbf16, #tpu.memory_space<hbm>>) target(%dma_start3A_62 : memref<625x256xbf16, #tpu.memory_space<vmem_shared>>) target_semaphore(%run_scoped3A_60 : memref<!tpu.dma_semaphore, #tpu.memory_space<semaphore_mem>>)
        %dma_wait3A_65 = arith.constant 0 : i32
        %dma_wait3A_66 = tpu.memref_slice %arg13[%mul3A_0, %dma_wait3A_65] : memref<10000x256xbf16, #tpu.memory_space<vmem_shared>> -> memref<625x256xbf16, #tpu.memory_space<vmem_shared>>
        %dma_wait3A_67 = arith.constant 0 : i32
        %dma_wait3A_68 = tpu.memref_slice %arg6[%mul3A_0, %dma_wait3A_67] : memref<10000x256xbf16, #tpu.memory_space<hbm>> -> memref<625x256xbf16, #tpu.memory_space<hbm>>
        tpu.wait_dma2 semaphore(%run_scoped3A_60 : memref<!tpu.dma_semaphore, #tpu.memory_space<semaphore_mem>>) src(%dma_wait3A_68 : memref<625x256xbf16, #tpu.memory_space<hbm>>) dst(%dma_wait3A_66 : memref<625x256xbf16, #tpu.memory_space<vmem_shared>>)
        tpu.yield
      }) : () -> ()
      %barrier3A = arith.constant 0 : index
      tpu.barrier barrier_id(%barrier3A)
      %dma_start3A = arith.constant 124 : i32
      %dma_start3A_12 = arith.constant 0 : i32
      %dma_start3A_13 = tpu.memref_slice %arg9[%dma_start3A, %dma_start3A_12] : memref<125x80xi32, #tpu.memory_space<vmem>> -> memref<1x80xi32, #tpu.memory_space<vmem>>
      %dma_start3A_14 = tpu.memref_squeeze %dma_start3A_13 : memref<1x80xi32, #tpu.memory_space<vmem>> -> memref<80xi32, #tpu.memory_space<vmem>>
      %dma_start3A_15 = arith.constant 0 : i32
      %dma_start3A_16 = arith.constant 0 : i32
      %dma_start3A_17 = tpu.memref_slice %arg3[%dma_start3A_15, %dma_start3A_16] : memref<10000x256xbf16, #tpu.memory_space<hbm>> -> memref<10000x256xbf16, #tpu.memory_space<hbm>>
      tpu.enqueue_indirect_dma source(%dma_start3A_17 : memref<10000x256xbf16, #tpu.memory_space<hbm>>) target(%arg11 : memref<80x256xbf16, #tpu.memory_space<vmem>>) offsets(%dma_start3A_14 : memref<80xi32, #tpu.memory_space<vmem>>) semaphore(%arg14 : memref<!tpu.dma_semaphore, #tpu.memory_space<semaphore_mem>>)
      %dma_wait3A = arith.constant 124 : i32
      %dma_wait3A_18 = arith.constant 0 : i32
      %dma_wait3A_19 = tpu.memref_slice %arg9[%dma_wait3A, %dma_wait3A_18] : memref<125x80xi32, #tpu.memory_space<vmem>> -> memref<1x80xi32, #tpu.memory_space<vmem>>
      %dma_wait3A_20 = tpu.memref_squeeze %dma_wait3A_19 : memref<1x80xi32, #tpu.memory_space<vmem>> -> memref<80xi32, #tpu.memory_space<vmem>>
      %dma_wait3A_21 = arith.constant 0 : i32
      %dma_wait3A_22 = arith.constant 0 : i32
      %dma_wait3A_23 = tpu.memref_slice %arg3[%dma_wait3A_21, %dma_wait3A_22] : memref<10000x256xbf16, #tpu.memory_space<hbm>> -> memref<10000x256xbf16, #tpu.memory_space<hbm>>
      tpu.wait_indirect_dma semaphore(%arg14 : memref<!tpu.dma_semaphore, #tpu.memory_space<semaphore_mem>>) src(%dma_wait3A_23 : memref<10000x256xbf16, #tpu.memory_space<hbm>>) dst(%arg11 : memref<80x256xbf16, #tpu.memory_space<vmem>>)
      %run_scoped3A = arith.constant 124 : i32
      "tpu.region"() ({
        %run_scoped3A_60 = tpu.sem_alloc : memref<!tpu.dma_semaphore, #tpu.memory_space<semaphore_mem>>
        %dma_start3A_61 = arith.constant 0 : i32
        %dma_start3A_62 = tpu.memref_slice %arg10[%run_scoped3A, %dma_start3A_61] : memref<125x80xi32, #tpu.memory_space<vmem>> -> memref<1x80xi32, #tpu.memory_space<vmem>>
        %dma_start3A_63 = tpu.memref_squeeze %dma_start3A_62 : memref<1x80xi32, #tpu.memory_space<vmem>> -> memref<80xi32, #tpu.memory_space<vmem>>
        %dma_start3A_64 = arith.constant 0 : i32
        %dma_start3A_65 = arith.constant 0 : i32
        %dma_start3A_66 = tpu.memref_slice %arg13[%dma_start3A_64, %dma_start3A_65] : memref<10000x256xbf16, #tpu.memory_space<vmem_shared>> -> memref<10000x256xbf16, #tpu.memory_space<vmem_shared>>
        tpu.enqueue_indirect_dma source(%arg11 : memref<80x256xbf16, #tpu.memory_space<vmem>>) target(%dma_start3A_66 : memref<10000x256xbf16, #tpu.memory_space<vmem_shared>>) offsets(%dma_start3A_63 : memref<80xi32, #tpu.memory_space<vmem>>) semaphore(%run_scoped3A_60 : memref<!tpu.dma_semaphore, #tpu.memory_space<semaphore_mem>>) {add = true}
        %dma_wait3A_67 = arith.constant 0 : i32
        %dma_wait3A_68 = tpu.memref_slice %arg10[%run_scoped3A, %dma_wait3A_67] : memref<125x80xi32, #tpu.memory_space<vmem>> -> memref<1x80xi32, #tpu.memory_space<vmem>>
        %dma_wait3A_69 = tpu.memref_squeeze %dma_wait3A_68 : memref<1x80xi32, #tpu.memory_space<vmem>> -> memref<80xi32, #tpu.memory_space<vmem>>
        %dma_wait3A_70 = arith.constant 0 : i32
        %dma_wait3A_71 = arith.constant 0 : i32
        %dma_wait3A_72 = tpu.memref_slice %arg13[%dma_wait3A_70, %dma_wait3A_71] : memref<10000x256xbf16, #tpu.memory_space<vmem_shared>> -> memref<10000x256xbf16, #tpu.memory_space<vmem_shared>>
        tpu.wait_indirect_dma semaphore(%run_scoped3A_60 : memref<!tpu.dma_semaphore, #tpu.memory_space<semaphore_mem>>) src(%arg11 : memref<80x256xbf16, #tpu.memory_space<vmem>>) dst(%dma_wait3A_72 : memref<10000x256xbf16, #tpu.memory_space<vmem_shared>>)
        tpu.yield
      }) : () -> ()
      %dma_start3A_24 = arith.constant 0 : i32
      %dma_start3A_25 = arith.constant 0 : i32
      %dma_start3A_26 = tpu.memref_slice %arg9[%dma_start3A_24, %dma_start3A_25] : memref<125x80xi32, #tpu.memory_space<vmem>> -> memref<1x80xi32, #tpu.memory_space<vmem>>
      %dma_start3A_27 = tpu.memref_squeeze %dma_start3A_26 : memref<1x80xi32, #tpu.memory_space<vmem>> -> memref<80xi32, #tpu.memory_space<vmem>>
      %dma_start3A_28 = arith.constant 0 : i32
      %dma_start3A_29 = arith.constant 0 : i32
      %dma_start3A_30 = tpu.memref_slice %arg3[%dma_start3A_28, %dma_start3A_29] : memref<10000x256xbf16, #tpu.memory_space<hbm>> -> memref<10000x256xbf16, #tpu.memory_space<hbm>>
      tpu.enqueue_indirect_dma source(%dma_start3A_30 : memref<10000x256xbf16, #tpu.memory_space<hbm>>) target(%arg11 : memref<80x256xbf16, #tpu.memory_space<vmem>>) offsets(%dma_start3A_27 : memref<80xi32, #tpu.memory_space<vmem>>) semaphore(%arg14 : memref<!tpu.dma_semaphore, #tpu.memory_space<semaphore_mem>>)
      %dma_start3A_31 = arith.constant 1 : i32
      %dma_start3A_32 = arith.constant 0 : i32
      %dma_start3A_33 = tpu.memref_slice %arg9[%dma_start3A_31, %dma_start3A_32] : memref<125x80xi32, #tpu.memory_space<vmem>> -> memref<1x80xi32, #tpu.memory_space<vmem>>
      %dma_start3A_34 = tpu.memref_squeeze %dma_start3A_33 : memref<1x80xi32, #tpu.memory_space<vmem>> -> memref<80xi32, #tpu.memory_space<vmem>>
      %dma_start3A_35 = arith.constant 0 : i32
      %dma_start3A_36 = arith.constant 0 : i32
      %dma_start3A_37 = tpu.memref_slice %arg3[%dma_start3A_35, %dma_start3A_36] : memref<10000x256xbf16, #tpu.memory_space<hbm>> -> memref<10000x256xbf16, #tpu.memory_space<hbm>>
      tpu.enqueue_indirect_dma source(%dma_start3A_37 : memref<10000x256xbf16, #tpu.memory_space<hbm>>) target(%arg12 : memref<80x256xbf16, #tpu.memory_space<vmem>>) offsets(%dma_start3A_34 : memref<80xi32, #tpu.memory_space<vmem>>) semaphore(%arg15 : memref<!tpu.dma_semaphore, #tpu.memory_space<semaphore_mem>>)
      %scan3A = arith.constant 0 : i32
      %scan3A_38 = arith.constant 0 : i32
      %scan3A_39 = arith.constant 61 : i32
      %scan3A_40 = arith.addi %scan3A_38, %scan3A_39 : i32
      %scan3A_41 = arith.constant 1 : i32
      scf.for %scan3A_60 = %scan3A_38 to %scan3A_40 step %scan3A_41  : i32 {
        %mul3A_61 = arith.constant 2 : i32
        %mul3A_62 = arith.muli %mul3A_61, %scan3A_60 : i32
        %dma_wait3A_63 = arith.constant 0 : i32
        %dma_wait3A_64 = tpu.memref_slice %arg9[%mul3A_62, %dma_wait3A_63] : memref<125x80xi32, #tpu.memory_space<vmem>> -> memref<1x80xi32, #tpu.memory_space<vmem>>
        %dma_wait3A_65 = tpu.memref_squeeze %dma_wait3A_64 : memref<1x80xi32, #tpu.memory_space<vmem>> -> memref<80xi32, #tpu.memory_space<vmem>>
        %dma_wait3A_66 = arith.constant 0 : i32
        %dma_wait3A_67 = arith.constant 0 : i32
        %dma_wait3A_68 = tpu.memref_slice %arg3[%dma_wait3A_66, %dma_wait3A_67] : memref<10000x256xbf16, #tpu.memory_space<hbm>> -> memref<10000x256xbf16, #tpu.memory_space<hbm>>
        tpu.wait_indirect_dma semaphore(%arg14 : memref<!tpu.dma_semaphore, #tpu.memory_space<semaphore_mem>>) src(%dma_wait3A_68 : memref<10000x256xbf16, #tpu.memory_space<hbm>>) dst(%arg11 : memref<80x256xbf16, #tpu.memory_space<vmem>>)
        "tpu.region"() ({
          %run_scoped3A_94 = tpu.sem_alloc : memref<!tpu.dma_semaphore, #tpu.memory_space<semaphore_mem>>
          %dma_start3A_95 = arith.constant 0 : i32
          %dma_start3A_96 = tpu.memref_slice %arg10[%mul3A_62, %dma_start3A_95] : memref<125x80xi32, #tpu.memory_space<vmem>> -> memref<1x80xi32, #tpu.memory_space<vmem>>
          %dma_start3A_97 = tpu.memref_squeeze %dma_start3A_96 : memref<1x80xi32, #tpu.memory_space<vmem>> -> memref<80xi32, #tpu.memory_space<vmem>>
          %dma_start3A_98 = arith.constant 0 : i32
          %dma_start3A_99 = arith.constant 0 : i32
          %dma_start3A_100 = tpu.memref_slice %arg13[%dma_start3A_98, %dma_start3A_99] : memref<10000x256xbf16, #tpu.memory_space<vmem_shared>> -> memref<10000x256xbf16, #tpu.memory_space<vmem_shared>>
          tpu.enqueue_indirect_dma source(%arg11 : memref<80x256xbf16, #tpu.memory_space<vmem>>) target(%dma_start3A_100 : memref<10000x256xbf16, #tpu.memory_space<vmem_shared>>) offsets(%dma_start3A_97 : memref<80xi32, #tpu.memory_space<vmem>>) semaphore(%run_scoped3A_94 : memref<!tpu.dma_semaphore, #tpu.memory_space<semaphore_mem>>) {add = true}
          %dma_wait3A_101 = arith.constant 0 : i32
          %dma_wait3A_102 = tpu.memref_slice %arg10[%mul3A_62, %dma_wait3A_101] : memref<125x80xi32, #tpu.memory_space<vmem>> -> memref<1x80xi32, #tpu.memory_space<vmem>>
          %dma_wait3A_103 = tpu.memref_squeeze %dma_wait3A_102 : memref<1x80xi32, #tpu.memory_space<vmem>> -> memref<80xi32, #tpu.memory_space<vmem>>
          %dma_wait3A_104 = arith.constant 0 : i32
          %dma_wait3A_105 = arith.constant 0 : i32
          %dma_wait3A_106 = tpu.memref_slice %arg13[%dma_wait3A_104, %dma_wait3A_105] : memref<10000x256xbf16, #tpu.memory_space<vmem_shared>> -> memref<10000x256xbf16, #tpu.memory_space<vmem_shared>>
          tpu.wait_indirect_dma semaphore(%run_scoped3A_94 : memref<!tpu.dma_semaphore, #tpu.memory_space<semaphore_mem>>) src(%arg11 : memref<80x256xbf16, #tpu.memory_space<vmem>>) dst(%dma_wait3A_106 : memref<10000x256xbf16, #tpu.memory_space<vmem_shared>>)
          tpu.yield
        }) : () -> ()
        %add3A = arith.constant 2 : i32
        %add3A_69 = arith.addi %mul3A_62, %add3A : i32
        %dma_start3A_70 = arith.constant 0 : i32
        %dma_start3A_71 = tpu.memref_slice %arg9[%add3A_69, %dma_start3A_70] : memref<125x80xi32, #tpu.memory_space<vmem>> -> memref<1x80xi32, #tpu.memory_space<vmem>>
        %dma_start3A_72 = tpu.memref_squeeze %dma_start3A_71 : memref<1x80xi32, #tpu.memory_space<vmem>> -> memref<80xi32, #tpu.memory_space<vmem>>
        %dma_start3A_73 = arith.constant 0 : i32
        %dma_start3A_74 = arith.constant 0 : i32
        %dma_start3A_75 = tpu.memref_slice %arg3[%dma_start3A_73, %dma_start3A_74] : memref<10000x256xbf16, #tpu.memory_space<hbm>> -> memref<10000x256xbf16, #tpu.memory_space<hbm>>
        tpu.enqueue_indirect_dma source(%dma_start3A_75 : memref<10000x256xbf16, #tpu.memory_space<hbm>>) target(%arg11 : memref<80x256xbf16, #tpu.memory_space<vmem>>) offsets(%dma_start3A_72 : memref<80xi32, #tpu.memory_space<vmem>>) semaphore(%arg14 : memref<!tpu.dma_semaphore, #tpu.memory_space<semaphore_mem>>)
        %add3A_76 = arith.constant 1 : i32
        %add3A_77 = arith.addi %mul3A_62, %add3A_76 : i32
        %dma_wait3A_78 = arith.constant 0 : i32
        %dma_wait3A_79 = tpu.memref_slice %arg9[%add3A_77, %dma_wait3A_78] : memref<125x80xi32, #tpu.memory_space<vmem>> -> memref<1x80xi32, #tpu.memory_space<vmem>>
        %dma_wait3A_80 = tpu.memref_squeeze %dma_wait3A_79 : memref<1x80xi32, #tpu.memory_space<vmem>> -> memref<80xi32, #tpu.memory_space<vmem>>
        %dma_wait3A_81 = arith.constant 0 : i32
        %dma_wait3A_82 = arith.constant 0 : i32
        %dma_wait3A_83 = tpu.memref_slice %arg3[%dma_wait3A_81, %dma_wait3A_82] : memref<10000x256xbf16, #tpu.memory_space<hbm>> -> memref<10000x256xbf16, #tpu.memory_space<hbm>>
        tpu.wait_indirect_dma semaphore(%arg15 : memref<!tpu.dma_semaphore, #tpu.memory_space<semaphore_mem>>) src(%dma_wait3A_83 : memref<10000x256xbf16, #tpu.memory_space<hbm>>) dst(%arg12 : memref<80x256xbf16, #tpu.memory_space<vmem>>)
        %add3A_84 = arith.constant 1 : i32
        %add3A_85 = arith.addi %mul3A_62, %add3A_84 : i32
        "tpu.region"() ({
          %run_scoped3A_94 = tpu.sem_alloc : memref<!tpu.dma_semaphore, #tpu.memory_space<semaphore_mem>>
          %dma_start3A_95 = arith.constant 0 : i32
          %dma_start3A_96 = tpu.memref_slice %arg10[%add3A_85, %dma_start3A_95] : memref<125x80xi32, #tpu.memory_space<vmem>> -> memref<1x80xi32, #tpu.memory_space<vmem>>
          %dma_start3A_97 = tpu.memref_squeeze %dma_start3A_96 : memref<1x80xi32, #tpu.memory_space<vmem>> -> memref<80xi32, #tpu.memory_space<vmem>>
          %dma_start3A_98 = arith.constant 0 : i32
          %dma_start3A_99 = arith.constant 0 : i32
          %dma_start3A_100 = tpu.memref_slice %arg13[%dma_start3A_98, %dma_start3A_99] : memref<10000x256xbf16, #tpu.memory_space<vmem_shared>> -> memref<10000x256xbf16, #tpu.memory_space<vmem_shared>>
          tpu.enqueue_indirect_dma source(%arg12 : memref<80x256xbf16, #tpu.memory_space<vmem>>) target(%dma_start3A_100 : memref<10000x256xbf16, #tpu.memory_space<vmem_shared>>) offsets(%dma_start3A_97 : memref<80xi32, #tpu.memory_space<vmem>>) semaphore(%run_scoped3A_94 : memref<!tpu.dma_semaphore, #tpu.memory_space<semaphore_mem>>) {add = true}
          %dma_wait3A_101 = arith.constant 0 : i32
          %dma_wait3A_102 = tpu.memref_slice %arg10[%add3A_85, %dma_wait3A_101] : memref<125x80xi32, #tpu.memory_space<vmem>> -> memref<1x80xi32, #tpu.memory_space<vmem>>
          %dma_wait3A_103 = tpu.memref_squeeze %dma_wait3A_102 : memref<1x80xi32, #tpu.memory_space<vmem>> -> memref<80xi32, #tpu.memory_space<vmem>>
          %dma_wait3A_104 = arith.constant 0 : i32
          %dma_wait3A_105 = arith.constant 0 : i32
          %dma_wait3A_106 = tpu.memref_slice %arg13[%dma_wait3A_104, %dma_wait3A_105] : memref<10000x256xbf16, #tpu.memory_space<vmem_shared>> -> memref<10000x256xbf16, #tpu.memory_space<vmem_shared>>
          tpu.wait_indirect_dma semaphore(%run_scoped3A_94 : memref<!tpu.dma_semaphore, #tpu.memory_space<semaphore_mem>>) src(%arg12 : memref<80x256xbf16, #tpu.memory_space<vmem>>) dst(%dma_wait3A_106 : memref<10000x256xbf16, #tpu.memory_space<vmem_shared>>)
          tpu.yield
        }) : () -> ()
        %add3A_86 = arith.constant 3 : i32
        %add3A_87 = arith.addi %mul3A_62, %add3A_86 : i32
        %dma_start3A_88 = arith.constant 0 : i32
        %dma_start3A_89 = tpu.memref_slice %arg9[%add3A_87, %dma_start3A_88] : memref<125x80xi32, #tpu.memory_space<vmem>> -> memref<1x80xi32, #tpu.memory_space<vmem>>
        %dma_start3A_90 = tpu.memref_squeeze %dma_start3A_89 : memref<1x80xi32, #tpu.memory_space<vmem>> -> memref<80xi32, #tpu.memory_space<vmem>>
        %dma_start3A_91 = arith.constant 0 : i32
        %dma_start3A_92 = arith.constant 0 : i32
        %dma_start3A_93 = tpu.memref_slice %arg3[%dma_start3A_91, %dma_start3A_92] : memref<10000x256xbf16, #tpu.memory_space<hbm>> -> memref<10000x256xbf16, #tpu.memory_space<hbm>>
        tpu.enqueue_indirect_dma source(%dma_start3A_93 : memref<10000x256xbf16, #tpu.memory_space<hbm>>) target(%arg12 : memref<80x256xbf16, #tpu.memory_space<vmem>>) offsets(%dma_start3A_90 : memref<80xi32, #tpu.memory_space<vmem>>) semaphore(%arg15 : memref<!tpu.dma_semaphore, #tpu.memory_space<semaphore_mem>>)
      }
      %scan3A_42 = arith.constant 61 : i32
      %dma_wait3A_43 = arith.constant 122 : i32
      %dma_wait3A_44 = arith.constant 0 : i32
      %dma_wait3A_45 = tpu.memref_slice %arg9[%dma_wait3A_43, %dma_wait3A_44] : memref<125x80xi32, #tpu.memory_space<vmem>> -> memref<1x80xi32, #tpu.memory_space<vmem>>
      %dma_wait3A_46 = tpu.memref_squeeze %dma_wait3A_45 : memref<1x80xi32, #tpu.memory_space<vmem>> -> memref<80xi32, #tpu.memory_space<vmem>>
      %dma_wait3A_47 = arith.constant 0 : i32
      %dma_wait3A_48 = arith.constant 0 : i32
      %dma_wait3A_49 = tpu.memref_slice %arg3[%dma_wait3A_47, %dma_wait3A_48] : memref<10000x256xbf16, #tpu.memory_space<hbm>> -> memref<10000x256xbf16, #tpu.memory_space<hbm>>
      tpu.wait_indirect_dma semaphore(%arg14 : memref<!tpu.dma_semaphore, #tpu.memory_space<semaphore_mem>>) src(%dma_wait3A_49 : memref<10000x256xbf16, #tpu.memory_space<hbm>>) dst(%arg11 : memref<80x256xbf16, #tpu.memory_space<vmem>>)
      %run_scoped3A_50 = arith.constant 122 : i32
      "tpu.region"() ({
        %run_scoped3A_60 = tpu.sem_alloc : memref<!tpu.dma_semaphore, #tpu.memory_space<semaphore_mem>>
        %dma_start3A_61 = arith.constant 0 : i32
        %dma_start3A_62 = tpu.memref_slice %arg10[%run_scoped3A_50, %dma_start3A_61] : memref<125x80xi32, #tpu.memory_space<vmem>> -> memref<1x80xi32, #tpu.memory_space<vmem>>
        %dma_start3A_63 = tpu.memref_squeeze %dma_start3A_62 : memref<1x80xi32, #tpu.memory_space<vmem>> -> memref<80xi32, #tpu.memory_space<vmem>>
        %dma_start3A_64 = arith.constant 0 : i32
        %dma_start3A_65 = arith.constant 0 : i32
        %dma_start3A_66 = tpu.memref_slice %arg13[%dma_start3A_64, %dma_start3A_65] : memref<10000x256xbf16, #tpu.memory_space<vmem_shared>> -> memref<10000x256xbf16, #tpu.memory_space<vmem_shared>>
        tpu.enqueue_indirect_dma source(%arg11 : memref<80x256xbf16, #tpu.memory_space<vmem>>) target(%dma_start3A_66 : memref<10000x256xbf16, #tpu.memory_space<vmem_shared>>) offsets(%dma_start3A_63 : memref<80xi32, #tpu.memory_space<vmem>>) semaphore(%run_scoped3A_60 : memref<!tpu.dma_semaphore, #tpu.memory_space<semaphore_mem>>) {add = true}
        %dma_wait3A_67 = arith.constant 0 : i32
        %dma_wait3A_68 = tpu.memref_slice %arg10[%run_scoped3A_50, %dma_wait3A_67] : memref<125x80xi32, #tpu.memory_space<vmem>> -> memref<1x80xi32, #tpu.memory_space<vmem>>
        %dma_wait3A_69 = tpu.memref_squeeze %dma_wait3A_68 : memref<1x80xi32, #tpu.memory_space<vmem>> -> memref<80xi32, #tpu.memory_space<vmem>>
        %dma_wait3A_70 = arith.constant 0 : i32
        %dma_wait3A_71 = arith.constant 0 : i32
        %dma_wait3A_72 = tpu.memref_slice %arg13[%dma_wait3A_70, %dma_wait3A_71] : memref<10000x256xbf16, #tpu.memory_space<vmem_shared>> -> memref<10000x256xbf16, #tpu.memory_space<vmem_shared>>
        tpu.wait_indirect_dma semaphore(%run_scoped3A_60 : memref<!tpu.dma_semaphore, #tpu.memory_space<semaphore_mem>>) src(%arg11 : memref<80x256xbf16, #tpu.memory_space<vmem>>) dst(%dma_wait3A_72 : memref<10000x256xbf16, #tpu.memory_space<vmem_shared>>)
        tpu.yield
      }) : () -> ()
      %dma_wait3A_51 = arith.constant 123 : i32
      %dma_wait3A_52 = arith.constant 0 : i32
      %dma_wait3A_53 = tpu.memref_slice %arg9[%dma_wait3A_51, %dma_wait3A_52] : memref<125x80xi32, #tpu.memory_space<vmem>> -> memref<1x80xi32, #tpu.memory_space<vmem>>
      %dma_wait3A_54 = tpu.memref_squeeze %dma_wait3A_53 : memref<1x80xi32, #tpu.memory_space<vmem>> -> memref<80xi32, #tpu.memory_space<vmem>>
      %dma_wait3A_55 = arith.constant 0 : i32
      %dma_wait3A_56 = arith.constant 0 : i32
      %dma_wait3A_57 = tpu.memref_slice %arg3[%dma_wait3A_55, %dma_wait3A_56] : memref<10000x256xbf16, #tpu.memory_space<hbm>> -> memref<10000x256xbf16, #tpu.memory_space<hbm>>
      tpu.wait_indirect_dma semaphore(%arg15 : memref<!tpu.dma_semaphore, #tpu.memory_space<semaphore_mem>>) src(%dma_wait3A_57 : memref<10000x256xbf16, #tpu.memory_space<hbm>>) dst(%arg12 : memref<80x256xbf16, #tpu.memory_space<vmem>>)
      %run_scoped3A_58 = arith.constant 123 : i32
      "tpu.region"() ({
        %run_scoped3A_60 = tpu.sem_alloc : memref<!tpu.dma_semaphore, #tpu.memory_space<semaphore_mem>>
        %dma_start3A_61 = arith.constant 0 : i32
        %dma_start3A_62 = tpu.memref_slice %arg10[%run_scoped3A_58, %dma_start3A_61] : memref<125x80xi32, #tpu.memory_space<vmem>> -> memref<1x80xi32, #tpu.memory_space<vmem>>
        %dma_start3A_63 = tpu.memref_squeeze %dma_start3A_62 : memref<1x80xi32, #tpu.memory_space<vmem>> -> memref<80xi32, #tpu.memory_space<vmem>>
        %dma_start3A_64 = arith.constant 0 : i32
        %dma_start3A_65 = arith.constant 0 : i32
        %dma_start3A_66 = tpu.memref_slice %arg13[%dma_start3A_64, %dma_start3A_65] : memref<10000x256xbf16, #tpu.memory_space<vmem_shared>> -> memref<10000x256xbf16, #tpu.memory_space<vmem_shared>>
        tpu.enqueue_indirect_dma source(%arg12 : memref<80x256xbf16, #tpu.memory_space<vmem>>) target(%dma_start3A_66 : memref<10000x256xbf16, #tpu.memory_space<vmem_shared>>) offsets(%dma_start3A_63 : memref<80xi32, #tpu.memory_space<vmem>>) semaphore(%run_scoped3A_60 : memref<!tpu.dma_semaphore, #tpu.memory_space<semaphore_mem>>) {add = true}
        %dma_wait3A_67 = arith.constant 0 : i32
        %dma_wait3A_68 = tpu.memref_slice %arg10[%run_scoped3A_58, %dma_wait3A_67] : memref<125x80xi32, #tpu.memory_space<vmem>> -> memref<1x80xi32, #tpu.memory_space<vmem>>
        %dma_wait3A_69 = tpu.memref_squeeze %dma_wait3A_68 : memref<1x80xi32, #tpu.memory_space<vmem>> -> memref<80xi32, #tpu.memory_space<vmem>>
        %dma_wait3A_70 = arith.constant 0 : i32
        %dma_wait3A_71 = arith.constant 0 : i32
        %dma_wait3A_72 = tpu.memref_slice %arg13[%dma_wait3A_70, %dma_wait3A_71] : memref<10000x256xbf16, #tpu.memory_space<vmem_shared>> -> memref<10000x256xbf16, #tpu.memory_space<vmem_shared>>
        tpu.wait_indirect_dma semaphore(%run_scoped3A_60 : memref<!tpu.dma_semaphore, #tpu.memory_space<semaphore_mem>>) src(%arg12 : memref<80x256xbf16, #tpu.memory_space<vmem>>) dst(%dma_wait3A_72 : memref<10000x256xbf16, #tpu.memory_space<vmem_shared>>)
        tpu.yield
      }) : () -> ()
      %barrier3A_59 = arith.constant 0 : index
      tpu.barrier barrier_id(%barrier3A_59)
      "tpu.region"() ({
        %run_scoped3A_60 = tpu.sem_alloc : memref<!tpu.dma_semaphore, #tpu.memory_space<semaphore_mem>>
        %dma_start3A_61 = arith.constant 0 : i32
        %dma_start3A_62 = tpu.memref_slice %arg8[%mul3A_0, %dma_start3A_61] : memref<10000x256xbf16, #tpu.memory_space<hbm>> -> memref<625x256xbf16, #tpu.memory_space<hbm>>
        %dma_start3A_63 = arith.constant 0 : i32
        %dma_start3A_64 = tpu.memref_slice %arg13[%mul3A_0, %dma_start3A_63] : memref<10000x256xbf16, #tpu.memory_space<vmem_shared>> -> memref<625x256xbf16, #tpu.memory_space<vmem_shared>>
        tpu.enqueue_dma source(%dma_start3A_64 : memref<625x256xbf16, #tpu.memory_space<vmem_shared>>) target(%dma_start3A_62 : memref<625x256xbf16, #tpu.memory_space<hbm>>) target_semaphore(%run_scoped3A_60 : memref<!tpu.dma_semaphore, #tpu.memory_space<semaphore_mem>>)
        %dma_wait3A_65 = arith.constant 0 : i32
        %dma_wait3A_66 = tpu.memref_slice %arg8[%mul3A_0, %dma_wait3A_65] : memref<10000x256xbf16, #tpu.memory_space<hbm>> -> memref<625x256xbf16, #tpu.memory_space<hbm>>
        %dma_wait3A_67 = arith.constant 0 : i32
        %dma_wait3A_68 = tpu.memref_slice %arg13[%mul3A_0, %dma_wait3A_67] : memref<10000x256xbf16, #tpu.memory_space<vmem_shared>> -> memref<625x256xbf16, #tpu.memory_space<vmem_shared>>
        tpu.wait_dma2 semaphore(%run_scoped3A_60 : memref<!tpu.dma_semaphore, #tpu.memory_space<semaphore_mem>>) src(%dma_wait3A_68 : memref<625x256xbf16, #tpu.memory_space<vmem_shared>>) dst(%dma_wait3A_66 : memref<625x256xbf16, #tpu.memory_space<hbm>>)
        tpu.yield
      }) : () -> ()
    } else {
    }
    return
  }
}

module attributes {stable_mosaic.version = 14 : i64} {
  func.func @body(%arg0: i32, %arg1: memref<2000x256xbf16, #tpu.memory_space<vmem>>, %arg2: memref<256x512xbf16, #tpu.memory_space<vmem>>, %arg3: memref<2000x256xbf16, #tpu.memory_space<vmem>>, %arg4: memref<2000x256xbf16, #tpu.memory_space<vmem>>) attributes {dimension_semantics = [#tpu.dimension_semantics<arbitrary>], iteration_bounds = array<i64: 5>, scalar_prefetch = 0 : i64, scratch_operands = 0 : i64, tpu.core_type = #tpu.core_type<tc>, window_params = [{transform_indices = @transform_0, window_bounds = array<i64: 2000, 256>}, {pipeline_mode = #tpu.pipeline_mode<synchronous>, transform_indices = @transform_1, window_bounds = array<i64: 256, 512>}, {transform_indices = @transform_2, window_bounds = array<i64: 2000, 256>}, {transform_indices = @transform_3, window_bounds = array<i64: 2000, 256>}]} {
    %get3A = arith.constant 0 : index
    %get3A_0 = arith.constant 0 : index
    %get3A_1 = vector.load %arg1[%get3A, %get3A_0] : memref<2000x256xbf16, #tpu.memory_space<vmem>>, vector<2000x256xbf16>
    %get3A_2 = arith.constant 0 : index
    %get3A_3 = arith.constant 0 : index
    %get3A_4 = vector.load %arg2[%get3A_2, %get3A_3] : memref<256x512xbf16, #tpu.memory_space<vmem>>, vector<256x512xbf16>
    %dot_general3A = arith.constant dense<0.000000e+00> : vector<2000x512xf32>
    %dot_general3A_5 = tpu.matmul %get3A_1, %get3A_4, %dot_general3A {dimension_numbers = #tpu.dot_dimension_numbers<[1], [0], [0], [1], [0, 0, 1, 1], [], []>, transpose_lhs_hint = false} : vector<2000x256xbf16>, vector<256x512xbf16>, vector<2000x512xf32> -> vector<2000x512xf32>
    %convert_element_type3A = arith.truncf %dot_general3A_5 : vector<2000x512xf32> to vector<2000x512xbf16>
    %slice3A = vector.extract_strided_slice %convert_element_type3A {offsets = [0, 0], sizes = [2000, 256], strides = [1, 1]} : vector<2000x512xbf16> to vector<2000x256xbf16>
    %swap3A = arith.constant 0 : index
    %swap3A_6 = arith.constant 0 : index
    %swap3A_7 = vector.load %arg3[%swap3A, %swap3A_6] : memref<2000x256xbf16, #tpu.memory_space<vmem>>, vector<2000x256xbf16>
    tpu.vector_store %arg3[%swap3A, %swap3A_6], %slice3A {strides = array<i32>} : memref<2000x256xbf16, #tpu.memory_space<vmem>>, vector<2000x256xbf16>,
    %slice3A_8 = vector.extract_strided_slice %convert_element_type3A {offsets = [0, 256], sizes = [2000, 256], strides = [1, 1]} : vector<2000x512xbf16> to vector<2000x256xbf16>
    %swap3A_9 = arith.constant 0 : index
    %swap3A_10 = arith.constant 0 : index
    %swap3A_11 = vector.load %arg4[%swap3A_9, %swap3A_10] : memref<2000x256xbf16, #tpu.memory_space<vmem>>, vector<2000x256xbf16>
    tpu.vector_store %arg4[%swap3A_9, %swap3A_10], %slice3A_8 {strides = array<i32>} : memref<2000x256xbf16, #tpu.memory_space<vmem>>, vector<2000x256xbf16>,
    return
  }
  func.func @transform_0(%arg0: i32) -> (i32, i32) {
    %c0_i32 = arith.constant 0 : i32
    %c0_i32_0 = arith.constant 0 : i32
    return %arg0, %c0_i32 : i32, i32
  }
  func.func @transform_1(%arg0: i32) -> (i32, i32) {
    %c0_i32 = arith.constant 0 : i32
    %c0_i32_0 = arith.constant 0 : i32
    %c0_i32_1 = arith.constant 0 : i32
    return %c0_i32, %c0_i32_0 : i32, i32
  }
  func.func @transform_2(%arg0: i32) -> (i32, i32) {
    %c0_i32 = arith.constant 0 : i32
    %c0_i32_0 = arith.constant 0 : i32
    return %arg0, %c0_i32 : i32, i32
  }
  func.func @transform_3(%arg0: i32) -> (i32, i32) {
    %c0_i32 = arith.constant 0 : i32
    %c0_i32_0 = arith.constant 0 : i32
    return %arg0, %c0_i32 : i32, i32
  }
}

module attributes {stable_mosaic.version = 14 : i64} {
  func.func @body(%arg0: i32, %arg1: memref<2000x256xbf16, #tpu.memory_space<vmem>>, %arg2: memref<256x512xbf16, #tpu.memory_space<vmem>>, %arg3: memref<1x512xf32, #tpu.memory_space<vmem>>, %arg4: memref<2000x512xbf16, #tpu.memory_space<vmem>>) attributes {dimension_semantics = [#tpu.dimension_semantics<arbitrary>], iteration_bounds = array<i64: 5>, scalar_prefetch = 0 : i64, scratch_operands = 0 : i64, tpu.core_type = #tpu.core_type<tc>, window_params = [{transform_indices = @transform_0, window_bounds = array<i64: 2000, 256>}, {pipeline_mode = #tpu.pipeline_mode<synchronous>, transform_indices = @transform_1, window_bounds = array<i64: 256, 512>}, {pipeline_mode = #tpu.pipeline_mode<synchronous>, transform_indices = @transform_2, window_bounds = array<i64: 1, 512>}, {transform_indices = @transform_3, window_bounds = array<i64: 2000, 512>}]} {
    %get3A = arith.constant 0 : index
    %get3A_0 = arith.constant 0 : index
    %get3A_1 = vector.load %arg1[%get3A, %get3A_0] : memref<2000x256xbf16, #tpu.memory_space<vmem>>, vector<2000x256xbf16>
    %get3A_2 = arith.constant 0 : index
    %get3A_3 = arith.constant 0 : index
    %get3A_4 = vector.load %arg2[%get3A_2, %get3A_3] : memref<256x512xbf16, #tpu.memory_space<vmem>>, vector<256x512xbf16>
    %dot_general3A = arith.constant dense<0.000000e+00> : vector<2000x512xf32>
    %dot_general3A_5 = tpu.matmul %get3A_1, %get3A_4, %dot_general3A {dimension_numbers = #tpu.dot_dimension_numbers<[1], [0], [0], [1], [0, 0, 1, 1], [], []>, transpose_lhs_hint = false} : vector<2000x256xbf16>, vector<256x512xbf16>, vector<2000x512xf32> -> vector<2000x512xf32>
    %get3A_6 = arith.constant 0 : index
    %get3A_7 = arith.constant 0 : index
    %get3A_8 = vector.load %arg3[%get3A_6, %get3A_7] : memref<1x512xf32, #tpu.memory_space<vmem>>, vector<1x512xf32>
    %add3A = vector.broadcast %get3A_8 : vector<1x512xf32> to vector<2000x512xf32>
    %add3A_9 = arith.addf %dot_general3A_5, %add3A : vector<2000x512xf32>
    %convert_element_type3A = arith.truncf %add3A_9 : vector<2000x512xf32> to vector<2000x512xbf16>
    %swap3A = arith.constant 0 : index
    %swap3A_10 = arith.constant 0 : index
    %swap3A_11 = vector.load %arg4[%swap3A, %swap3A_10] : memref<2000x512xbf16, #tpu.memory_space<vmem>>, vector<2000x512xbf16>
    tpu.vector_store %arg4[%swap3A, %swap3A_10], %convert_element_type3A {strides = array<i32>} : memref<2000x512xbf16, #tpu.memory_space<vmem>>, vector<2000x512xbf16>,
    return
  }
  func.func @transform_0(%arg0: i32) -> (i32, i32) {
    %c0_i32 = arith.constant 0 : i32
    %c0_i32_0 = arith.constant 0 : i32
    return %arg0, %c0_i32 : i32, i32
  }
  func.func @transform_1(%arg0: i32) -> (i32, i32) {
    %c0_i32 = arith.constant 0 : i32
    %c0_i32_0 = arith.constant 0 : i32
    %c0_i32_1 = arith.constant 0 : i32
    return %c0_i32, %c0_i32_0 : i32, i32
  }
  func.func @transform_2(%arg0: i32) -> (i32, i32) {
    %c0_i32 = arith.constant 0 : i32
    %c0_i32_0 = arith.constant 0 : i32
    %c0_i32_1 = arith.constant 0 : i32
    return %c0_i32, %c0_i32_0 : i32, i32
  }
  func.func @transform_3(%arg0: i32) -> (i32, i32) {
    %c0_i32 = arith.constant 0 : i32
    %c0_i32_0 = arith.constant 0 : i32
    return %arg0, %c0_i32 : i32, i32
  }
}

module attributes {stable_mosaic.version = 14 : i64} {
  func.func @body(%arg0: i32, %arg1: memref<2000x512xbf16, #tpu.memory_space<vmem>>, %arg2: memref<2000x256xbf16, #tpu.memory_space<vmem>>, %arg3: memref<2000x256xbf16, #tpu.memory_space<vmem>>, %arg4: memref<512x512xbf16, #tpu.memory_space<vmem>>, %arg5: memref<2000x512xbf16, #tpu.memory_space<vmem>>, %arg6: memref<2000x256xbf16, #tpu.memory_space<vmem>>, %arg7: memref<2000x256xbf16, #tpu.memory_space<vmem>>) attributes {dimension_semantics = [#tpu.dimension_semantics<arbitrary>], iteration_bounds = array<i64: 5>, scalar_prefetch = 0 : i64, scratch_operands = 0 : i64, tpu.core_type = #tpu.core_type<tc>, window_params = [{transform_indices = @transform_0, window_bounds = array<i64: 2000, 512>}, {transform_indices = @transform_1, window_bounds = array<i64: 2000, 256>}, {transform_indices = @transform_2, window_bounds = array<i64: 2000, 256>}, {pipeline_mode = #tpu.pipeline_mode<synchronous>, transform_indices = @transform_3, window_bounds = array<i64: 512, 512>}, {transform_indices = @transform_4, window_bounds = array<i64: 2000, 512>}, {transform_indices = @transform_5, window_bounds = array<i64: 2000, 256>}, {transform_indices = @transform_6, window_bounds = array<i64: 2000, 256>}]} {
    %get3A = arith.constant 0 : index
    %get3A_0 = arith.constant 0 : index
    %get3A_1 = vector.load %arg1[%get3A, %get3A_0] : memref<2000x512xbf16, #tpu.memory_space<vmem>>, vector<2000x512xbf16>
    %convert_element_type3A = arith.extf %get3A_1 : vector<2000x512xbf16> to vector<2000x512xf32>
    %get3A_2 = arith.constant 0 : index
    %get3A_3 = arith.constant 0 : index
    %get3A_4 = vector.load %arg2[%get3A_2, %get3A_3] : memref<2000x256xbf16, #tpu.memory_space<vmem>>, vector<2000x256xbf16>
    %get3A_5 = arith.constant 0 : index
    %get3A_6 = arith.constant 0 : index
    %get3A_7 = vector.load %arg3[%get3A_5, %get3A_6] : memref<2000x256xbf16, #tpu.memory_space<vmem>>, vector<2000x256xbf16>
    %concatenate3A = tpu.concatenate %get3A_4, %get3A_7 in 1 : vector<2000x256xbf16>, vector<2000x256xbf16> -> vector<2000x512xbf16>
    %convert_element_type3A_8 = arith.extf %concatenate3A : vector<2000x512xbf16> to vector<2000x512xf32>
    %add3A = arith.addf %convert_element_type3A, %convert_element_type3A_8 : vector<2000x512xf32>
    %max3A = arith.constant 0.000000e+00 : f32
    %max3A_9 = vector.broadcast %max3A : f32 to vector<2000x512xf32>
    %max3A_10 = arith.maximumf %add3A, %max3A_9 : vector<2000x512xf32>
    %convert_element_type3A_11 = arith.truncf %max3A_10 : vector<2000x512xf32> to vector<2000x512xbf16>
    %swap3A = arith.constant 0 : index
    %swap3A_12 = arith.constant 0 : index
    %swap3A_13 = vector.load %arg5[%swap3A, %swap3A_12] : memref<2000x512xbf16, #tpu.memory_space<vmem>>, vector<2000x512xbf16>
    tpu.vector_store %arg5[%swap3A, %swap3A_12], %convert_element_type3A_11 {strides = array<i32>} : memref<2000x512xbf16, #tpu.memory_space<vmem>>, vector<2000x512xbf16>,
    %get3A_14 = arith.constant 0 : index
    %get3A_15 = arith.constant 0 : index
    %get3A_16 = vector.load %arg4[%get3A_14, %get3A_15] : memref<512x512xbf16, #tpu.memory_space<vmem>>, vector<512x512xbf16>
    %dot_general3A = arith.constant dense<0.000000e+00> : vector<2000x512xf32>
    %dot_general3A_17 = tpu.matmul %convert_element_type3A_11, %get3A_16, %dot_general3A {dimension_numbers = #tpu.dot_dimension_numbers<[1], [0], [0], [1], [0, 0, 1, 1], [], []>, transpose_lhs_hint = false} : vector<2000x512xbf16>, vector<512x512xbf16>, vector<2000x512xf32> -> vector<2000x512xf32>
    %convert_element_type3A_18 = arith.truncf %dot_general3A_17 : vector<2000x512xf32> to vector<2000x512xbf16>
    %slice3A = vector.extract_strided_slice %convert_element_type3A_18 {offsets = [0, 0], sizes = [2000, 256], strides = [1, 1]} : vector<2000x512xbf16> to vector<2000x256xbf16>
    %swap3A_19 = arith.constant 0 : index
    %swap3A_20 = arith.constant 0 : index
    %swap3A_21 = vector.load %arg6[%swap3A_19, %swap3A_20] : memref<2000x256xbf16, #tpu.memory_space<vmem>>, vector<2000x256xbf16>
    tpu.vector_store %arg6[%swap3A_19, %swap3A_20], %slice3A {strides = array<i32>} : memref<2000x256xbf16, #tpu.memory_space<vmem>>, vector<2000x256xbf16>,
    %slice3A_22 = vector.extract_strided_slice %convert_element_type3A_18 {offsets = [0, 256], sizes = [2000, 256], strides = [1, 1]} : vector<2000x512xbf16> to vector<2000x256xbf16>
    %swap3A_23 = arith.constant 0 : index
    %swap3A_24 = arith.constant 0 : index
    %swap3A_25 = vector.load %arg7[%swap3A_23, %swap3A_24] : memref<2000x256xbf16, #tpu.memory_space<vmem>>, vector<2000x256xbf16>
    tpu.vector_store %arg7[%swap3A_23, %swap3A_24], %slice3A_22 {strides = array<i32>} : memref<2000x256xbf16, #tpu.memory_space<vmem>>, vector<2000x256xbf16>,
    return
  }
  func.func @transform_0(%arg0: i32) -> (i32, i32) {
    %c0_i32 = arith.constant 0 : i32
    %c0_i32_0 = arith.constant 0 : i32
    return %arg0, %c0_i32 : i32, i32
  }
  func.func @transform_1(%arg0: i32) -> (i32, i32) {
    %c0_i32 = arith.constant 0 : i32
    %c0_i32_0 = arith.constant 0 : i32
    return %arg0, %c0_i32 : i32, i32
  }
  func.func @transform_2(%arg0: i32) -> (i32, i32) {
    %c0_i32 = arith.constant 0 : i32
    %c0_i32_0 = arith.constant 0 : i32
    return %arg0, %c0_i32 : i32, i32
  }
  func.func @transform_3(%arg0: i32) -> (i32, i32) {
    %c0_i32 = arith.constant 0 : i32
    %c0_i32_0 = arith.constant 0 : i32
    %c0_i32_1 = arith.constant 0 : i32
    return %c0_i32, %c0_i32_0 : i32, i32
  }
  func.func @transform_4(%arg0: i32) -> (i32, i32) {
    %c0_i32 = arith.constant 0 : i32
    %c0_i32_0 = arith.constant 0 : i32
    return %arg0, %c0_i32 : i32, i32
  }
  func.func @transform_5(%arg0: i32) -> (i32, i32) {
    %c0_i32 = arith.constant 0 : i32
    %c0_i32_0 = arith.constant 0 : i32
    return %arg0, %c0_i32 : i32, i32
  }
  func.func @transform_6(%arg0: i32) -> (i32, i32) {
    %c0_i32 = arith.constant 0 : i32
    %c0_i32_0 = arith.constant 0 : i32
    return %arg0, %c0_i32 : i32, i32
  }
}

module attributes {stable_mosaic.version = 14 : i64} {
  func.func @body(%arg0: i32, %arg1: memref<2000x512xbf16, #tpu.memory_space<vmem>>, %arg2: memref<512x512xbf16, #tpu.memory_space<vmem>>, %arg3: memref<1x512xf32, #tpu.memory_space<vmem>>, %arg4: memref<2000x512xbf16, #tpu.memory_space<vmem>>) attributes {dimension_semantics = [#tpu.dimension_semantics<arbitrary>], iteration_bounds = array<i64: 5>, scalar_prefetch = 0 : i64, scratch_operands = 0 : i64, tpu.core_type = #tpu.core_type<tc>, window_params = [{transform_indices = @transform_0, window_bounds = array<i64: 2000, 512>}, {pipeline_mode = #tpu.pipeline_mode<synchronous>, transform_indices = @transform_1, window_bounds = array<i64: 512, 512>}, {pipeline_mode = #tpu.pipeline_mode<synchronous>, transform_indices = @transform_2, window_bounds = array<i64: 1, 512>}, {transform_indices = @transform_3, window_bounds = array<i64: 2000, 512>}]} {
    %get3A = arith.constant 0 : index
    %get3A_0 = arith.constant 0 : index
    %get3A_1 = vector.load %arg1[%get3A, %get3A_0] : memref<2000x512xbf16, #tpu.memory_space<vmem>>, vector<2000x512xbf16>
    %get3A_2 = arith.constant 0 : index
    %get3A_3 = arith.constant 0 : index
    %get3A_4 = vector.load %arg2[%get3A_2, %get3A_3] : memref<512x512xbf16, #tpu.memory_space<vmem>>, vector<512x512xbf16>
    %dot_general3A = arith.constant dense<0.000000e+00> : vector<2000x512xf32>
    %dot_general3A_5 = tpu.matmul %get3A_1, %get3A_4, %dot_general3A {dimension_numbers = #tpu.dot_dimension_numbers<[1], [0], [0], [1], [0, 0, 1, 1], [], []>, transpose_lhs_hint = false} : vector<2000x512xbf16>, vector<512x512xbf16>, vector<2000x512xf32> -> vector<2000x512xf32>
    %get3A_6 = arith.constant 0 : index
    %get3A_7 = arith.constant 0 : index
    %get3A_8 = vector.load %arg3[%get3A_6, %get3A_7] : memref<1x512xf32, #tpu.memory_space<vmem>>, vector<1x512xf32>
    %add3A = vector.broadcast %get3A_8 : vector<1x512xf32> to vector<2000x512xf32>
    %add3A_9 = arith.addf %dot_general3A_5, %add3A : vector<2000x512xf32>
    %convert_element_type3A = arith.truncf %add3A_9 : vector<2000x512xf32> to vector<2000x512xbf16>
    %swap3A = arith.constant 0 : index
    %swap3A_10 = arith.constant 0 : index
    %swap3A_11 = vector.load %arg4[%swap3A, %swap3A_10] : memref<2000x512xbf16, #tpu.memory_space<vmem>>, vector<2000x512xbf16>
    tpu.vector_store %arg4[%swap3A, %swap3A_10], %convert_element_type3A {strides = array<i32>} : memref<2000x512xbf16, #tpu.memory_space<vmem>>, vector<2000x512xbf16>,
    return
  }
  func.func @transform_0(%arg0: i32) -> (i32, i32) {
    %c0_i32 = arith.constant 0 : i32
    %c0_i32_0 = arith.constant 0 : i32
    return %arg0, %c0_i32 : i32, i32
  }
  func.func @transform_1(%arg0: i32) -> (i32, i32) {
    %c0_i32 = arith.constant 0 : i32
    %c0_i32_0 = arith.constant 0 : i32
    %c0_i32_1 = arith.constant 0 : i32
    return %c0_i32, %c0_i32_0 : i32, i32
  }
  func.func @transform_2(%arg0: i32) -> (i32, i32) {
    %c0_i32 = arith.constant 0 : i32
    %c0_i32_0 = arith.constant 0 : i32
    %c0_i32_1 = arith.constant 0 : i32
    return %c0_i32, %c0_i32_0 : i32, i32
  }
  func.func @transform_3(%arg0: i32) -> (i32, i32) {
    %c0_i32 = arith.constant 0 : i32
    %c0_i32_0 = arith.constant 0 : i32
    return %arg0, %c0_i32 : i32, i32
  }
}

module attributes {stable_mosaic.version = 14 : i64} {
  func.func @body(%arg0: i32, %arg1: memref<2000x512xbf16, #tpu.memory_space<vmem>>, %arg2: memref<2000x256xbf16, #tpu.memory_space<vmem>>, %arg3: memref<2000x256xbf16, #tpu.memory_space<vmem>>, %arg4: memref<512x32xf32, #tpu.memory_space<vmem>>, %arg5: memref<1x32xf32, #tpu.memory_space<vmem>>, %arg6: memref<1x32xf32, #tpu.memory_space<vmem>>, %arg7: memref<1x512xf32, #tpu.memory_space<vmem>>) attributes {dimension_semantics = [#tpu.dimension_semantics<arbitrary>], iteration_bounds = array<i64: 5>, scalar_prefetch = 0 : i64, scratch_operands = 1 : i64, tpu.core_type = #tpu.core_type<tc>, window_params = [{transform_indices = @transform_0, window_bounds = array<i64: 2000, 512>}, {transform_indices = @transform_1, window_bounds = array<i64: 2000, 256>}, {transform_indices = @transform_2, window_bounds = array<i64: 2000, 256>}, {pipeline_mode = #tpu.pipeline_mode<synchronous>, transform_indices = @transform_3, window_bounds = array<i64: 512, 32>}, {pipeline_mode = #tpu.pipeline_mode<synchronous>, transform_indices = @transform_4, window_bounds = array<i64: 1, 32>}, {pipeline_mode = #tpu.pipeline_mode<synchronous>, transform_indices = @transform_5, window_bounds = array<i64: 1, 32>}]} {
    %get3A = arith.constant 0 : index
    %get3A_0 = arith.constant 0 : index
    %get3A_1 = vector.load %arg1[%get3A, %get3A_0] : memref<2000x512xbf16, #tpu.memory_space<vmem>>, vector<2000x512xbf16>
    %convert_element_type3A = arith.extf %get3A_1 : vector<2000x512xbf16> to vector<2000x512xf32>
    %get3A_2 = arith.constant 0 : index
    %get3A_3 = arith.constant 0 : index
    %get3A_4 = vector.load %arg2[%get3A_2, %get3A_3] : memref<2000x256xbf16, #tpu.memory_space<vmem>>, vector<2000x256xbf16>
    %get3A_5 = arith.constant 0 : index
    %get3A_6 = arith.constant 0 : index
    %get3A_7 = vector.load %arg3[%get3A_5, %get3A_6] : memref<2000x256xbf16, #tpu.memory_space<vmem>>, vector<2000x256xbf16>
    %concatenate3A = tpu.concatenate %get3A_4, %get3A_7 in 1 : vector<2000x256xbf16>, vector<2000x256xbf16> -> vector<2000x512xbf16>
    %convert_element_type3A_8 = arith.extf %concatenate3A : vector<2000x512xbf16> to vector<2000x512xf32>
    %add3A = arith.addf %convert_element_type3A, %convert_element_type3A_8 : vector<2000x512xf32>
    %max3A = arith.constant 0.000000e+00 : f32
    %max3A_9 = vector.broadcast %max3A : f32 to vector<2000x512xf32>
    %max3A_10 = arith.maximumf %add3A, %max3A_9 : vector<2000x512xf32>
    %eq3A = arith.constant 0 : i32
    %eq3A_11 = arith.cmpi eq, %arg0, %eq3A : i32
    %convert_element_type3A_12 = arith.extui %eq3A_11 : i1 to i32
    %cond3A = arith.constant 0 : i32
    %cond3A_13 = arith.cmpi ne, %convert_element_type3A_12, %cond3A : i32
    scf.if %cond3A_13 {
      %broadcast_in_dim3A_26 = arith.constant 0.000000e+00 : f32
      %broadcast_in_dim3A_27 = vector.broadcast %broadcast_in_dim3A_26 : f32 to vector<1x512xf32>
      %swap3A_28 = arith.constant 0 : index
      %swap3A_29 = arith.constant 0 : index
      %swap3A_30 = vector.load %arg7[%swap3A_28, %swap3A_29] : memref<1x512xf32, #tpu.memory_space<vmem>>, vector<1x512xf32>
      tpu.vector_store %arg7[%swap3A_28, %swap3A_29], %broadcast_in_dim3A_27 {strides = array<i32>} : memref<1x512xf32, #tpu.memory_space<vmem>>, vector<1x512xf32>,
    } else {
    }
    %get3A_14 = arith.constant 0 : index
    %get3A_15 = arith.constant 0 : index
    %get3A_16 = vector.load %arg7[%get3A_14, %get3A_15] : memref<1x512xf32, #tpu.memory_space<vmem>>, vector<1x512xf32>
    %reduce_sum3A = arith.constant dense<0.000000e+00> : vector<512xf32>
    %reduce_sum3A_17 = vector.multi_reduction <add>, %max3A_10, %reduce_sum3A [0] : vector<2000x512xf32> to vector<512xf32>
    %broadcast_in_dim3A = vector.shape_cast %reduce_sum3A_17 : vector<512xf32> to vector<1x512xf32>
    %add3A_18 = arith.addf %get3A_16, %broadcast_in_dim3A : vector<1x512xf32>
    %swap3A = arith.constant 0 : index
    %swap3A_19 = arith.constant 0 : index
    %swap3A_20 = vector.load %arg7[%swap3A, %swap3A_19] : memref<1x512xf32, #tpu.memory_space<vmem>>, vector<1x512xf32>
    tpu.vector_store %arg7[%swap3A, %swap3A_19], %add3A_18 {strides = array<i32>} : memref<1x512xf32, #tpu.memory_space<vmem>>, vector<1x512xf32>,
    %eq3A_21 = arith.constant 4 : i32
    %eq3A_22 = arith.cmpi eq, %arg0, %eq3A_21 : i32
    %convert_element_type3A_23 = arith.extui %eq3A_22 : i1 to i32
    %cond3A_24 = arith.constant 0 : i32
    %cond3A_25 = arith.cmpi ne, %convert_element_type3A_23, %cond3A_24 : i32
    scf.if %cond3A_25 {
      %get3A_26 = arith.constant 0 : index
      %get3A_27 = arith.constant 0 : index
      %get3A_28 = vector.load %arg7[%get3A_26, %get3A_27] : memref<1x512xf32, #tpu.memory_space<vmem>>, vector<1x512xf32>
      %get3A_29 = arith.constant 0 : index
      %get3A_30 = arith.constant 0 : index
      %get3A_31 = vector.load %arg4[%get3A_29, %get3A_30] : memref<512x32xf32, #tpu.memory_space<vmem>>, vector<512x32xf32>
      %dot_general3A = arith.constant dense<0.000000e+00> : vector<1x32xf32>
      %dot_general3A_32 = tpu.matmul %get3A_28, %get3A_31, %dot_general3A {dimension_numbers = #tpu.dot_dimension_numbers<[1], [0], [0], [1], [0, 0, 1, 1], [], []>, transpose_lhs_hint = false} : vector<1x512xf32>, vector<512x32xf32>, vector<1x32xf32> -> vector<1x32xf32>
      %get3A_33 = arith.constant 0 : index
      %get3A_34 = arith.constant 0 : index
      %get3A_35 = vector.load %arg5[%get3A_33, %get3A_34] : memref<1x32xf32, #tpu.memory_space<vmem>>, vector<1x32xf32>
      %add3A_36 = arith.addf %dot_general3A_32, %get3A_35 : vector<1x32xf32>
      %reduce_max3A = arith.constant dense<0xFF800000> : vector<1xf32>
      %reduce_max3A_37 = vector.multi_reduction <maximumf>, %add3A_36, %reduce_max3A [1] : vector<1x32xf32> to vector<1xf32>
      %broadcast_in_dim3A_38 = vector.shape_cast %reduce_max3A_37 : vector<1xf32> to vector<1x1xf32>
      %sub3A = vector.broadcast %broadcast_in_dim3A_38 : vector<1x1xf32> to vector<1x32xf32>
      %sub3A_39 = arith.subf %add3A_36, %sub3A : vector<1x32xf32>
      %exp3A = math.exp %sub3A_39 : vector<1x32xf32>
      %reduce_sum3A_40 = arith.constant dense<0.000000e+00> : vector<1xf32>
      %reduce_sum3A_41 = vector.multi_reduction <add>, %exp3A, %reduce_sum3A_40 [1] : vector<1x32xf32> to vector<1xf32>
      %broadcast_in_dim3A_42 = vector.shape_cast %reduce_sum3A_41 : vector<1xf32> to vector<1x1xf32>
      %div3A = vector.broadcast %broadcast_in_dim3A_42 : vector<1x1xf32> to vector<1x32xf32>
      %div3A_43 = arith.divf %exp3A, %div3A : vector<1x32xf32>
      %swap3A_44 = arith.constant 0 : index
      %swap3A_45 = arith.constant 0 : index
      %swap3A_46 = vector.load %arg6[%swap3A_44, %swap3A_45] : memref<1x32xf32, #tpu.memory_space<vmem>>, vector<1x32xf32>
      tpu.vector_store %arg6[%swap3A_44, %swap3A_45], %div3A_43 {strides = array<i32>} : memref<1x32xf32, #tpu.memory_space<vmem>>, vector<1x32xf32>,
    } else {
    }
    return
  }
  func.func @transform_0(%arg0: i32) -> (i32, i32) {
    %c0_i32 = arith.constant 0 : i32
    %c0_i32_0 = arith.constant 0 : i32
    return %arg0, %c0_i32 : i32, i32
  }
  func.func @transform_1(%arg0: i32) -> (i32, i32) {
    %c0_i32 = arith.constant 0 : i32
    %c0_i32_0 = arith.constant 0 : i32
    return %arg0, %c0_i32 : i32, i32
  }
  func.func @transform_2(%arg0: i32) -> (i32, i32) {
    %c0_i32 = arith.constant 0 : i32
    %c0_i32_0 = arith.constant 0 : i32
    return %arg0, %c0_i32 : i32, i32
  }
  func.func @transform_3(%arg0: i32) -> (i32, i32) {
    %c0_i32 = arith.constant 0 : i32
    %c0_i32_0 = arith.constant 0 : i32
    %c0_i32_1 = arith.constant 0 : i32
    return %c0_i32, %c0_i32_0 : i32, i32
  }
  func.func @transform_4(%arg0: i32) -> (i32, i32) {
    %c0_i32 = arith.constant 0 : i32
    %c0_i32_0 = arith.constant 0 : i32
    %c0_i32_1 = arith.constant 0 : i32
    return %c0_i32, %c0_i32_0 : i32, i32
  }
  func.func @transform_5(%arg0: i32) -> (i32, i32) {
    %c0_i32 = arith.constant 0 : i32
    %c0_i32_0 = arith.constant 0 : i32
    %c0_i32_1 = arith.constant 0 : i32
    return %c0_i32, %c0_i32_0 : i32, i32
  }
}

</mosaic_0001>

<sc_bundles>
// kernel: kernel.12.cloned.1.call-start
scs
__scs_entry_jumppad:
0x0: {  	(pc) =	sbr.rel $0x88, $3  }
0x1: {  	(tag) =	ssettag $0x0;
	lr =	simm.s32 $0x1  }
0x2: {  	[smem:$0x3F94] =	sst lr;
	_ =	strace $0xD0000000  }
0x3: {  	_ = 	snop  }
0x4: {  	_ = 	snop  }
0x5: {  	_ = 	snop  }
0x6: {  	_ = 	snop  }
0x7: {  	_ = 	snop  }
__scs_overlays_trampoline_lowered:
0x8: {  	[smem:$0x3FA3] =	sst s0  }
0x9: {  	[smem:$0x3FA4] =	sst s1  }
0xa: {  	[smem:$0x3FA5] =	sst s2  }
0xb: {  	[smem:$0x3FA6] =	sst s3  }
0xc: {  	[smem:$0x3FA7] =	sst s4  }
0xd: {  	[smem:$0x3FA8] =	sst s5  }
0xe: {  	[smem:$0x3FA9] =	sst s6  }
0xf: {  	[smem:$0x3FAA] =	sst s7  }
0x10: {  	[smem:$0x3FAB] =	sst s8  }
0x11: {  	[smem:$0x3FAC] =	sst s9;
	s0 =	simm.s32 @!p0 $0x0  }
0x12: {  	s1 =	sld [smem:$0x3F92];
	s0 =	simm.s32 @p0 $0x1  }
0x13: {  	[smem:$0x3FAD] =	sst s0;
	s0 =	simm.s32 @!p1 $0x0  }
0x14: {  	s2 =	sld [smem:$0x3F91];
	s0 =	simm.s32 @p1 $0x1  }
0x15: {  	[smem:$0x3FAE] =	sst s0;
	s0 =	simm.s32 @!p2 $0x0  }
0x16: {  	s3 =	sld [smem:$0x3FDB];
	s0 =	simm.s32 @p2 $0x1  }
0x17: {  	s4 =	simm.s32 $0x1BF5;
	[smem:$0x3FB0] =	sst s0  }
0x18: {  	s0 =	sld [smem:$0x3F93];
	_ =	swait.ge [sflag:s4], $0x0  }
0x19: {  	s7 =	sld [smem:$0x3F94]  }
0x1a: {  	s8 =	sadd.s32 $0xFFFFE003, lr  }
0x1b: {  	s9 =	sadd.s32 $0xFFFFFEF7, lr;
	s5 =	simm.s32 $0xFFFFFFFF;
	p2 =	slt.u32 s8, $0xFFFFF086  }
0x1c: {  	p1 =	slt.u32 s9, $0xF7A;
	s5 =	simm.s32 @!p2 $0x0  }
0x1d: {  	s5 =	simm.s32 @p1 $0x1;
	p0 =	seq.s32 s7, s2  }
0x1e: {  	s7 =	smul.u32 @!p0 $0xF7A, s2;
	p2 =	seq.s32 @!p0 s5, $0x0  }
0x1f: {  	s9 =	smul.u32 $0xF7A, s1;
	s8 =	simm.s32 @!p0 $0x1BF5;
	p2 =	por !p2, p0  }
0x20: {  	[sflag:s8] =	ssyncset.s32 @!p0 $0xFFFFF086;
	s6 =	sadd.s32 @!p0 s3, s7;
	s7 =	simm.s32 @!p0 $0x108  }
0x21: {  	s3 =	sadd.s32 s3, s9;
	s6 =	sadd.s32 @!p0 $0x88, s6;
	s7 =	simm.s32 @p2 $0x1082  }
0x22: {  	[simem:s7], [sflag:s8] =	dma.local @!p0 [hbm:s6], $0xF7A  }
0x23: {  	s9 =	sor.u32 $0xD0000000, s2;
	s6 =	simm.s32 $0x108;
	_ =	swait.ge @!p0 [sflag:s8], $0x0  }
0x24: {  	s3 =	sadd.s32 $0x88, s3;
	s6 =	simm.s32 @!p1 $0x1082;
	[sflag:s4] =	ssyncset.s32 $0xFFFFF086  }
0x25: {  	[simem:s6], [sflag:s4] =	dma.local [hbm:s3], $0xF7A  }
0x26: {  	[smem:$0x3F94] =	sst s1;
	(tag) =	ssettag s2;
	_ =	strace s9  }
0x27: {  	s1 =	sld [smem:$0x3FA4]  }
0x28: {  	s2 =	sld [smem:$0x3FA5]  }
0x29: {  	s4 =	sld [smem:$0x3FA7]  }
0x2a: {  	p0 =	seq.s32 s5, $0x0;
	s5 =	sld [smem:$0x3FA8]  }
0x2b: {  	s6 =	sld [smem:$0x3FA9]  }
0x2c: {  	s7 =	sld [smem:$0x3FAA]  }
0x2d: {  	s3 =	simm.s32 $0x108;
	s8 =	sld [smem:$0x3FAB]  }
0x2e: {  	s3 =	simm.s32 @!p0 $0x1082;
	s9 =	sld [smem:$0x3FAC]  }
0x2f: {  	lr =	sadd.s32 s0, s3;
	s0 =	sld [smem:$0x3FA3]  }
0x30: {  	s3 =	sld [smem:$0x3FA6]  }
0x31: {  	[smem:$0x3FAF] =	sst s10  }
0x32: {  	s10 =	sld [smem:$0x3FAD];
	_ =	sdelay $0x3  }
0x33: {  	p0 =	seq.s32 s10, $0x1;
	s10 =	sld [smem:$0x3FAF];
	_ =	sdelay $0x3  }
0x34: {  	[smem:$0x3FAF] =	sst s10  }
0x35: {  	s10 =	sld [smem:$0x3FAE];
	_ =	sdelay $0x3  }
0x36: {  	p1 =	seq.s32 s10, $0x1;
	s10 =	sld [smem:$0x3FAF];
	_ =	sdelay $0x3  }
0x37: {  	[smem:$0x3FAF] =	sst s10  }
0x38: {  	s10 =	sld [smem:$0x3FB0]  }
0x39: {  	_ = 	snop;
	(pc) =	sbr.ind lr, $3  }
0x3a: {  	_ = 	snop  }
0x3b: {  	_ = 	snop  }
0x3c: {  	p2 =	seq.s32 s10, $0x1;
	s10 =	sld [smem:$0x3FAF]  }
0x3d: {  	_ =	shalt  }
0x3e: {  	_ =	shalt  }
0x3f: {  	_ =	shalt  }
0x40: {  	_ =	shalt  }
0x41: {  	_ =	shalt  }
0x42: {  	_ =	shalt  }
0x43: {  	_ =	shalt  }
0x44: {  	_ =	shalt  }
0x45: {  	_ =	shalt  }
0x46: {  	_ =	shalt  }
0x47: {  	_ =	shalt  }
0x48: {  	_ =	shalt  }
0x49: {  	_ =	shalt  }
0x4a: {  	_ =	shalt  }
0x4b: {  	_ =	shalt  }
0x4c: {  	_ =	shalt  }
0x4d: {  	_ =	shalt  }
0x4e: {  	_ =	shalt  }
0x4f: {  	_ =	shalt  }
0x50: {  	_ =	shalt  }
0x51: {  	_ =	shalt  }
0x52: {  	_ =	shalt  }
0x53: {  	_ =	shalt  }
0x54: {  	_ =	shalt  }
0x55: {  	_ =	shalt  }
0x56: {  	_ =	shalt  }
0x57: {  	_ =	shalt  }
0x58: {  	_ =	shalt  }
0x59: {  	_ =	shalt  }
0x5a: {  	_ =	shalt  }
0x5b: {  	_ =	shalt  }
0x5c: {  	_ =	shalt  }
0x5d: {  	_ =	shalt  }
0x5e: {  	_ =	shalt  }
0x5f: {  	_ =	shalt  }
0x60: {  	_ =	shalt  }
0x61: {  	_ =	shalt  }
0x62: {  	_ =	shalt  }
0x63: {  	_ =	shalt  }
0x64: {  	_ =	shalt  }
0x65: {  	_ =	shalt  }
0x66: {  	_ =	shalt  }
0x67: {  	_ =	shalt  }
0x68: {  	_ =	shalt  }
0x69: {  	_ =	shalt  }
0x6a: {  	_ =	shalt  }
0x6b: {  	_ =	shalt  }
0x6c: {  	_ =	shalt  }
0x6d: {  	_ =	shalt  }
0x6e: {  	_ =	shalt  }
0x6f: {  	_ =	shalt  }
0x70: {  	_ =	shalt  }
0x71: {  	_ =	shalt  }
0x72: {  	_ =	shalt  }
0x73: {  	_ =	shalt  }
0x74: {  	_ =	shalt  }
0x75: {  	_ =	shalt  }
0x76: {  	_ =	shalt  }
0x77: {  	_ =	shalt  }
0x78: {  	_ =	shalt  }
0x79: {  	_ =	shalt  }
0x7a: {  	_ =	shalt  }
0x7b: {  	_ =	shalt  }
0x7c: {  	_ =	shalt  }
0x7d: {  	_ =	shalt  }
0x7e: {  	_ =	shalt  }
0x7f: {  	_ =	shalt  }
0x80: {  	_ =	shalt  }
0x81: {  	_ =	shalt  }
0x82: {  	_ =	shalt  }
0x83: {  	_ =	shalt  }
0x84: {  	_ =	shalt  }
0x85: {  	_ =	shalt  }
0x86: {  	_ =	shalt  }
0x87: {  	_ =	shalt  }
.Lfunc_end0:
.L_simem_size_0:
called_computation_lowered:
.L_overlay_start_0:
0x88: {  	s2 =	sld [smem:$0x3FD9]  }
0x89: {  	s3 =	sld [smem:$0x3FFE];
	_ =	sdelay $0x1  }
0x8a: {  	s1 =	srdreg.scid  }
0x8b: {  	s0 =	sand.u32 $0x1, s1  }
0x8c: {  	s16 =	sshll.u32 s0, $0xA;
	s2 =	sadd.s32 s3, s2  }
0x8d: {  	s2 =	sadd.s32 s2, s16  }
0x8e: {  	[smem:$0x3FBB] =	sst s2  }
0x8f: {  	_ = 	snop  }
0x90: {  	(tm) =	ssettm $0x1  }
0x91: {  	s17 =	sld [smem:$0x3FFB];
	_ =	sdelay $0x3  }
0x92: {  	_ =	strace s17  }
0x93: {  	s2 =	sld [smem:$0x3FFC];
	_ =	sdelay $0x3  }
0x94: {  	_ =	strace s2  }
0x95: {  	s2 =	sld [smem:$0x3FFD];
	_ =	sdelay $0x3  }
0x96: {  	_ =	strace s2  }
0x97: {  	_ =	strace $0x8FFFFFFF  }
0x98: {  	s18 =	sld [smem:$0x3FDB];
	_ =	sdelay $0x1  }
0x99: {  	s19 =	simm.s32 $_scs_section_size  }
0x9a: {  	s4 =	simm.s32 $_size__tile_overlayer_lowered;
	s5 =	simm.s32 $_tile_overlayer_lowered  }
0x9b: {  	s22 =	simm.s32 $0x1BFF;
	s21 =	sshll.u32 s5, $0x1;
	s2 =	sadd.s32 s19, s18  }
0x9c: {  	s6 =	simm.s32 $0x0;
	s20 =	sshll.u32 s4, $0x1;
	s4 =	sadd.s32 s21, s2  }
0x9d: {  	[timem:s6], [sflag:s22] =	dma.local [hbm:s4], s20  }
0x9e: {  	_ =	swait.ge [sflag:s22], s20  }
0x9f: {  	s3 =	ssub.s32 $0x0, s20;
	[sflag:s22] =	ssyncset.done $0x0  }
0xa0: {  	[sflag:s22] =	ssyncadd.s32 s3;
	_ =	sdelay $0x1  }
0xa1: {  	s23 =	simm.s32 $0x1B8B  }
0xa2: {  	_ =	swait.ge [sflag:s23], $0x1  }
0xa3: {  	[sflag:s23] =	ssyncset.done $0x0  }
0xa4: {  	s25 =	simm.s32 $0x1B8E;
	s24 =	sld [smem:$0x3FFE];
	[sflag:s23] =	ssyncadd.s32 $0xFFFFFFFF  }
0xa5: {  	s26 =	simm.s32 $execute0_lowered;
	[smem:$0x3FD2] =	sst s25  }
0xa6: {  	s4 =	sshll.u32 s26, $0x1;
	_ =	strace $0x80000046;
	[dreg:$0x1] =	wrdreg $0xFFFFFFFF  }
0xa7: {  	s28 =	simm.s32 $_size_execute0_lowered;
	s2 =	sadd.s32 s2, s4;
	[dreg:$0x0] =	wrdreg $0x0  }
0xa8: {  	s4 =	sshll.u32 s28, $0x1;
	[dreg:$0x2] =	wrdreg s2  }
0xa9: {  	[dreg:$0x3] =	wrdreg s4  }
0xaa: {  	[dreg:$0x4] =	wrdreg $0xC0  }
0xab: {  	_ =	task [dreg:s6], $0x5FFFF  }
0xac: {  	[dreg:$0x1] =	wrdreg $0xFFFFFFFF  }
0xad: {  	[dreg:$0x0] =	wrdreg $0x60  }
0xae: {  	[dreg:$0x2] =	wrdreg s24  }
0xaf: {  	[dreg:$0x3] =	wrdreg $0x9E200  }
0xb0: {  	[dreg:$0x4] =	wrdreg $0x9  }
0xb1: {  	_ =	task.clear_ibuf [dreg:s6], $0x5FFFF;
	_ =	strace $0x90000046  }
0xb2: {  	s29 =	simm.s32 $0x9;
	_ =	strace $0x80000048  }
0xb3: {  	_ =	swait.ge [sflag:s29], $0x1  }
0xb4: {  	[sflag:s29] =	ssyncadd.s32 $0xFFFFFFFF  }
0xb5: {  	_ =	strace $0x90000048  }
0xb6: {  	_ =	sfence  }
0xb7: {  	s30 =	sld [smem:$0x0];
	_ =	sdelay $0x2  }
0xb8: {  	s31 =	sshll.u32 s1, $0xD;
	s1 =	sshrl.u32 s1, $0x2  }
0xb9: {  	s3 =	sand.u32 $0x4000, s31;
	s1 =	sadd.s32 s1, s30  }
0xba: {  	s0 =	sor.u32 s3, s0;
	s1 =	sshll.u32 s1, $0x11  }
0xbb: {  	s0 =	sor.u32 s1, s0  }
0xbc: {  	s0 =	sadd.s32 $0x8F2B, s0  }
0xbd: {  	[sflag:s0] =	ssyncadd.remote.s32 $0x1  }
0xbe: {  	_ =	sfence.sel $0xFFFF  }
0xbf: {  	[dreg:$0x0] =	wrdreg $0xFFFFFFFF;
	(pc) =	sbr.abs _section_cstart, $3  }
0xc0: {  	[dreg:$0x1] =	wrdreg $0xFFFFFFFF  }
0xc1: {  	_ =	task.clear_ibuf [dreg:s6], $0x2FFFF;
	_ =	strace $0x9FFFFFFF  }
0xc2: {  	(tm) =	ssettm $0x7FFFFFFF  }
0xc3: {  	_ =	shalt  }
tec
execute0_lowered:
.L_overlay_start_1:
0x0: {  	(tag) =	ssettag $0x1  }
0x1: {  	s8 =	rddreg [dreg:$0x0]  }
0x2: {  	s2 =	rddreg [dreg:$0x1]  }
0x3: {  	s0 =	rddreg [dreg:$0x2];
	s3 =	simm.s32 $0x0;
	s1 =	stileid.u32  }
0x4: {  	s7 =	srdreg.scid;
	s17 =	simm.s32 $0x50;
	s18 =	simm.s32 $0x26C0  }
0x5: {  	s19 =	simm.s32 $0x4E20;
	s20 =	simm.s32 $0x1;
	s21 =	simm.s32 $0x4DD0  }
0x6: {  	s22 =	simm.s32 $0x7620;
	s23 =	simm.s32 $0x2;
	s24 =	simm.s32 $0x4D30  }
0x7: {  	s25 =	simm.s32 $0x4D80;
	s26 =	simm.s32 $0x0;
	s6 =	smul.u32 $0x4E2, s1  }
0x8: {  	[smem:$0x7FF] =	sst s3;
	s11 =	smul.u32 $0x27100, s1;
	s4 =	sadd.s32 $0x36000, s8  }
0x9: {  	s5 =	sadd.s32 $0xEE00, s8;
	s12 =	sand.u32 $0x1, s7;
	s7 =	sadd.s32 $0x84400, s8  }
0xa: {  	s15 =	sshll.u32 s1, $0x6;
	_ =	strace $0x80000047;
	s9 =	ssub.s32 $0x2, s12  }
0xb: {  	p0 =	seq.s32 s12, $0x1;
	s15 =	sor.u32 $0x1C03, s15;
	s10 =	sadd.s32 s6, s8  }
.Ltmp0:
0xc: {  	s6 =	sshrl.u32 s11, $0x4;
	s14 =	sshrl.u32 s9, $0x1;
	(pc) =	sbr.rel .LBB2_1-.Ltmp0, $4  }
0xd: {  	s11 =	sshrl.u32 s11, $0x1;
	s13 =	sadd.s32 s6, s8;
	s8 =	sadd.s32 $0xAB600, s8  }
0xe: {  	s14 =	ssub.s32 s9, s14;
	s9 =	sadd.s32 $0x9E00, s10;
	s10 =	sadd.s32 $0x4E00, s10  }
0xf: {  	s16 =	sadd.s32 s11, s2;
	s11 =	sadd.s32 $0x5D200, s13;
	s12 =	smax.u32 s14, $0x1  }
0x10: {  	s13 =	simm.s32 $0x3;
	s14 =	simm.s32 $0x2710;
	s16 =	sshrl.u32 s16, $0x3  }
.LBB2_7:
0x11: {  	[tilespmem:s22], [sflag:$0x2] =	stream.indirect.gather [hbm4b:s5+s17], $0x80, s29, s17, $0xb8;
	[tilespmem:$0x1D6A0] =	vst v63  }
0x12: {  	s28 =	smov.u32 s8  }
.LBB2_8:
0x13: {  	_ =	swait.ge [sflag:s20], $0x2800  }
0x14: {  	[sflag:s20] =	ssyncset.done $0x0  }
0x15: {  	[sflag:s20] =	ssyncadd.s32 $0xFFFFD800  }
0x16: {  	[spmem:s2] =	stream.indirect.scatter.add.bf16 [tilespmem:s19], [sflag:$0x3], $0x80, s24, s17, $0xb8;
	[tilespmem:$0x1D6A0] =	vst v63  }
0x17: {  	_ =	swait.ge [sflag:s13], $0x2800  }
0x18: {  	[sflag:s13] =	ssyncset.done $0x0  }
0x19: {  	[sflag:s13] =	ssyncadd.s32 $0xFFFFD800  }
0x1a: {  	_ =	swait.ge [sflag:s23], $0x2800  }
0x1b: {  	[sflag:s23] =	ssyncset.done $0x0  }
0x1c: {  	[sflag:s23] =	ssyncadd.s32 $0xFFFFD800  }
0x1d: {  	[spmem:s2] =	stream.indirect.scatter.add.bf16 [tilespmem:s22], [sflag:$0x3], $0x80, s25, s17, $0xb8;
	[tilespmem:$0x1D6A0] =	vst v63  }
0x1e: {  	_ =	swait.ge [sflag:s13], $0x2800  }
0x1f: {  	s26 =	sadd.s32 $0x1, s26;
	[sflag:s13] =	ssyncset.done $0x0  }
0x20: {  	p1 =	sne.s32 s26, s12;
	[sflag:s13] =	ssyncadd.s32 $0xFFFFD800  }
.Ltmp1:
0x21: {  	s28 =	sadd.s32 s28, s6;
	[bflag:$0x0] =	sbarrier.arrive $0xFFFF;
	(pc) =	sbr.rel @!p1 .LBB2_9-.Ltmp1, $4  }
0x22: {  	[hbm:s28], [sflag:s15] =	dma.local [spmem:s16], $0x2710  }
0x23: {  	_ =	swait.ge [sflag:s13], $0x2710  }
0x24: {  	[sflag:s13] =	ssyncset.done $0x0  }
0x25: {  	[sflag:s13] =	ssyncadd.s32 $0xFFFFD8F0  }
.LBB2_1:
0x26: {  	[tilespmem:s3], [sflag:$0x3] =	stream.linear.gather [hbm4b:s9+s3], $0x2710, $0x38;
	[tilespmem:$0x1D6A0] =	vst v63  }
0x27: {  	_ =	swait.ge [sflag:s13], $0x2710  }
0x28: {  	[sflag:s13] =	ssyncset.done $0x0  }
0x29: {  	[sflag:s13] =	ssyncadd.s32 $0xFFFFD8F0  }
0x2a: {  	[tilespmem:s14], [sflag:$0x3] =	stream.linear.gather [hbm4b:s10+s3], $0x2710, $0x38;
	[tilespmem:$0x1D6A0] =	vst v63  }
0x2b: {  	_ =	swait.ge [sflag:s13], $0x2710  }
0x2c: {  	[sflag:s13] =	ssyncset.done $0x0  }
0x2d: {  	[sflag:s13] =	ssyncadd.s32 $0xFFFFD8F0  }
0x2e: {  	[spmem:s16], [sflag:s15] =	dma.local [hbm:s11], $0x2710  }
.Ltmp2:
0x2f: {  	_ =	swait.ge [sflag:s13], $0x2710;
	(pc) =	sbr.rel @!p0 .LBB2_2-.Ltmp2, $3  }
0x30: {  	[sflag:s13] =	ssyncset.done $0x0  }
0x31: {  	[sflag:s13] =	ssyncadd.s32 $0xFFFFD8F0  }
0x32: {  	[bflag:$0x0] =	sbarrier.arrive $0xFFFF;
	_ =	sdelay $0x1  }
0x33: {  	[tilespmem:s19], [sflag:$0x1] =	stream.indirect.gather [hbm4b:s5+s17], $0x80, s18, s17, $0xb8;
	[tilespmem:$0x1D6A0] =	vst v63  }
0x34: {  	_ =	swait.ge [sflag:s20], $0x2800  }
0x35: {  	[sflag:s20] =	ssyncset.done $0x0  }
0x36: {  	[sflag:s20] =	ssyncadd.s32 $0xFFFFD800  }
0x37: {  	[spmem:s2] =	stream.indirect.scatter.add.bf16 [tilespmem:s19], [sflag:$0x3], $0x80, s21, s17, $0xb8;
	[tilespmem:$0x1D6A0] =	vst v63  }
0x38: {  	_ =	swait.ge [sflag:s13], $0x2800  }
0x39: {  	[sflag:s13] =	ssyncset.done $0x0  }
0x3a: {  	s28 =	simm.s32 $0x0;
	[sflag:s13] =	ssyncadd.s32 $0xFFFFD800  }
0x3b: {  	[tilespmem:s19], [sflag:$0x1] =	stream.indirect.gather [hbm4b:s5+s17], $0x80, s28, s17, $0xb8;
	[tilespmem:$0x1D6A0] =	vst v63  }
0x3c: {  	_ = 	snop  }
0x3d: {  	[tilespmem:s22], [sflag:$0x2] =	stream.indirect.gather [hbm4b:s5+s17], $0x80, s17, s17, $0xb8;
	[tilespmem:$0x1D6A0] =	vst v63  }
0x3e: {  	_ =	swait.ge [sflag:s20], $0x2800  }
0x3f: {  	[sflag:s20] =	ssyncset.done $0x0  }
0x40: {  	s28 =	simm.s32 $0x2710;
	[sflag:s20] =	ssyncadd.s32 $0xFFFFD800  }
0x41: {  	[spmem:s2] =	stream.indirect.scatter.add.bf16 [tilespmem:s19], [sflag:$0x3], $0x80, s28, s17, $0xb8;
	[tilespmem:$0x1D6A0] =	vst v63  }
0x42: {  	_ =	swait.ge [sflag:s13], $0x2800  }
0x43: {  	[sflag:s13] =	ssyncset.done $0x0  }
0x44: {  	s28 =	simm.s32 $0xA0;
	[sflag:s13] =	ssyncadd.s32 $0xFFFFD800  }
0x45: {  	[tilespmem:s19], [sflag:$0x1] =	stream.indirect.gather [hbm4b:s5+s17], $0x80, s28, s17, $0xb8;
	[tilespmem:$0x1D6A0] =	vst v63  }
0x46: {  	_ =	swait.ge [sflag:s23], $0x2800  }
0x47: {  	[sflag:s23] =	ssyncset.done $0x0  }
0x48: {  	s28 =	simm.s32 $0x2760;
	[sflag:s23] =	ssyncadd.s32 $0xFFFFD800  }
0x49: {  	[spmem:s2] =	stream.indirect.scatter.add.bf16 [tilespmem:s22], [sflag:$0x3], $0x80, s28, s17, $0xb8;
	[tilespmem:$0x1D6A0] =	vst v63  }
0x4a: {  	_ =	swait.ge [sflag:s13], $0x2800  }
0x4b: {  	[sflag:s13] =	ssyncset.done $0x0  }
0x4c: {  	s29 =	simm.s32 $0xF0;
	s28 =	simm.s32 $0x280;
	[sflag:s13] =	ssyncadd.s32 $0xFFFFD800  }
.LBB2_6:
0x4d: {  	[tilespmem:s22], [sflag:$0x2] =	stream.indirect.gather [hbm4b:s5+s17], $0x80, s29, s17, $0xb8;
	[tilespmem:$0x1D6A0] =	vst v63  }
0x4e: {  	s29 =	smov.u32 s28  }
0x4f: {  	p1 =	sne.s32 s28, $0x9600;
	s28 =	sadd.s32 $0x280, s28;
	_ =	swait.ge [sflag:s20], $0x2800  }
0x50: {  	s29 =	sshra.s32 s29, $0x2;
	[sflag:s20] =	ssyncset.done $0x0  }
0x51: {  	s30 =	sadd.s32 $0x2710, s29;
	[sflag:s20] =	ssyncadd.s32 $0xFFFFD800  }
0x52: {  	[spmem:s2] =	stream.indirect.scatter.add.bf16 [tilespmem:s19], [sflag:$0x3], $0x80, s30, s17, $0xb8;
	[tilespmem:$0x1D6A0] =	vst v63  }
0x53: {  	_ =	swait.ge [sflag:s13], $0x2800  }
0x54: {  	[sflag:s13] =	ssyncset.done $0x0  }
0x55: {  	s30 =	sadd.s32 $0xA0, s29;
	[sflag:s13] =	ssyncadd.s32 $0xFFFFD800  }
0x56: {  	[tilespmem:s19], [sflag:$0x1] =	stream.indirect.gather [hbm4b:s5+s17], $0x80, s30, s17, $0xb8;
	[tilespmem:$0x1D6A0] =	vst v63  }
0x57: {  	_ =	swait.ge [sflag:s23], $0x2800  }
0x58: {  	[sflag:s23] =	ssyncset.done $0x0  }
.Ltmp3:
0x59: {  	s30 =	sadd.s32 $0x2760, s29;
	[sflag:s23] =	ssyncadd.s32 $0xFFFFD800;
	(pc) =	sbr.rel @p1 .LBB2_6-.Ltmp3, $4  }
0x5a: {  	[spmem:s2] =	stream.indirect.scatter.add.bf16 [tilespmem:s22], [sflag:$0x3], $0x80, s30, s17, $0xb8;
	[tilespmem:$0x1D6A0] =	vst v63  }
0x5b: {  	_ =	swait.ge [sflag:s13], $0x2800  }
0x5c: {  	[sflag:s13] =	ssyncset.done $0x0  }
0x5d: {  	s29 =	sadd.s32 $0xF0, s29;
	[sflag:s13] =	ssyncadd.s32 $0xFFFFD800  }
.Ltmp4:
0x5e: {  	_ = 	snop;
	(pc) =	sbr.rel .LBB2_7-.Ltmp4, $1  }
0x5f: {  	_ =	sdelay $0x3  }
.LBB2_2:
0x60: {  	[tilespmem:s19], [sflag:$0x1] =	stream.indirect.gather [hbm4b:s4+s17], $0x80, s18, s17, $0xb8;
	[tilespmem:$0x1D6A0] =	vst v63  }
0x61: {  	_ =	swait.ge [sflag:s20], $0x2800  }
0x62: {  	[sflag:s20] =	ssyncset.done $0x0  }
0x63: {  	[sflag:s20] =	ssyncadd.s32 $0xFFFFD800  }
0x64: {  	[spmem:s2] =	stream.indirect.scatter.add.bf16 [tilespmem:s19], [sflag:$0x3], $0x80, s21, s17, $0xb8;
	[tilespmem:$0x1D6A0] =	vst v63  }
0x65: {  	_ =	swait.ge [sflag:s13], $0x2800  }
0x66: {  	[sflag:s13] =	ssyncset.done $0x0  }
0x67: {  	s28 =	simm.s32 $0x0;
	[sflag:s13] =	ssyncadd.s32 $0xFFFFD800  }
0x68: {  	[tilespmem:s19], [sflag:$0x1] =	stream.indirect.gather [hbm4b:s4+s17], $0x80, s28, s17, $0xb8;
	[tilespmem:$0x1D6A0] =	vst v63  }
0x69: {  	_ = 	snop  }
0x6a: {  	[tilespmem:s22], [sflag:$0x2] =	stream.indirect.gather [hbm4b:s4+s17], $0x80, s17, s17, $0xb8;
	[tilespmem:$0x1D6A0] =	vst v63  }
0x6b: {  	_ =	swait.ge [sflag:s20], $0x2800  }
0x6c: {  	[sflag:s20] =	ssyncset.done $0x0  }
0x6d: {  	s28 =	simm.s32 $0x2710;
	[sflag:s20] =	ssyncadd.s32 $0xFFFFD800  }
0x6e: {  	[spmem:s2] =	stream.indirect.scatter.add.bf16 [tilespmem:s19], [sflag:$0x3], $0x80, s28, s17, $0xb8;
	[tilespmem:$0x1D6A0] =	vst v63  }
0x6f: {  	_ =	swait.ge [sflag:s13], $0x2800  }
0x70: {  	[sflag:s13] =	ssyncset.done $0x0  }
0x71: {  	s28 =	simm.s32 $0xA0;
	[sflag:s13] =	ssyncadd.s32 $0xFFFFD800  }
0x72: {  	[tilespmem:s19], [sflag:$0x1] =	stream.indirect.gather [hbm4b:s4+s17], $0x80, s28, s17, $0xb8;
	[tilespmem:$0x1D6A0] =	vst v63  }
0x73: {  	_ =	swait.ge [sflag:s23], $0x2800  }
0x74: {  	[sflag:s23] =	ssyncset.done $0x0  }
0x75: {  	s28 =	simm.s32 $0x2760;
	[sflag:s23] =	ssyncadd.s32 $0xFFFFD800  }
0x76: {  	[spmem:s2] =	stream.indirect.scatter.add.bf16 [tilespmem:s22], [sflag:$0x3], $0x80, s28, s17, $0xb8;
	[tilespmem:$0x1D6A0] =	vst v63  }
0x77: {  	_ =	swait.ge [sflag:s13], $0x2800  }
0x78: {  	[sflag:s13] =	ssyncset.done $0x0  }
0x79: {  	s29 =	simm.s32 $0xF0;
	s28 =	simm.s32 $0x280;
	[sflag:s13] =	ssyncadd.s32 $0xFFFFD800  }
.LBB2_3:
0x7a: {  	[tilespmem:s22], [sflag:$0x2] =	stream.indirect.gather [hbm4b:s4+s17], $0x80, s29, s17, $0xb8;
	[tilespmem:$0x1D6A0] =	vst v63  }
0x7b: {  	s29 =	smov.u32 s28  }
0x7c: {  	p1 =	seq.s32 s28, $0x9600;
	s28 =	sadd.s32 $0x280, s28;
	_ =	swait.ge [sflag:s20], $0x2800  }
0x7d: {  	s29 =	sshra.s32 s29, $0x2;
	[sflag:s20] =	ssyncset.done $0x0  }
0x7e: {  	s30 =	sadd.s32 $0x2710, s29;
	[sflag:s20] =	ssyncadd.s32 $0xFFFFD800  }
0x7f: {  	[spmem:s2] =	stream.indirect.scatter.add.bf16 [tilespmem:s19], [sflag:$0x3], $0x80, s30, s17, $0xb8;
	[tilespmem:$0x1D6A0] =	vst v63  }
0x80: {  	_ =	swait.ge [sflag:s13], $0x2800  }
0x81: {  	[sflag:s13] =	ssyncset.done $0x0  }
0x82: {  	s30 =	sadd.s32 $0xA0, s29;
	[sflag:s13] =	ssyncadd.s32 $0xFFFFD800  }
0x83: {  	[tilespmem:s19], [sflag:$0x1] =	stream.indirect.gather [hbm4b:s4+s17], $0x80, s30, s17, $0xb8;
	[tilespmem:$0x1D6A0] =	vst v63  }
0x84: {  	_ =	swait.ge [sflag:s23], $0x2800  }
0x85: {  	[sflag:s23] =	ssyncset.done $0x0  }
.Ltmp5:
0x86: {  	s30 =	sadd.s32 $0x2760, s29;
	[sflag:s23] =	ssyncadd.s32 $0xFFFFD800;
	(pc) =	sbr.rel @!p1 .LBB2_3-.Ltmp5, $4  }
0x87: {  	[spmem:s2] =	stream.indirect.scatter.add.bf16 [tilespmem:s22], [sflag:$0x3], $0x80, s30, s17, $0xb8;
	[tilespmem:$0x1D6A0] =	vst v63  }
0x88: {  	_ =	swait.ge [sflag:s13], $0x2800  }
0x89: {  	[sflag:s13] =	ssyncset.done $0x0  }
0x8a: {  	s29 =	sadd.s32 $0xF0, s29;
	[sflag:s13] =	ssyncadd.s32 $0xFFFFD800  }
.Ltmp6:
0x8b: {  	(pc) =	sbr.rel .LBB2_8-.Ltmp6, $3  }
0x8c: {  	_ =	sdelay $0x1  }
0x8d: {  	[tilespmem:s22], [sflag:$0x2] =	stream.indirect.gather [hbm4b:s4+s17], $0x80, s29, s17, $0xb8;
	[tilespmem:$0x1D6A0] =	vst v63  }
0x8e: {  	s28 =	smov.u32 s7  }
.LBB2_9:
0x8f: {  	_ =	sfence.sel $0x180000  }
0x90: {  	[bflag:$0x0] =	sbarrier.arrive $0xFFFF  }
0x91: {  	p0 =	sne.s32 s1, $0x0;
	_ =	strace $0x90000047  }
0x92: {  	s0 =	sadd.s32 @!p0 $0x100000, s0;
	[bflag:$0x2] =	sbarrier.arrive $0xFFFF  }
0x93: {  	[sflag:s0] =	ssyncadd.tile.s32 @!p0 $0x1;
	_ =	shalt  }
.Lfunc_end2:
_tile_overlayer_lowered:
.L_overlay_start_2:
0x94: {  	(tag) =	ssettag $0x2  }
0x95: {  	s0 =	rddreg [dreg:$0x0];
	s2 =	stileid.u32  }
0x96: {  	s1 =	rddreg [dreg:$0x1];
	p0 =	sne.s32 s2, $0x0  }
0x97: {  	s3 =	rddreg [dreg:$0x2];
	[bflag:$0x3] =	sbarrier.arrive $0xFFFF;
	s2 =	simm.s32 @!p0 $0x1C03  }
0x98: {  	[timem:s3], [sflag:s2] =	dma.local @!p0 [hbm:s0], s1  }
0x99: {  	s0 =	simm.s32 @!p0 $0x3  }
0x9a: {  	_ =	swait.ge @!p0 [sflag:s0], s1  }
0x9b: {  	s1 =	ssub.s32 @!p0 $0x0, s1;
	[sflag:s0] =	ssyncset.done @!p0 $0x0  }
0x9c: {  	[sflag:s0] =	ssyncadd.s32 @!p0 s1  }
0x9d: {  	[bflag:$0x3] =	sbarrier.arrive $0xFFFF  }
0x9e: {  	_ =	shalt  }

// kernel: kernel.15.cloned.1.call-start
scs
__scs_entry_jumppad:
0x0: {  	(pc) =	sbr.rel $0x88, $3  }
0x1: {  	(tag) =	ssettag $0x0;
	lr =	simm.s32 $0x1  }
0x2: {  	[smem:$0x3F94] =	sst lr;
	_ =	strace $0xD0000000  }
0x3: {  	_ = 	snop  }
0x4: {  	_ = 	snop  }
0x5: {  	_ = 	snop  }
0x6: {  	_ = 	snop  }
0x7: {  	_ = 	snop  }
__scs_overlays_trampoline_lowered:
0x8: {  	[smem:$0x3FA3] =	sst s0  }
0x9: {  	[smem:$0x3FA4] =	sst s1  }
0xa: {  	[smem:$0x3FA5] =	sst s2  }
0xb: {  	[smem:$0x3FA6] =	sst s3  }
0xc: {  	[smem:$0x3FA7] =	sst s4  }
0xd: {  	[smem:$0x3FA8] =	sst s5  }
0xe: {  	[smem:$0x3FA9] =	sst s6  }
0xf: {  	[smem:$0x3FAA] =	sst s7  }
0x10: {  	[smem:$0x3FAB] =	sst s8  }
0x11: {  	[smem:$0x3FAC] =	sst s9;
	s0 =	simm.s32 @!p0 $0x0  }
0x12: {  	s1 =	sld [smem:$0x3F92];
	s0 =	simm.s32 @p0 $0x1  }
0x13: {  	[smem:$0x3FAD] =	sst s0;
	s0 =	simm.s32 @!p1 $0x0  }
0x14: {  	s2 =	sld [smem:$0x3F91];
	s0 =	simm.s32 @p1 $0x1  }
0x15: {  	[smem:$0x3FAE] =	sst s0;
	s0 =	simm.s32 @!p2 $0x0  }
0x16: {  	s3 =	sld [smem:$0x3FDB];
	s0 =	simm.s32 @p2 $0x1  }
0x17: {  	s4 =	simm.s32 $0x1BF5;
	[smem:$0x3FB0] =	sst s0  }
0x18: {  	s0 =	sld [smem:$0x3F93];
	_ =	swait.ge [sflag:s4], $0x0  }
0x19: {  	s7 =	sld [smem:$0x3F94]  }
0x1a: {  	s8 =	sadd.s32 $0xFFFFE003, lr  }
0x1b: {  	s9 =	sadd.s32 $0xFFFFFEF7, lr;
	s5 =	simm.s32 $0xFFFFFFFF;
	p2 =	slt.u32 s8, $0xFFFFF086  }
0x1c: {  	p1 =	slt.u32 s9, $0xF7A;
	s5 =	simm.s32 @!p2 $0x0  }
0x1d: {  	s5 =	simm.s32 @p1 $0x1;
	p0 =	seq.s32 s7, s2  }
0x1e: {  	s7 =	smul.u32 @!p0 $0xF7A, s2;
	p2 =	seq.s32 @!p0 s5, $0x0  }
0x1f: {  	s9 =	smul.u32 $0xF7A, s1;
	s8 =	simm.s32 @!p0 $0x1BF5;
	p2 =	por !p2, p0  }
0x20: {  	[sflag:s8] =	ssyncset.s32 @!p0 $0xFFFFF086;
	s6 =	sadd.s32 @!p0 s3, s7;
	s7 =	simm.s32 @!p0 $0x108  }
0x21: {  	s3 =	sadd.s32 s3, s9;
	s6 =	sadd.s32 @!p0 $0x88, s6;
	s7 =	simm.s32 @p2 $0x1082  }
0x22: {  	[simem:s7], [sflag:s8] =	dma.local @!p0 [hbm:s6], $0xF7A  }
0x23: {  	s9 =	sor.u32 $0xD0000000, s2;
	s6 =	simm.s32 $0x108;
	_ =	swait.ge @!p0 [sflag:s8], $0x0  }
0x24: {  	s3 =	sadd.s32 $0x88, s3;
	s6 =	simm.s32 @!p1 $0x1082;
	[sflag:s4] =	ssyncset.s32 $0xFFFFF086  }
0x25: {  	[simem:s6], [sflag:s4] =	dma.local [hbm:s3], $0xF7A  }
0x26: {  	[smem:$0x3F94] =	sst s1;
	(tag) =	ssettag s2;
	_ =	strace s9  }
0x27: {  	s1 =	sld [smem:$0x3FA4]  }
0x28: {  	s2 =	sld [smem:$0x3FA5]  }
0x29: {  	s4 =	sld [smem:$0x3FA7]  }
0x2a: {  	p0 =	seq.s32 s5, $0x0;
	s5 =	sld [smem:$0x3FA8]  }
0x2b: {  	s6 =	sld [smem:$0x3FA9]  }
0x2c: {  	s7 =	sld [smem:$0x3FAA]  }
0x2d: {  	s3 =	simm.s32 $0x108;
	s8 =	sld [smem:$0x3FAB]  }
0x2e: {  	s3 =	simm.s32 @!p0 $0x1082;
	s9 =	sld [smem:$0x3FAC]  }
0x2f: {  	lr =	sadd.s32 s0, s3;
	s0 =	sld [smem:$0x3FA3]  }
0x30: {  	s3 =	sld [smem:$0x3FA6]  }
0x31: {  	[smem:$0x3FAF] =	sst s10  }
0x32: {  	s10 =	sld [smem:$0x3FAD];
	_ =	sdelay $0x3  }
0x33: {  	p0 =	seq.s32 s10, $0x1;
	s10 =	sld [smem:$0x3FAF];
	_ =	sdelay $0x3  }
0x34: {  	[smem:$0x3FAF] =	sst s10  }
0x35: {  	s10 =	sld [smem:$0x3FAE];
	_ =	sdelay $0x3  }
0x36: {  	p1 =	seq.s32 s10, $0x1;
	s10 =	sld [smem:$0x3FAF];
	_ =	sdelay $0x3  }
0x37: {  	[smem:$0x3FAF] =	sst s10  }
0x38: {  	s10 =	sld [smem:$0x3FB0]  }
0x39: {  	_ = 	snop;
	(pc) =	sbr.ind lr, $3  }
0x3a: {  	_ = 	snop  }
0x3b: {  	_ = 	snop  }
0x3c: {  	p2 =	seq.s32 s10, $0x1;
	s10 =	sld [smem:$0x3FAF]  }
0x3d: {  	_ =	shalt  }
0x3e: {  	_ =	shalt  }
0x3f: {  	_ =	shalt  }
0x40: {  	_ =	shalt  }
0x41: {  	_ =	shalt  }
0x42: {  	_ =	shalt  }
0x43: {  	_ =	shalt  }
0x44: {  	_ =	shalt  }
0x45: {  	_ =	shalt  }
0x46: {  	_ =	shalt  }
0x47: {  	_ =	shalt  }
0x48: {  	_ =	shalt  }
0x49: {  	_ =	shalt  }
0x4a: {  	_ =	shalt  }
0x4b: {  	_ =	shalt  }
0x4c: {  	_ =	shalt  }
0x4d: {  	_ =	shalt  }
0x4e: {  	_ =	shalt  }
0x4f: {  	_ =	shalt  }
0x50: {  	_ =	shalt  }
0x51: {  	_ =	shalt  }
0x52: {  	_ =	shalt  }
0x53: {  	_ =	shalt  }
0x54: {  	_ =	shalt  }
0x55: {  	_ =	shalt  }
0x56: {  	_ =	shalt  }
0x57: {  	_ =	shalt  }
0x58: {  	_ =	shalt  }
0x59: {  	_ =	shalt  }
0x5a: {  	_ =	shalt  }
0x5b: {  	_ =	shalt  }
0x5c: {  	_ =	shalt  }
0x5d: {  	_ =	shalt  }
0x5e: {  	_ =	shalt  }
0x5f: {  	_ =	shalt  }
0x60: {  	_ =	shalt  }
0x61: {  	_ =	shalt  }
0x62: {  	_ =	shalt  }
0x63: {  	_ =	shalt  }
0x64: {  	_ =	shalt  }
0x65: {  	_ =	shalt  }
0x66: {  	_ =	shalt  }
0x67: {  	_ =	shalt  }
0x68: {  	_ =	shalt  }
0x69: {  	_ =	shalt  }
0x6a: {  	_ =	shalt  }
0x6b: {  	_ =	shalt  }
0x6c: {  	_ =	shalt  }
0x6d: {  	_ =	shalt  }
0x6e: {  	_ =	shalt  }
0x6f: {  	_ =	shalt  }
0x70: {  	_ =	shalt  }
0x71: {  	_ =	shalt  }
0x72: {  	_ =	shalt  }
0x73: {  	_ =	shalt  }
0x74: {  	_ =	shalt  }
0x75: {  	_ =	shalt  }
0x76: {  	_ =	shalt  }
0x77: {  	_ =	shalt  }
0x78: {  	_ =	shalt  }
0x79: {  	_ =	shalt  }
0x7a: {  	_ =	shalt  }
0x7b: {  	_ =	shalt  }
0x7c: {  	_ =	shalt  }
0x7d: {  	_ =	shalt  }
0x7e: {  	_ =	shalt  }
0x7f: {  	_ =	shalt  }
0x80: {  	_ =	shalt  }
0x81: {  	_ =	shalt  }
0x82: {  	_ =	shalt  }
0x83: {  	_ =	shalt  }
0x84: {  	_ =	shalt  }
0x85: {  	_ =	shalt  }
0x86: {  	_ =	shalt  }
0x87: {  	_ =	shalt  }
.Lfunc_end0:
.L_simem_size_0:
called_computation.1_lowered:
.L_overlay_start_0:
0x88: {  	s2 =	sld [smem:$0x3FD9]  }
0x89: {  	s3 =	sld [smem:$0x3FFE];
	_ =	sdelay $0x1  }
0x8a: {  	s1 =	srdreg.scid  }
0x8b: {  	s0 =	sand.u32 $0x1, s1  }
0x8c: {  	s16 =	sshll.u32 s0, $0xA;
	s2 =	sadd.s32 s3, s2  }
0x8d: {  	s2 =	sadd.s32 s2, s16  }
0x8e: {  	[smem:$0x3FBB] =	sst s2  }
0x8f: {  	_ = 	snop  }
0x90: {  	(tm) =	ssettm $0x1  }
0x91: {  	s17 =	sld [smem:$0x3FFB];
	_ =	sdelay $0x3  }
0x92: {  	_ =	strace s17  }
0x93: {  	s2 =	sld [smem:$0x3FFC];
	_ =	sdelay $0x3  }
0x94: {  	_ =	strace s2  }
0x95: {  	s2 =	sld [smem:$0x3FFD];
	_ =	sdelay $0x3  }
0x96: {  	_ =	strace s2  }
0x97: {  	_ =	strace $0x8FFFFFFF  }
0x98: {  	s18 =	sld [smem:$0x3FDB];
	_ =	sdelay $0x1  }
0x99: {  	s19 =	simm.s32 $_scs_section_size  }
0x9a: {  	s4 =	simm.s32 $_size__tile_overlayer_lowered;
	s5 =	simm.s32 $_tile_overlayer_lowered  }
0x9b: {  	s22 =	simm.s32 $0x1BFF;
	s21 =	sshll.u32 s5, $0x1;
	s2 =	sadd.s32 s19, s18  }
0x9c: {  	s6 =	simm.s32 $0x0;
	s20 =	sshll.u32 s4, $0x1;
	s4 =	sadd.s32 s21, s2  }
0x9d: {  	[timem:s6], [sflag:s22] =	dma.local [hbm:s4], s20  }
0x9e: {  	_ =	swait.ge [sflag:s22], s20  }
0x9f: {  	s3 =	ssub.s32 $0x0, s20;
	[sflag:s22] =	ssyncset.done $0x0  }
0xa0: {  	[sflag:s22] =	ssyncadd.s32 s3;
	_ =	sdelay $0x1  }
0xa1: {  	s23 =	simm.s32 $0x1B8B  }
0xa2: {  	_ =	swait.ge [sflag:s23], $0x1  }
0xa3: {  	[sflag:s23] =	ssyncset.done $0x0  }
0xa4: {  	s25 =	simm.s32 $0x1B8E;
	s24 =	sld [smem:$0x3FFE];
	[sflag:s23] =	ssyncadd.s32 $0xFFFFFFFF  }
0xa5: {  	s26 =	simm.s32 $execute0_lowered;
	[smem:$0x3FD2] =	sst s25  }
0xa6: {  	s4 =	sshll.u32 s26, $0x1;
	_ =	strace $0x80000049;
	[dreg:$0x1] =	wrdreg $0xFFFFFFFF  }
0xa7: {  	s28 =	simm.s32 $_size_execute0_lowered;
	s2 =	sadd.s32 s2, s4;
	[dreg:$0x0] =	wrdreg $0x0  }
0xa8: {  	s4 =	sshll.u32 s28, $0x1;
	[dreg:$0x2] =	wrdreg s2  }
0xa9: {  	[dreg:$0x3] =	wrdreg s4  }
0xaa: {  	[dreg:$0x4] =	wrdreg $0xC0  }
0xab: {  	_ =	task [dreg:s6], $0x5FFFF  }
0xac: {  	[dreg:$0x1] =	wrdreg $0xFFFFFFFF  }
0xad: {  	[dreg:$0x0] =	wrdreg $0x60  }
0xae: {  	[dreg:$0x2] =	wrdreg s24  }
0xaf: {  	[dreg:$0x3] =	wrdreg $0x9E200  }
0xb0: {  	[dreg:$0x4] =	wrdreg $0x9  }
0xb1: {  	_ =	task.clear_ibuf [dreg:s6], $0x5FFFF;
	_ =	strace $0x90000049  }
0xb2: {  	s29 =	simm.s32 $0x9;
	_ =	strace $0x8000004B  }
0xb3: {  	_ =	swait.ge [sflag:s29], $0x1  }
0xb4: {  	[sflag:s29] =	ssyncadd.s32 $0xFFFFFFFF  }
0xb5: {  	_ =	strace $0x9000004B  }
0xb6: {  	_ =	sfence  }
0xb7: {  	s30 =	sld [smem:$0x0];
	_ =	sdelay $0x2  }
0xb8: {  	s31 =	sshll.u32 s1, $0xD;
	s1 =	sshrl.u32 s1, $0x2  }
0xb9: {  	s3 =	sand.u32 $0x4000, s31;
	s1 =	sadd.s32 s1, s30  }
0xba: {  	s0 =	sor.u32 s3, s0;
	s1 =	sshll.u32 s1, $0x11  }
0xbb: {  	s0 =	sor.u32 s1, s0  }
0xbc: {  	s0 =	sadd.s32 $0x8F2B, s0  }
0xbd: {  	[sflag:s0] =	ssyncadd.remote.s32 $0x1  }
0xbe: {  	_ =	sfence.sel $0xFFFF  }
0xbf: {  	[dreg:$0x0] =	wrdreg $0xFFFFFFFF;
	(pc) =	sbr.abs _section_cstart, $3  }
0xc0: {  	[dreg:$0x1] =	wrdreg $0xFFFFFFFF  }
0xc1: {  	_ =	task.clear_ibuf [dreg:s6], $0x2FFFF;
	_ =	strace $0x9FFFFFFF  }
0xc2: {  	(tm) =	ssettm $0x7FFFFFFF  }
0xc3: {  	_ =	shalt  }
tec
execute0_lowered:
.L_overlay_start_1:
0x0: {  	(tag) =	ssettag $0x1  }
0x1: {  	s8 =	rddreg [dreg:$0x0]  }
0x2: {  	s2 =	rddreg [dreg:$0x1]  }
0x3: {  	s0 =	rddreg [dreg:$0x2];
	s3 =	simm.s32 $0x0;
	s1 =	stileid.u32  }
0x4: {  	s7 =	srdreg.scid;
	s17 =	simm.s32 $0x50;
	s18 =	simm.s32 $0x26C0  }
0x5: {  	s19 =	simm.s32 $0x4E20;
	s20 =	simm.s32 $0x1;
	s21 =	simm.s32 $0x4DD0  }
0x6: {  	s22 =	simm.s32 $0x7620;
	s23 =	simm.s32 $0x2;
	s24 =	simm.s32 $0x4D30  }
0x7: {  	s25 =	simm.s32 $0x4D80;
	s26 =	simm.s32 $0x0;
	s6 =	smul.u32 $0x4E2, s1  }
0x8: {  	[smem:$0x7FF] =	sst s3;
	s11 =	smul.u32 $0x27100, s1;
	s4 =	sadd.s32 $0xAB600, s8  }
0x9: {  	s5 =	sadd.s32 $0x84400, s8;
	s12 =	sand.u32 $0x1, s7;
	s7 =	sadd.s32 $0xD2800, s8  }
0xa: {  	s15 =	sshll.u32 s1, $0x6;
	_ =	strace $0x8000004A;
	s9 =	ssub.s32 $0x2, s12  }
0xb: {  	p0 =	seq.s32 s12, $0x1;
	s15 =	sor.u32 $0x1C03, s15;
	s10 =	sadd.s32 s6, s8  }
.Ltmp0:
0xc: {  	s6 =	sshrl.u32 s11, $0x4;
	s14 =	sshrl.u32 s9, $0x1;
	(pc) =	sbr.rel .LBB2_1-.Ltmp0, $4  }
0xd: {  	s11 =	sshrl.u32 s11, $0x1;
	s13 =	sadd.s32 s6, s8;
	s8 =	sadd.s32 $0xF9A00, s8  }
0xe: {  	s14 =	ssub.s32 s9, s14;
	s9 =	sadd.s32 $0x9E00, s10;
	s10 =	sadd.s32 $0x4E00, s10  }
0xf: {  	s16 =	sadd.s32 s11, s2;
	s11 =	sadd.s32 $0x5D200, s13;
	s12 =	smax.u32 s14, $0x1  }
0x10: {  	s13 =	simm.s32 $0x3;
	s14 =	simm.s32 $0x2710;
	s16 =	sshrl.u32 s16, $0x3  }
.LBB2_7:
0x11: {  	[tilespmem:s22], [sflag:$0x2] =	stream.indirect.gather [hbm4b:s5+s17], $0x80, s29, s17, $0xb8;
	[tilespmem:$0x1D6A0] =	vst v63  }
0x12: {  	s28 =	smov.u32 s8  }
.LBB2_8:
0x13: {  	_ =	swait.ge [sflag:s20], $0x2800  }
0x14: {  	[sflag:s20] =	ssyncset.done $0x0  }
0x15: {  	[sflag:s20] =	ssyncadd.s32 $0xFFFFD800  }
0x16: {  	[spmem:s2] =	stream.indirect.scatter.add.bf16 [tilespmem:s19], [sflag:$0x3], $0x80, s24, s17, $0xb8;
	[tilespmem:$0x1D6A0] =	vst v63  }
0x17: {  	_ =	swait.ge [sflag:s13], $0x2800  }
0x18: {  	[sflag:s13] =	ssyncset.done $0x0  }
0x19: {  	[sflag:s13] =	ssyncadd.s32 $0xFFFFD800  }
0x1a: {  	_ =	swait.ge [sflag:s23], $0x2800  }
0x1b: {  	[sflag:s23] =	ssyncset.done $0x0  }
0x1c: {  	[sflag:s23] =	ssyncadd.s32 $0xFFFFD800  }
0x1d: {  	[spmem:s2] =	stream.indirect.scatter.add.bf16 [tilespmem:s22], [sflag:$0x3], $0x80, s25, s17, $0xb8;
	[tilespmem:$0x1D6A0] =	vst v63  }
0x1e: {  	_ =	swait.ge [sflag:s13], $0x2800  }
0x1f: {  	s26 =	sadd.s32 $0x1, s26;
	[sflag:s13] =	ssyncset.done $0x0  }
0x20: {  	p1 =	sne.s32 s26, s12;
	[sflag:s13] =	ssyncadd.s32 $0xFFFFD800  }
.Ltmp1:
0x21: {  	s28 =	sadd.s32 s28, s6;
	[bflag:$0x0] =	sbarrier.arrive $0xFFFF;
	(pc) =	sbr.rel @!p1 .LBB2_9-.Ltmp1, $4  }
0x22: {  	[hbm:s28], [sflag:s15] =	dma.local [spmem:s16], $0x2710  }
0x23: {  	_ =	swait.ge [sflag:s13], $0x2710  }
0x24: {  	[sflag:s13] =	ssyncset.done $0x0  }
0x25: {  	[sflag:s13] =	ssyncadd.s32 $0xFFFFD8F0  }
.LBB2_1:
0x26: {  	[tilespmem:s3], [sflag:$0x3] =	stream.linear.gather [hbm4b:s9+s3], $0x2710, $0x38;
	[tilespmem:$0x1D6A0] =	vst v63  }
0x27: {  	_ =	swait.ge [sflag:s13], $0x2710  }
0x28: {  	[sflag:s13] =	ssyncset.done $0x0  }
0x29: {  	[sflag:s13] =	ssyncadd.s32 $0xFFFFD8F0  }
0x2a: {  	[tilespmem:s14], [sflag:$0x3] =	stream.linear.gather [hbm4b:s10+s3], $0x2710, $0x38;
	[tilespmem:$0x1D6A0] =	vst v63  }
0x2b: {  	_ =	swait.ge [sflag:s13], $0x2710  }
0x2c: {  	[sflag:s13] =	ssyncset.done $0x0  }
0x2d: {  	[sflag:s13] =	ssyncadd.s32 $0xFFFFD8F0  }
0x2e: {  	[spmem:s16], [sflag:s15] =	dma.local [hbm:s11], $0x2710  }
.Ltmp2:
0x2f: {  	_ =	swait.ge [sflag:s13], $0x2710;
	(pc) =	sbr.rel @!p0 .LBB2_2-.Ltmp2, $3  }
0x30: {  	[sflag:s13] =	ssyncset.done $0x0  }
0x31: {  	[sflag:s13] =	ssyncadd.s32 $0xFFFFD8F0  }
0x32: {  	[bflag:$0x0] =	sbarrier.arrive $0xFFFF;
	_ =	sdelay $0x1  }
0x33: {  	[tilespmem:s19], [sflag:$0x1] =	stream.indirect.gather [hbm4b:s5+s17], $0x80, s18, s17, $0xb8;
	[tilespmem:$0x1D6A0] =	vst v63  }
0x34: {  	_ =	swait.ge [sflag:s20], $0x2800  }
0x35: {  	[sflag:s20] =	ssyncset.done $0x0  }
0x36: {  	[sflag:s20] =	ssyncadd.s32 $0xFFFFD800  }
0x37: {  	[spmem:s2] =	stream.indirect.scatter.add.bf16 [tilespmem:s19], [sflag:$0x3], $0x80, s21, s17, $0xb8;
	[tilespmem:$0x1D6A0] =	vst v63  }
0x38: {  	_ =	swait.ge [sflag:s13], $0x2800  }
0x39: {  	[sflag:s13] =	ssyncset.done $0x0  }
0x3a: {  	s28 =	simm.s32 $0x0;
	[sflag:s13] =	ssyncadd.s32 $0xFFFFD800  }
0x3b: {  	[tilespmem:s19], [sflag:$0x1] =	stream.indirect.gather [hbm4b:s5+s17], $0x80, s28, s17, $0xb8;
	[tilespmem:$0x1D6A0] =	vst v63  }
0x3c: {  	_ = 	snop  }
0x3d: {  	[tilespmem:s22], [sflag:$0x2] =	stream.indirect.gather [hbm4b:s5+s17], $0x80, s17, s17, $0xb8;
	[tilespmem:$0x1D6A0] =	vst v63  }
0x3e: {  	_ =	swait.ge [sflag:s20], $0x2800  }
0x3f: {  	[sflag:s20] =	ssyncset.done $0x0  }
0x40: {  	s28 =	simm.s32 $0x2710;
	[sflag:s20] =	ssyncadd.s32 $0xFFFFD800  }
0x41: {  	[spmem:s2] =	stream.indirect.scatter.add.bf16 [tilespmem:s19], [sflag:$0x3], $0x80, s28, s17, $0xb8;
	[tilespmem:$0x1D6A0] =	vst v63  }
0x42: {  	_ =	swait.ge [sflag:s13], $0x2800  }
0x43: {  	[sflag:s13] =	ssyncset.done $0x0  }
0x44: {  	s28 =	simm.s32 $0xA0;
	[sflag:s13] =	ssyncadd.s32 $0xFFFFD800  }
0x45: {  	[tilespmem:s19], [sflag:$0x1] =	stream.indirect.gather [hbm4b:s5+s17], $0x80, s28, s17, $0xb8;
	[tilespmem:$0x1D6A0] =	vst v63  }
0x46: {  	_ =	swait.ge [sflag:s23], $0x2800  }
0x47: {  	[sflag:s23] =	ssyncset.done $0x0  }
0x48: {  	s28 =	simm.s32 $0x2760;
	[sflag:s23] =	ssyncadd.s32 $0xFFFFD800  }
0x49: {  	[spmem:s2] =	stream.indirect.scatter.add.bf16 [tilespmem:s22], [sflag:$0x3], $0x80, s28, s17, $0xb8;
	[tilespmem:$0x1D6A0] =	vst v63  }
0x4a: {  	_ =	swait.ge [sflag:s13], $0x2800  }
0x4b: {  	[sflag:s13] =	ssyncset.done $0x0  }
0x4c: {  	s29 =	simm.s32 $0xF0;
	s28 =	simm.s32 $0x280;
	[sflag:s13] =	ssyncadd.s32 $0xFFFFD800  }
.LBB2_6:
0x4d: {  	[tilespmem:s22], [sflag:$0x2] =	stream.indirect.gather [hbm4b:s5+s17], $0x80, s29, s17, $0xb8;
	[tilespmem:$0x1D6A0] =	vst v63  }
0x4e: {  	s29 =	smov.u32 s28  }
0x4f: {  	p1 =	sne.s32 s28, $0x9600;
	s28 =	sadd.s32 $0x280, s28;
	_ =	swait.ge [sflag:s20], $0x2800  }
0x50: {  	s29 =	sshra.s32 s29, $0x2;
	[sflag:s20] =	ssyncset.done $0x0  }
0x51: {  	s30 =	sadd.s32 $0x2710, s29;
	[sflag:s20] =	ssyncadd.s32 $0xFFFFD800  }
0x52: {  	[spmem:s2] =	stream.indirect.scatter.add.bf16 [tilespmem:s19], [sflag:$0x3], $0x80, s30, s17, $0xb8;
	[tilespmem:$0x1D6A0] =	vst v63  }
0x53: {  	_ =	swait.ge [sflag:s13], $0x2800  }
0x54: {  	[sflag:s13] =	ssyncset.done $0x0  }
0x55: {  	s30 =	sadd.s32 $0xA0, s29;
	[sflag:s13] =	ssyncadd.s32 $0xFFFFD800  }
0x56: {  	[tilespmem:s19], [sflag:$0x1] =	stream.indirect.gather [hbm4b:s5+s17], $0x80, s30, s17, $0xb8;
	[tilespmem:$0x1D6A0] =	vst v63  }
0x57: {  	_ =	swait.ge [sflag:s23], $0x2800  }
0x58: {  	[sflag:s23] =	ssyncset.done $0x0  }
.Ltmp3:
0x59: {  	s30 =	sadd.s32 $0x2760, s29;
	[sflag:s23] =	ssyncadd.s32 $0xFFFFD800;
	(pc) =	sbr.rel @p1 .LBB2_6-.Ltmp3, $4  }
0x5a: {  	[spmem:s2] =	stream.indirect.scatter.add.bf16 [tilespmem:s22], [sflag:$0x3], $0x80, s30, s17, $0xb8;
	[tilespmem:$0x1D6A0] =	vst v63  }
0x5b: {  	_ =	swait.ge [sflag:s13], $0x2800  }
0x5c: {  	[sflag:s13] =	ssyncset.done $0x0  }
0x5d: {  	s29 =	sadd.s32 $0xF0, s29;
	[sflag:s13] =	ssyncadd.s32 $0xFFFFD800  }
.Ltmp4:
0x5e: {  	_ = 	snop;
	(pc) =	sbr.rel .LBB2_7-.Ltmp4, $1  }
0x5f: {  	_ =	sdelay $0x3  }
.LBB2_2:
0x60: {  	[tilespmem:s19], [sflag:$0x1] =	stream.indirect.gather [hbm4b:s4+s17], $0x80, s18, s17, $0xb8;
	[tilespmem:$0x1D6A0] =	vst v63  }
0x61: {  	_ =	swait.ge [sflag:s20], $0x2800  }
0x62: {  	[sflag:s20] =	ssyncset.done $0x0  }
0x63: {  	[sflag:s20] =	ssyncadd.s32 $0xFFFFD800  }
0x64: {  	[spmem:s2] =	stream.indirect.scatter.add.bf16 [tilespmem:s19], [sflag:$0x3], $0x80, s21, s17, $0xb8;
	[tilespmem:$0x1D6A0] =	vst v63  }
0x65: {  	_ =	swait.ge [sflag:s13], $0x2800  }
0x66: {  	[sflag:s13] =	ssyncset.done $0x0  }
0x67: {  	s28 =	simm.s32 $0x0;
	[sflag:s13] =	ssyncadd.s32 $0xFFFFD800  }
0x68: {  	[tilespmem:s19], [sflag:$0x1] =	stream.indirect.gather [hbm4b:s4+s17], $0x80, s28, s17, $0xb8;
	[tilespmem:$0x1D6A0] =	vst v63  }
0x69: {  	_ = 	snop  }
0x6a: {  	[tilespmem:s22], [sflag:$0x2] =	stream.indirect.gather [hbm4b:s4+s17], $0x80, s17, s17, $0xb8;
	[tilespmem:$0x1D6A0] =	vst v63  }
0x6b: {  	_ =	swait.ge [sflag:s20], $0x2800  }
0x6c: {  	[sflag:s20] =	ssyncset.done $0x0  }
0x6d: {  	s28 =	simm.s32 $0x2710;
	[sflag:s20] =	ssyncadd.s32 $0xFFFFD800  }
0x6e: {  	[spmem:s2] =	stream.indirect.scatter.add.bf16 [tilespmem:s19], [sflag:$0x3], $0x80, s28, s17, $0xb8;
	[tilespmem:$0x1D6A0] =	vst v63  }
0x6f: {  	_ =	swait.ge [sflag:s13], $0x2800  }
0x70: {  	[sflag:s13] =	ssyncset.done $0x0  }
0x71: {  	s28 =	simm.s32 $0xA0;
	[sflag:s13] =	ssyncadd.s32 $0xFFFFD800  }
0x72: {  	[tilespmem:s19], [sflag:$0x1] =	stream.indirect.gather [hbm4b:s4+s17], $0x80, s28, s17, $0xb8;
	[tilespmem:$0x1D6A0] =	vst v63  }
0x73: {  	_ =	swait.ge [sflag:s23], $0x2800  }
0x74: {  	[sflag:s23] =	ssyncset.done $0x0  }
0x75: {  	s28 =	simm.s32 $0x2760;
	[sflag:s23] =	ssyncadd.s32 $0xFFFFD800  }
0x76: {  	[spmem:s2] =	stream.indirect.scatter.add.bf16 [tilespmem:s22], [sflag:$0x3], $0x80, s28, s17, $0xb8;
	[tilespmem:$0x1D6A0] =	vst v63  }
0x77: {  	_ =	swait.ge [sflag:s13], $0x2800  }
0x78: {  	[sflag:s13] =	ssyncset.done $0x0  }
0x79: {  	s29 =	simm.s32 $0xF0;
	s28 =	simm.s32 $0x280;
	[sflag:s13] =	ssyncadd.s32 $0xFFFFD800  }
.LBB2_3:
0x7a: {  	[tilespmem:s22], [sflag:$0x2] =	stream.indirect.gather [hbm4b:s4+s17], $0x80, s29, s17, $0xb8;
	[tilespmem:$0x1D6A0] =	vst v63  }
0x7b: {  	s29 =	smov.u32 s28  }
0x7c: {  	p1 =	seq.s32 s28, $0x9600;
	s28 =	sadd.s32 $0x280, s28;
	_ =	swait.ge [sflag:s20], $0x2800  }
0x7d: {  	s29 =	sshra.s32 s29, $0x2;
	[sflag:s20] =	ssyncset.done $0x0  }
0x7e: {  	s30 =	sadd.s32 $0x2710, s29;
	[sflag:s20] =	ssyncadd.s32 $0xFFFFD800  }
0x7f: {  	[spmem:s2] =	stream.indirect.scatter.add.bf16 [tilespmem:s19], [sflag:$0x3], $0x80, s30, s17, $0xb8;
	[tilespmem:$0x1D6A0] =	vst v63  }
0x80: {  	_ =	swait.ge [sflag:s13], $0x2800  }
0x81: {  	[sflag:s13] =	ssyncset.done $0x0  }
0x82: {  	s30 =	sadd.s32 $0xA0, s29;
	[sflag:s13] =	ssyncadd.s32 $0xFFFFD800  }
0x83: {  	[tilespmem:s19], [sflag:$0x1] =	stream.indirect.gather [hbm4b:s4+s17], $0x80, s30, s17, $0xb8;
	[tilespmem:$0x1D6A0] =	vst v63  }
0x84: {  	_ =	swait.ge [sflag:s23], $0x2800  }
0x85: {  	[sflag:s23] =	ssyncset.done $0x0  }
.Ltmp5:
0x86: {  	s30 =	sadd.s32 $0x2760, s29;
	[sflag:s23] =	ssyncadd.s32 $0xFFFFD800;
	(pc) =	sbr.rel @!p1 .LBB2_3-.Ltmp5, $4  }
0x87: {  	[spmem:s2] =	stream.indirect.scatter.add.bf16 [tilespmem:s22], [sflag:$0x3], $0x80, s30, s17, $0xb8;
	[tilespmem:$0x1D6A0] =	vst v63  }
0x88: {  	_ =	swait.ge [sflag:s13], $0x2800  }
0x89: {  	[sflag:s13] =	ssyncset.done $0x0  }
0x8a: {  	s29 =	sadd.s32 $0xF0, s29;
	[sflag:s13] =	ssyncadd.s32 $0xFFFFD800  }
.Ltmp6:
0x8b: {  	(pc) =	sbr.rel .LBB2_8-.Ltmp6, $3  }
0x8c: {  	_ =	sdelay $0x1  }
0x8d: {  	[tilespmem:s22], [sflag:$0x2] =	stream.indirect.gather [hbm4b:s4+s17], $0x80, s29, s17, $0xb8;
	[tilespmem:$0x1D6A0] =	vst v63  }
0x8e: {  	s28 =	smov.u32 s7  }
.LBB2_9:
0x8f: {  	_ =	sfence.sel $0x180000  }
0x90: {  	[bflag:$0x0] =	sbarrier.arrive $0xFFFF  }
0x91: {  	p0 =	sne.s32 s1, $0x0;
	_ =	strace $0x9000004A  }
0x92: {  	s0 =	sadd.s32 @!p0 $0x100000, s0;
	[bflag:$0x2] =	sbarrier.arrive $0xFFFF  }
0x93: {  	[sflag:s0] =	ssyncadd.tile.s32 @!p0 $0x1;
	_ =	shalt  }
.Lfunc_end2:
_tile_overlayer_lowered:
.L_overlay_start_2:
0x94: {  	(tag) =	ssettag $0x2  }
0x95: {  	s0 =	rddreg [dreg:$0x0];
	s2 =	stileid.u32  }
0x96: {  	s1 =	rddreg [dreg:$0x1];
	p0 =	sne.s32 s2, $0x0  }
0x97: {  	s3 =	rddreg [dreg:$0x2];
	[bflag:$0x3] =	sbarrier.arrive $0xFFFF;
	s2 =	simm.s32 @!p0 $0x1C03  }
0x98: {  	[timem:s3], [sflag:s2] =	dma.local @!p0 [hbm:s0], s1  }
0x99: {  	s0 =	simm.s32 @!p0 $0x3  }
0x9a: {  	_ =	swait.ge @!p0 [sflag:s0], s1  }
0x9b: {  	s1 =	ssub.s32 @!p0 $0x0, s1;
	[sflag:s0] =	ssyncset.done @!p0 $0x0  }
0x9c: {  	[sflag:s0] =	ssyncadd.s32 @!p0 s1  }
0x9d: {  	[bflag:$0x3] =	sbarrier.arrive $0xFFFF  }
0x9e: {  	_ =	shalt  }

// kernel: kernel.18.cloned.1.call-start
scs
__scs_entry_jumppad:
0x0: {  	(pc) =	sbr.rel $0x88, $3  }
0x1: {  	(tag) =	ssettag $0x0;
	lr =	simm.s32 $0x1  }
0x2: {  	[smem:$0x3F94] =	sst lr;
	_ =	strace $0xD0000000  }
0x3: {  	_ = 	snop  }
0x4: {  	_ = 	snop  }
0x5: {  	_ = 	snop  }
0x6: {  	_ = 	snop  }
0x7: {  	_ = 	snop  }
__scs_overlays_trampoline_lowered:
0x8: {  	[smem:$0x3FA3] =	sst s0  }
0x9: {  	[smem:$0x3FA4] =	sst s1  }
0xa: {  	[smem:$0x3FA5] =	sst s2  }
0xb: {  	[smem:$0x3FA6] =	sst s3  }
0xc: {  	[smem:$0x3FA7] =	sst s4  }
0xd: {  	[smem:$0x3FA8] =	sst s5  }
0xe: {  	[smem:$0x3FA9] =	sst s6  }
0xf: {  	[smem:$0x3FAA] =	sst s7  }
0x10: {  	[smem:$0x3FAB] =	sst s8  }
0x11: {  	[smem:$0x3FAC] =	sst s9;
	s0 =	simm.s32 @!p0 $0x0  }
0x12: {  	s1 =	sld [smem:$0x3F92];
	s0 =	simm.s32 @p0 $0x1  }
0x13: {  	[smem:$0x3FAD] =	sst s0;
	s0 =	simm.s32 @!p1 $0x0  }
0x14: {  	s2 =	sld [smem:$0x3F91];
	s0 =	simm.s32 @p1 $0x1  }
0x15: {  	[smem:$0x3FAE] =	sst s0;
	s0 =	simm.s32 @!p2 $0x0  }
0x16: {  	s3 =	sld [smem:$0x3FDB];
	s0 =	simm.s32 @p2 $0x1  }
0x17: {  	s4 =	simm.s32 $0x1BF5;
	[smem:$0x3FB0] =	sst s0  }
0x18: {  	s0 =	sld [smem:$0x3F93];
	_ =	swait.ge [sflag:s4], $0x0  }
0x19: {  	s7 =	sld [smem:$0x3F94]  }
0x1a: {  	s8 =	sadd.s32 $0xFFFFE003, lr  }
0x1b: {  	s9 =	sadd.s32 $0xFFFFFEF7, lr;
	s5 =	simm.s32 $0xFFFFFFFF;
	p2 =	slt.u32 s8, $0xFFFFF086  }
0x1c: {  	p1 =	slt.u32 s9, $0xF7A;
	s5 =	simm.s32 @!p2 $0x0  }
0x1d: {  	s5 =	simm.s32 @p1 $0x1;
	p0 =	seq.s32 s7, s2  }
0x1e: {  	s7 =	smul.u32 @!p0 $0xF7A, s2;
	p2 =	seq.s32 @!p0 s5, $0x0  }
0x1f: {  	s9 =	smul.u32 $0xF7A, s1;
	s8 =	simm.s32 @!p0 $0x1BF5;
	p2 =	por !p2, p0  }
0x20: {  	[sflag:s8] =	ssyncset.s32 @!p0 $0xFFFFF086;
	s6 =	sadd.s32 @!p0 s3, s7;
	s7 =	simm.s32 @!p0 $0x108  }
0x21: {  	s3 =	sadd.s32 s3, s9;
	s6 =	sadd.s32 @!p0 $0x88, s6;
	s7 =	simm.s32 @p2 $0x1082  }
0x22: {  	[simem:s7], [sflag:s8] =	dma.local @!p0 [hbm:s6], $0xF7A  }
0x23: {  	s9 =	sor.u32 $0xD0000000, s2;
	s6 =	simm.s32 $0x108;
	_ =	swait.ge @!p0 [sflag:s8], $0x0  }
0x24: {  	s3 =	sadd.s32 $0x88, s3;
	s6 =	simm.s32 @!p1 $0x1082;
	[sflag:s4] =	ssyncset.s32 $0xFFFFF086  }
0x25: {  	[simem:s6], [sflag:s4] =	dma.local [hbm:s3], $0xF7A  }
0x26: {  	[smem:$0x3F94] =	sst s1;
	(tag) =	ssettag s2;
	_ =	strace s9  }
0x27: {  	s1 =	sld [smem:$0x3FA4]  }
0x28: {  	s2 =	sld [smem:$0x3FA5]  }
0x29: {  	s4 =	sld [smem:$0x3FA7]  }
0x2a: {  	p0 =	seq.s32 s5, $0x0;
	s5 =	sld [smem:$0x3FA8]  }
0x2b: {  	s6 =	sld [smem:$0x3FA9]  }
0x2c: {  	s7 =	sld [smem:$0x3FAA]  }
0x2d: {  	s3 =	simm.s32 $0x108;
	s8 =	sld [smem:$0x3FAB]  }
0x2e: {  	s3 =	simm.s32 @!p0 $0x1082;
	s9 =	sld [smem:$0x3FAC]  }
0x2f: {  	lr =	sadd.s32 s0, s3;
	s0 =	sld [smem:$0x3FA3]  }
0x30: {  	s3 =	sld [smem:$0x3FA6]  }
0x31: {  	[smem:$0x3FAF] =	sst s10  }
0x32: {  	s10 =	sld [smem:$0x3FAD];
	_ =	sdelay $0x3  }
0x33: {  	p0 =	seq.s32 s10, $0x1;
	s10 =	sld [smem:$0x3FAF];
	_ =	sdelay $0x3  }
0x34: {  	[smem:$0x3FAF] =	sst s10  }
0x35: {  	s10 =	sld [smem:$0x3FAE];
	_ =	sdelay $0x3  }
0x36: {  	p1 =	seq.s32 s10, $0x1;
	s10 =	sld [smem:$0x3FAF];
	_ =	sdelay $0x3  }
0x37: {  	[smem:$0x3FAF] =	sst s10  }
0x38: {  	s10 =	sld [smem:$0x3FB0]  }
0x39: {  	_ = 	snop;
	(pc) =	sbr.ind lr, $3  }
0x3a: {  	_ = 	snop  }
0x3b: {  	_ = 	snop  }
0x3c: {  	p2 =	seq.s32 s10, $0x1;
	s10 =	sld [smem:$0x3FAF]  }
0x3d: {  	_ =	shalt  }
0x3e: {  	_ =	shalt  }
0x3f: {  	_ =	shalt  }
0x40: {  	_ =	shalt  }
0x41: {  	_ =	shalt  }
0x42: {  	_ =	shalt  }
0x43: {  	_ =	shalt  }
0x44: {  	_ =	shalt  }
0x45: {  	_ =	shalt  }
0x46: {  	_ =	shalt  }
0x47: {  	_ =	shalt  }
0x48: {  	_ =	shalt  }
0x49: {  	_ =	shalt  }
0x4a: {  	_ =	shalt  }
0x4b: {  	_ =	shalt  }
0x4c: {  	_ =	shalt  }
0x4d: {  	_ =	shalt  }
0x4e: {  	_ =	shalt  }
0x4f: {  	_ =	shalt  }
0x50: {  	_ =	shalt  }
0x51: {  	_ =	shalt  }
0x52: {  	_ =	shalt  }
0x53: {  	_ =	shalt  }
0x54: {  	_ =	shalt  }
0x55: {  	_ =	shalt  }
0x56: {  	_ =	shalt  }
0x57: {  	_ =	shalt  }
0x58: {  	_ =	shalt  }
0x59: {  	_ =	shalt  }
0x5a: {  	_ =	shalt  }
0x5b: {  	_ =	shalt  }
0x5c: {  	_ =	shalt  }
0x5d: {  	_ =	shalt  }
0x5e: {  	_ =	shalt  }
0x5f: {  	_ =	shalt  }
0x60: {  	_ =	shalt  }
0x61: {  	_ =	shalt  }
0x62: {  	_ =	shalt  }
0x63: {  	_ =	shalt  }
0x64: {  	_ =	shalt  }
0x65: {  	_ =	shalt  }
0x66: {  	_ =	shalt  }
0x67: {  	_ =	shalt  }
0x68: {  	_ =	shalt  }
0x69: {  	_ =	shalt  }
0x6a: {  	_ =	shalt  }
0x6b: {  	_ =	shalt  }
0x6c: {  	_ =	shalt  }
0x6d: {  	_ =	shalt  }
0x6e: {  	_ =	shalt  }
0x6f: {  	_ =	shalt  }
0x70: {  	_ =	shalt  }
0x71: {  	_ =	shalt  }
0x72: {  	_ =	shalt  }
0x73: {  	_ =	shalt  }
0x74: {  	_ =	shalt  }
0x75: {  	_ =	shalt  }
0x76: {  	_ =	shalt  }
0x77: {  	_ =	shalt  }
0x78: {  	_ =	shalt  }
0x79: {  	_ =	shalt  }
0x7a: {  	_ =	shalt  }
0x7b: {  	_ =	shalt  }
0x7c: {  	_ =	shalt  }
0x7d: {  	_ =	shalt  }
0x7e: {  	_ =	shalt  }
0x7f: {  	_ =	shalt  }
0x80: {  	_ =	shalt  }
0x81: {  	_ =	shalt  }
0x82: {  	_ =	shalt  }
0x83: {  	_ =	shalt  }
0x84: {  	_ =	shalt  }
0x85: {  	_ =	shalt  }
0x86: {  	_ =	shalt  }
0x87: {  	_ =	shalt  }
.Lfunc_end0:
.L_simem_size_0:
called_computation.2_lowered:
.L_overlay_start_0:
0x88: {  	s2 =	sld [smem:$0x3FD9]  }
0x89: {  	s3 =	sld [smem:$0x3FFE];
	_ =	sdelay $0x1  }
0x8a: {  	s1 =	srdreg.scid  }
0x8b: {  	s0 =	sand.u32 $0x1, s1  }
0x8c: {  	s16 =	sshll.u32 s0, $0xA;
	s2 =	sadd.s32 s3, s2  }
0x8d: {  	s2 =	sadd.s32 s2, s16  }
0x8e: {  	[smem:$0x3FBB] =	sst s2  }
0x8f: {  	_ = 	snop  }
0x90: {  	(tm) =	ssettm $0x1  }
0x91: {  	s17 =	sld [smem:$0x3FFB];
	_ =	sdelay $0x3  }
0x92: {  	_ =	strace s17  }
0x93: {  	s2 =	sld [smem:$0x3FFC];
	_ =	sdelay $0x3  }
0x94: {  	_ =	strace s2  }
0x95: {  	s2 =	sld [smem:$0x3FFD];
	_ =	sdelay $0x3  }
0x96: {  	_ =	strace s2  }
0x97: {  	_ =	strace $0x8FFFFFFF  }
0x98: {  	s18 =	sld [smem:$0x3FDB];
	_ =	sdelay $0x1  }
0x99: {  	s19 =	simm.s32 $_scs_section_size  }
0x9a: {  	s4 =	simm.s32 $_size__tile_overlayer_lowered;
	s5 =	simm.s32 $_tile_overlayer_lowered  }
0x9b: {  	s22 =	simm.s32 $0x1BFF;
	s21 =	sshll.u32 s5, $0x1;
	s2 =	sadd.s32 s19, s18  }
0x9c: {  	s6 =	simm.s32 $0x0;
	s20 =	sshll.u32 s4, $0x1;
	s4 =	sadd.s32 s21, s2  }
0x9d: {  	[timem:s6], [sflag:s22] =	dma.local [hbm:s4], s20  }
0x9e: {  	_ =	swait.ge [sflag:s22], s20  }
0x9f: {  	s3 =	ssub.s32 $0x0, s20;
	[sflag:s22] =	ssyncset.done $0x0  }
0xa0: {  	[sflag:s22] =	ssyncadd.s32 s3;
	_ =	sdelay $0x1  }
0xa1: {  	s23 =	simm.s32 $0x1B8B  }
0xa2: {  	_ =	swait.ge [sflag:s23], $0x1  }
0xa3: {  	[sflag:s23] =	ssyncset.done $0x0  }
0xa4: {  	s25 =	simm.s32 $0x1B8E;
	s24 =	sld [smem:$0x3FFE];
	[sflag:s23] =	ssyncadd.s32 $0xFFFFFFFF  }
0xa5: {  	s26 =	simm.s32 $execute0_lowered;
	[smem:$0x3FD2] =	sst s25  }
0xa6: {  	s4 =	sshll.u32 s26, $0x1;
	_ =	strace $0x8000004C;
	[dreg:$0x1] =	wrdreg $0xFFFFFFFF  }
0xa7: {  	s28 =	simm.s32 $_size_execute0_lowered;
	s2 =	sadd.s32 s2, s4;
	[dreg:$0x0] =	wrdreg $0x0  }
0xa8: {  	s4 =	sshll.u32 s28, $0x1;
	[dreg:$0x2] =	wrdreg s2  }
0xa9: {  	[dreg:$0x3] =	wrdreg s4  }
0xaa: {  	[dreg:$0x4] =	wrdreg $0xC0  }
0xab: {  	_ =	task [dreg:s6], $0x5FFFF  }
0xac: {  	[dreg:$0x1] =	wrdreg $0xFFFFFFFF  }
0xad: {  	[dreg:$0x0] =	wrdreg $0x60  }
0xae: {  	[dreg:$0x2] =	wrdreg s24  }
0xaf: {  	[dreg:$0x3] =	wrdreg $0x9E200  }
0xb0: {  	[dreg:$0x4] =	wrdreg $0x9  }
0xb1: {  	_ =	task.clear_ibuf [dreg:s6], $0x5FFFF;
	_ =	strace $0x9000004C  }
0xb2: {  	s29 =	simm.s32 $0x9;
	_ =	strace $0x8000004E  }
0xb3: {  	_ =	swait.ge [sflag:s29], $0x1  }
0xb4: {  	[sflag:s29] =	ssyncadd.s32 $0xFFFFFFFF  }
0xb5: {  	_ =	strace $0x9000004E  }
0xb6: {  	_ =	sfence  }
0xb7: {  	s30 =	sld [smem:$0x0];
	_ =	sdelay $0x2  }
0xb8: {  	s31 =	sshll.u32 s1, $0xD;
	s1 =	sshrl.u32 s1, $0x2  }
0xb9: {  	s3 =	sand.u32 $0x4000, s31;
	s1 =	sadd.s32 s1, s30  }
0xba: {  	s0 =	sor.u32 s3, s0;
	s1 =	sshll.u32 s1, $0x11  }
0xbb: {  	s0 =	sor.u32 s1, s0  }
0xbc: {  	s0 =	sadd.s32 $0x8F2B, s0  }
0xbd: {  	[sflag:s0] =	ssyncadd.remote.s32 $0x1  }
0xbe: {  	_ =	sfence.sel $0xFFFF  }
0xbf: {  	[dreg:$0x0] =	wrdreg $0xFFFFFFFF;
	(pc) =	sbr.abs _section_cstart, $3  }
0xc0: {  	[dreg:$0x1] =	wrdreg $0xFFFFFFFF  }
0xc1: {  	_ =	task.clear_ibuf [dreg:s6], $0x2FFFF;
	_ =	strace $0x9FFFFFFF  }
0xc2: {  	(tm) =	ssettm $0x7FFFFFFF  }
0xc3: {  	_ =	shalt  }
tec
execute0_lowered:
.L_overlay_start_1:
0x0: {  	(tag) =	ssettag $0x1  }
0x1: {  	s8 =	rddreg [dreg:$0x0]  }
0x2: {  	s2 =	rddreg [dreg:$0x1]  }
0x3: {  	s0 =	rddreg [dreg:$0x2];
	s3 =	simm.s32 $0x0;
	s1 =	stileid.u32  }
0x4: {  	s7 =	srdreg.scid;
	s17 =	simm.s32 $0x50;
	s18 =	simm.s32 $0x26C0  }
0x5: {  	s19 =	simm.s32 $0x4E20;
	s20 =	simm.s32 $0x1;
	s21 =	simm.s32 $0x4DD0  }
0x6: {  	s22 =	simm.s32 $0x7620;
	s23 =	simm.s32 $0x2;
	s24 =	simm.s32 $0x4D30  }
0x7: {  	s25 =	simm.s32 $0x4D80;
	s26 =	simm.s32 $0x0;
	s6 =	smul.u32 $0x4E2, s1  }
0x8: {  	[smem:$0x7FF] =	sst s3;
	s11 =	smul.u32 $0x27100, s1;
	s4 =	sadd.s32 $0x36000, s8  }
0x9: {  	s5 =	sadd.s32 $0xEE00, s8;
	s12 =	sand.u32 $0x1, s7;
	s7 =	sadd.s32 $0xD2600, s8  }
0xa: {  	s15 =	sshll.u32 s1, $0x6;
	_ =	strace $0x8000004D;
	s9 =	ssub.s32 $0x2, s12  }
0xb: {  	p0 =	seq.s32 s12, $0x1;
	s15 =	sor.u32 $0x1C03, s15;
	s10 =	sadd.s32 s6, s8  }
.Ltmp0:
0xc: {  	s6 =	sshrl.u32 s11, $0x4;
	s14 =	sshrl.u32 s9, $0x1;
	(pc) =	sbr.rel .LBB2_1-.Ltmp0, $4  }
0xd: {  	s11 =	sshrl.u32 s11, $0x1;
	s13 =	sadd.s32 s6, s8;
	s8 =	sadd.s32 $0xF9800, s8  }
0xe: {  	s14 =	ssub.s32 s9, s14;
	s9 =	sadd.s32 $0x9E00, s10;
	s10 =	sadd.s32 $0x4E00, s10  }
0xf: {  	s16 =	sadd.s32 s11, s2;
	s11 =	sadd.s32 $0x5D200, s13;
	s12 =	smax.u32 s14, $0x1  }
0x10: {  	s13 =	simm.s32 $0x3;
	s14 =	simm.s32 $0x2710;
	s16 =	sshrl.u32 s16, $0x3  }
.LBB2_7:
0x11: {  	[tilespmem:s22], [sflag:$0x2] =	stream.indirect.gather [hbm4b:s5+s17], $0x80, s29, s17, $0xb8;
	[tilespmem:$0x1D6A0] =	vst v63  }
0x12: {  	s28 =	smov.u32 s8  }
.LBB2_8:
0x13: {  	_ =	swait.ge [sflag:s20], $0x2800  }
0x14: {  	[sflag:s20] =	ssyncset.done $0x0  }
0x15: {  	[sflag:s20] =	ssyncadd.s32 $0xFFFFD800  }
0x16: {  	[spmem:s2] =	stream.indirect.scatter.add.bf16 [tilespmem:s19], [sflag:$0x3], $0x80, s24, s17, $0xb8;
	[tilespmem:$0x1D6A0] =	vst v63  }
0x17: {  	_ =	swait.ge [sflag:s13], $0x2800  }
0x18: {  	[sflag:s13] =	ssyncset.done $0x0  }
0x19: {  	[sflag:s13] =	ssyncadd.s32 $0xFFFFD800  }
0x1a: {  	_ =	swait.ge [sflag:s23], $0x2800  }
0x1b: {  	[sflag:s23] =	ssyncset.done $0x0  }
0x1c: {  	[sflag:s23] =	ssyncadd.s32 $0xFFFFD800  }
0x1d: {  	[spmem:s2] =	stream.indirect.scatter.add.bf16 [tilespmem:s22], [sflag:$0x3], $0x80, s25, s17, $0xb8;
	[tilespmem:$0x1D6A0] =	vst v63  }
0x1e: {  	_ =	swait.ge [sflag:s13], $0x2800  }
0x1f: {  	s26 =	sadd.s32 $0x1, s26;
	[sflag:s13] =	ssyncset.done $0x0  }
0x20: {  	p1 =	sne.s32 s26, s12;
	[sflag:s13] =	ssyncadd.s32 $0xFFFFD800  }
.Ltmp1:
0x21: {  	s28 =	sadd.s32 s28, s6;
	[bflag:$0x0] =	sbarrier.arrive $0xFFFF;
	(pc) =	sbr.rel @!p1 .LBB2_9-.Ltmp1, $4  }
0x22: {  	[hbm:s28], [sflag:s15] =	dma.local [spmem:s16], $0x2710  }
0x23: {  	_ =	swait.ge [sflag:s13], $0x2710  }
0x24: {  	[sflag:s13] =	ssyncset.done $0x0  }
0x25: {  	[sflag:s13] =	ssyncadd.s32 $0xFFFFD8F0  }
.LBB2_1:
0x26: {  	[tilespmem:s3], [sflag:$0x3] =	stream.linear.gather [hbm4b:s9+s3], $0x2710, $0x38;
	[tilespmem:$0x1D6A0] =	vst v63  }
0x27: {  	_ =	swait.ge [sflag:s13], $0x2710  }
0x28: {  	[sflag:s13] =	ssyncset.done $0x0  }
0x29: {  	[sflag:s13] =	ssyncadd.s32 $0xFFFFD8F0  }
0x2a: {  	[tilespmem:s14], [sflag:$0x3] =	stream.linear.gather [hbm4b:s10+s3], $0x2710, $0x38;
	[tilespmem:$0x1D6A0] =	vst v63  }
0x2b: {  	_ =	swait.ge [sflag:s13], $0x2710  }
0x2c: {  	[sflag:s13] =	ssyncset.done $0x0  }
0x2d: {  	[sflag:s13] =	ssyncadd.s32 $0xFFFFD8F0  }
0x2e: {  	[spmem:s16], [sflag:s15] =	dma.local [hbm:s11], $0x2710  }
.Ltmp2:
0x2f: {  	_ =	swait.ge [sflag:s13], $0x2710;
	(pc) =	sbr.rel @!p0 .LBB2_2-.Ltmp2, $3  }
0x30: {  	[sflag:s13] =	ssyncset.done $0x0  }
0x31: {  	[sflag:s13] =	ssyncadd.s32 $0xFFFFD8F0  }
0x32: {  	[bflag:$0x0] =	sbarrier.arrive $0xFFFF;
	_ =	sdelay $0x1  }
0x33: {  	[tilespmem:s19], [sflag:$0x1] =	stream.indirect.gather [hbm4b:s5+s17], $0x80, s18, s17, $0xb8;
	[tilespmem:$0x1D6A0] =	vst v63  }
0x34: {  	_ =	swait.ge [sflag:s20], $0x2800  }
0x35: {  	[sflag:s20] =	ssyncset.done $0x0  }
0x36: {  	[sflag:s20] =	ssyncadd.s32 $0xFFFFD800  }
0x37: {  	[spmem:s2] =	stream.indirect.scatter.add.bf16 [tilespmem:s19], [sflag:$0x3], $0x80, s21, s17, $0xb8;
	[tilespmem:$0x1D6A0] =	vst v63  }
0x38: {  	_ =	swait.ge [sflag:s13], $0x2800  }
0x39: {  	[sflag:s13] =	ssyncset.done $0x0  }
0x3a: {  	s28 =	simm.s32 $0x0;
	[sflag:s13] =	ssyncadd.s32 $0xFFFFD800  }
0x3b: {  	[tilespmem:s19], [sflag:$0x1] =	stream.indirect.gather [hbm4b:s5+s17], $0x80, s28, s17, $0xb8;
	[tilespmem:$0x1D6A0] =	vst v63  }
0x3c: {  	_ = 	snop  }
0x3d: {  	[tilespmem:s22], [sflag:$0x2] =	stream.indirect.gather [hbm4b:s5+s17], $0x80, s17, s17, $0xb8;
	[tilespmem:$0x1D6A0] =	vst v63  }
0x3e: {  	_ =	swait.ge [sflag:s20], $0x2800  }
0x3f: {  	[sflag:s20] =	ssyncset.done $0x0  }
0x40: {  	s28 =	simm.s32 $0x2710;
	[sflag:s20] =	ssyncadd.s32 $0xFFFFD800  }
0x41: {  	[spmem:s2] =	stream.indirect.scatter.add.bf16 [tilespmem:s19], [sflag:$0x3], $0x80, s28, s17, $0xb8;
	[tilespmem:$0x1D6A0] =	vst v63  }
0x42: {  	_ =	swait.ge [sflag:s13], $0x2800  }
0x43: {  	[sflag:s13] =	ssyncset.done $0x0  }
0x44: {  	s28 =	simm.s32 $0xA0;
	[sflag:s13] =	ssyncadd.s32 $0xFFFFD800  }
0x45: {  	[tilespmem:s19], [sflag:$0x1] =	stream.indirect.gather [hbm4b:s5+s17], $0x80, s28, s17, $0xb8;
	[tilespmem:$0x1D6A0] =	vst v63  }
0x46: {  	_ =	swait.ge [sflag:s23], $0x2800  }
0x47: {  	[sflag:s23] =	ssyncset.done $0x0  }
0x48: {  	s28 =	simm.s32 $0x2760;
	[sflag:s23] =	ssyncadd.s32 $0xFFFFD800  }
0x49: {  	[spmem:s2] =	stream.indirect.scatter.add.bf16 [tilespmem:s22], [sflag:$0x3], $0x80, s28, s17, $0xb8;
	[tilespmem:$0x1D6A0] =	vst v63  }
0x4a: {  	_ =	swait.ge [sflag:s13], $0x2800  }
0x4b: {  	[sflag:s13] =	ssyncset.done $0x0  }
0x4c: {  	s29 =	simm.s32 $0xF0;
	s28 =	simm.s32 $0x280;
	[sflag:s13] =	ssyncadd.s32 $0xFFFFD800  }
.LBB2_6:
0x4d: {  	[tilespmem:s22], [sflag:$0x2] =	stream.indirect.gather [hbm4b:s5+s17], $0x80, s29, s17, $0xb8;
	[tilespmem:$0x1D6A0] =	vst v63  }
0x4e: {  	s29 =	smov.u32 s28  }
0x4f: {  	p1 =	sne.s32 s28, $0x9600;
	s28 =	sadd.s32 $0x280, s28;
	_ =	swait.ge [sflag:s20], $0x2800  }
0x50: {  	s29 =	sshra.s32 s29, $0x2;
	[sflag:s20] =	ssyncset.done $0x0  }
0x51: {  	s30 =	sadd.s32 $0x2710, s29;
	[sflag:s20] =	ssyncadd.s32 $0xFFFFD800  }
0x52: {  	[spmem:s2] =	stream.indirect.scatter.add.bf16 [tilespmem:s19], [sflag:$0x3], $0x80, s30, s17, $0xb8;
	[tilespmem:$0x1D6A0] =	vst v63  }
0x53: {  	_ =	swait.ge [sflag:s13], $0x2800  }
0x54: {  	[sflag:s13] =	ssyncset.done $0x0  }
0x55: {  	s30 =	sadd.s32 $0xA0, s29;
	[sflag:s13] =	ssyncadd.s32 $0xFFFFD800  }
0x56: {  	[tilespmem:s19], [sflag:$0x1] =	stream.indirect.gather [hbm4b:s5+s17], $0x80, s30, s17, $0xb8;
	[tilespmem:$0x1D6A0] =	vst v63  }
0x57: {  	_ =	swait.ge [sflag:s23], $0x2800  }
0x58: {  	[sflag:s23] =	ssyncset.done $0x0  }
.Ltmp3:
0x59: {  	s30 =	sadd.s32 $0x2760, s29;
	[sflag:s23] =	ssyncadd.s32 $0xFFFFD800;
	(pc) =	sbr.rel @p1 .LBB2_6-.Ltmp3, $4  }
0x5a: {  	[spmem:s2] =	stream.indirect.scatter.add.bf16 [tilespmem:s22], [sflag:$0x3], $0x80, s30, s17, $0xb8;
	[tilespmem:$0x1D6A0] =	vst v63  }
0x5b: {  	_ =	swait.ge [sflag:s13], $0x2800  }
0x5c: {  	[sflag:s13] =	ssyncset.done $0x0  }
0x5d: {  	s29 =	sadd.s32 $0xF0, s29;
	[sflag:s13] =	ssyncadd.s32 $0xFFFFD800  }
.Ltmp4:
0x5e: {  	_ = 	snop;
	(pc) =	sbr.rel .LBB2_7-.Ltmp4, $1  }
0x5f: {  	_ =	sdelay $0x3  }
.LBB2_2:
0x60: {  	[tilespmem:s19], [sflag:$0x1] =	stream.indirect.gather [hbm4b:s4+s17], $0x80, s18, s17, $0xb8;
	[tilespmem:$0x1D6A0] =	vst v63  }
0x61: {  	_ =	swait.ge [sflag:s20], $0x2800  }
0x62: {  	[sflag:s20] =	ssyncset.done $0x0  }
0x63: {  	[sflag:s20] =	ssyncadd.s32 $0xFFFFD800  }
0x64: {  	[spmem:s2] =	stream.indirect.scatter.add.bf16 [tilespmem:s19], [sflag:$0x3], $0x80, s21, s17, $0xb8;
	[tilespmem:$0x1D6A0] =	vst v63  }
0x65: {  	_ =	swait.ge [sflag:s13], $0x2800  }
0x66: {  	[sflag:s13] =	ssyncset.done $0x0  }
0x67: {  	s28 =	simm.s32 $0x0;
	[sflag:s13] =	ssyncadd.s32 $0xFFFFD800  }
0x68: {  	[tilespmem:s19], [sflag:$0x1] =	stream.indirect.gather [hbm4b:s4+s17], $0x80, s28, s17, $0xb8;
	[tilespmem:$0x1D6A0] =	vst v63  }
0x69: {  	_ = 	snop  }
0x6a: {  	[tilespmem:s22], [sflag:$0x2] =	stream.indirect.gather [hbm4b:s4+s17], $0x80, s17, s17, $0xb8;
	[tilespmem:$0x1D6A0] =	vst v63  }
0x6b: {  	_ =	swait.ge [sflag:s20], $0x2800  }
0x6c: {  	[sflag:s20] =	ssyncset.done $0x0  }
0x6d: {  	s28 =	simm.s32 $0x2710;
	[sflag:s20] =	ssyncadd.s32 $0xFFFFD800  }
0x6e: {  	[spmem:s2] =	stream.indirect.scatter.add.bf16 [tilespmem:s19], [sflag:$0x3], $0x80, s28, s17, $0xb8;
	[tilespmem:$0x1D6A0] =	vst v63  }
0x6f: {  	_ =	swait.ge [sflag:s13], $0x2800  }
0x70: {  	[sflag:s13] =	ssyncset.done $0x0  }
0x71: {  	s28 =	simm.s32 $0xA0;
	[sflag:s13] =	ssyncadd.s32 $0xFFFFD800  }
0x72: {  	[tilespmem:s19], [sflag:$0x1] =	stream.indirect.gather [hbm4b:s4+s17], $0x80, s28, s17, $0xb8;
	[tilespmem:$0x1D6A0] =	vst v63  }
0x73: {  	_ =	swait.ge [sflag:s23], $0x2800  }
0x74: {  	[sflag:s23] =	ssyncset.done $0x0  }
0x75: {  	s28 =	simm.s32 $0x2760;
	[sflag:s23] =	ssyncadd.s32 $0xFFFFD800  }
0x76: {  	[spmem:s2] =	stream.indirect.scatter.add.bf16 [tilespmem:s22], [sflag:$0x3], $0x80, s28, s17, $0xb8;
	[tilespmem:$0x1D6A0] =	vst v63  }
0x77: {  	_ =	swait.ge [sflag:s13], $0x2800  }
0x78: {  	[sflag:s13] =	ssyncset.done $0x0  }
0x79: {  	s29 =	simm.s32 $0xF0;
	s28 =	simm.s32 $0x280;
	[sflag:s13] =	ssyncadd.s32 $0xFFFFD800  }
.LBB2_3:
0x7a: {  	[tilespmem:s22], [sflag:$0x2] =	stream.indirect.gather [hbm4b:s4+s17], $0x80, s29, s17, $0xb8;
	[tilespmem:$0x1D6A0] =	vst v63  }
0x7b: {  	s29 =	smov.u32 s28  }
0x7c: {  	p1 =	seq.s32 s28, $0x9600;
	s28 =	sadd.s32 $0x280, s28;
	_ =	swait.ge [sflag:s20], $0x2800  }
0x7d: {  	s29 =	sshra.s32 s29, $0x2;
	[sflag:s20] =	ssyncset.done $0x0  }
0x7e: {  	s30 =	sadd.s32 $0x2710, s29;
	[sflag:s20] =	ssyncadd.s32 $0xFFFFD800  }
0x7f: {  	[spmem:s2] =	stream.indirect.scatter.add.bf16 [tilespmem:s19], [sflag:$0x3], $0x80, s30, s17, $0xb8;
	[tilespmem:$0x1D6A0] =	vst v63  }
0x80: {  	_ =	swait.ge [sflag:s13], $0x2800  }
0x81: {  	[sflag:s13] =	ssyncset.done $0x0  }
0x82: {  	s30 =	sadd.s32 $0xA0, s29;
	[sflag:s13] =	ssyncadd.s32 $0xFFFFD800  }
0x83: {  	[tilespmem:s19], [sflag:$0x1] =	stream.indirect.gather [hbm4b:s4+s17], $0x80, s30, s17, $0xb8;
	[tilespmem:$0x1D6A0] =	vst v63  }
0x84: {  	_ =	swait.ge [sflag:s23], $0x2800  }
0x85: {  	[sflag:s23] =	ssyncset.done $0x0  }
.Ltmp5:
0x86: {  	s30 =	sadd.s32 $0x2760, s29;
	[sflag:s23] =	ssyncadd.s32 $0xFFFFD800;
	(pc) =	sbr.rel @!p1 .LBB2_3-.Ltmp5, $4  }
0x87: {  	[spmem:s2] =	stream.indirect.scatter.add.bf16 [tilespmem:s22], [sflag:$0x3], $0x80, s30, s17, $0xb8;
	[tilespmem:$0x1D6A0] =	vst v63  }
0x88: {  	_ =	swait.ge [sflag:s13], $0x2800  }
0x89: {  	[sflag:s13] =	ssyncset.done $0x0  }
0x8a: {  	s29 =	sadd.s32 $0xF0, s29;
	[sflag:s13] =	ssyncadd.s32 $0xFFFFD800  }
.Ltmp6:
0x8b: {  	(pc) =	sbr.rel .LBB2_8-.Ltmp6, $3  }
0x8c: {  	_ =	sdelay $0x1  }
0x8d: {  	[tilespmem:s22], [sflag:$0x2] =	stream.indirect.gather [hbm4b:s4+s17], $0x80, s29, s17, $0xb8;
	[tilespmem:$0x1D6A0] =	vst v63  }
0x8e: {  	s28 =	smov.u32 s7  }
.LBB2_9:
0x8f: {  	_ =	sfence.sel $0x180000  }
0x90: {  	[bflag:$0x0] =	sbarrier.arrive $0xFFFF  }
0x91: {  	p0 =	sne.s32 s1, $0x0;
	_ =	strace $0x9000004D  }
0x92: {  	s0 =	sadd.s32 @!p0 $0x100000, s0;
	[bflag:$0x2] =	sbarrier.arrive $0xFFFF  }
0x93: {  	[sflag:s0] =	ssyncadd.tile.s32 @!p0 $0x1;
	_ =	shalt  }
.Lfunc_end2:
_tile_overlayer_lowered:
.L_overlay_start_2:
0x94: {  	(tag) =	ssettag $0x2  }
0x95: {  	s0 =	rddreg [dreg:$0x0];
	s2 =	stileid.u32  }
0x96: {  	s1 =	rddreg [dreg:$0x1];
	p0 =	sne.s32 s2, $0x0  }
0x97: {  	s3 =	rddreg [dreg:$0x2];
	[bflag:$0x3] =	sbarrier.arrive $0xFFFF;
	s2 =	simm.s32 @!p0 $0x1C03  }
0x98: {  	[timem:s3], [sflag:s2] =	dma.local @!p0 [hbm:s0], s1  }
0x99: {  	s0 =	simm.s32 @!p0 $0x3  }
0x9a: {  	_ =	swait.ge @!p0 [sflag:s0], s1  }
0x9b: {  	s1 =	ssub.s32 @!p0 $0x0, s1;
	[sflag:s0] =	ssyncset.done @!p0 $0x0  }
0x9c: {  	[sflag:s0] =	ssyncadd.s32 @!p0 s1  }
0x9d: {  	[bflag:$0x3] =	sbarrier.arrive $0xFFFF  }
0x9e: {  	_ =	shalt  }

</sc_bundles>
